<compile_context>
chip_gen: v7x
topology: tpu7x:2x2x1
jax: 0.10.2.dev20260603
libtpu: 0.0.44.dev20260713+nightly
codegen_flags: <defaults>
</compile_context>

<pallas_src>
import functools

import jax
import jax.numpy as jnp
from jax import lax
from jax.experimental import pallas as pl
from jax.experimental.pallas import tpu as pltpu
from jax.experimental.pallas import tpu_sc as plsc

D_MODEL = 1024
MAXLEN = 2048
B = 4 * 2048
NC, NS, L = 2, 16, 16
NW = NC * NS
BPW = B // NW
CH = 16
NCHUNK = BPW // CH
NB = 6
LOOKAHEAD = 3

_mesh = plsc.VectorSubcoreMesh(core_axis_name="c", subcore_axis_name="s")


@functools.partial(
    pl.kernel,
    mesh=_mesh,
    out_type=[
        jax.ShapeDtypeStruct((B, D_MODEL), jnp.float32),
        jax.ShapeDtypeStruct((B, D_MODEL), jnp.float32),
    ],
    scratch_types=(
        [pltpu.VMEM((BPW,), jnp.int32),
         pltpu.VMEM((BPW,), jnp.int32)]
        + [pltpu.VMEM((CH, D_MODEL), jnp.float32) for _ in range(NB)]
        + [pltpu.SemaphoreType.DMA for _ in range(2 * NB)]
    ),
)
def _emb_lookup(idx_hbm, pe_k_hbm, pe_v_hbm, out_k_hbm, out_v_hbm,
                idx_v, cl_v, *bufs_sems):
    bufs = bufs_sems[:NB]
    gsems = bufs_sems[NB:2 * NB]
    wsems = bufs_sems[2 * NB:]
    wid = lax.axis_index("s") * NC + lax.axis_index("c")
    base = wid * BPW
    pltpu.sync_copy(idx_hbm.at[pl.ds(base, BPW)], idx_v)
    for i in range(BPW // L):
        v = idx_v[pl.ds(i * L, L)]
        cl_v[pl.ds(i * L, L)] = jnp.clip(v, -MAXLEN, MAXLEN - 1) + MAXLEN

    jobs = [t for c in range(NCHUNK)
            for t in ((pe_k_hbm, out_k_hbm, c), (pe_v_hbm, out_v_hbm, c))]
    NJ = len(jobs)

    def gather(j):
        table, _, c = jobs[j]
        s = j % NB
        idx_vec = cl_v[pl.ds(c * CH, CH)]
        return pltpu.async_copy(table.at[idx_vec], bufs[s], gsems[s])

    def writeback(j):
        _, out, c = jobs[j]
        s = j % NB
        return pltpu.async_copy(bufs[s], out.at[pl.ds(base + c * CH, CH)],
                                wsems[s])

    gpend = [None] * NB
    wpend = [None] * NB
    for j in range(NJ + LOOKAHEAD):
        if j < NJ:
            s = j % NB
            if wpend[s] is not None:
                wpend[s].wait()
            gpend[s] = gather(j)
        jj = j - LOOKAHEAD
        if jj >= 0:
            sp = jj % NB
            gpend[sp].wait()
            wpend[sp] = writeback(jj)
    for jj in range(NJ - NB, NJ):
        wpend[jj % NB].wait()


def kernel(pos_seq, pe_k, pe_v):
    shp = pos_seq.shape
    idx = pos_seq.reshape(-1).astype(jnp.int32)
    out_k, out_v = _emb_lookup(idx, pe_k, pe_v)
    return (out_k.reshape(*shp, D_MODEL), out_v.reshape(*shp, D_MODEL))

# --- scband reference (transcript-rebuilt; emitter-appended) ---
"""Pipeline reference for scband-positional-embedding-73933567034171 (READ-ONLY COPY).

The authoritative reference and input builder live on the scoring server;
editing this copy changes nothing except your own understanding.
"""

import jax, jax.numpy as jnp
import numpy as np

D_MODEL = 1024
MAXLEN = 2048


def setup_inputs(seed: int = 0) -> dict:
    key = jax.random.key(seed)
    k1, k2, k3 = jax.random.split(key, 3)
    pos_seq = jax.random.randint(k1, (4, 2048), 0, 2047, dtype=jnp.int64)
    pe_k = jax.random.normal(k2, (2 * MAXLEN, D_MODEL), dtype=jnp.float32)
    pe_v = jax.random.normal(k3, (2 * MAXLEN, D_MODEL), dtype=jnp.float32)
    return {"pos_seq": pos_seq, "pe_k": pe_k, "pe_v": pe_v}


def reference(pos_seq, pe_k, pe_v):
    # clamp to [-maxlen, maxlen-1], shift by +maxlen (as in torch forward)
    ps = jnp.clip(pos_seq, -MAXLEN, MAXLEN - 1) + MAXLEN
    out_k = jnp.take(pe_k, ps, axis=0)
    out_v = jnp.take(pe_v, ps, axis=0)
    return (out_k, out_v)

if __name__ == "__main__":
    import jax
    _d = setup_inputs()
    print(jax.jit(kernel)(*tuple(_d.values())))

</pallas_src>

<mosaic_0001>
#map = affine_map<(d0, d1) -> (0)>
#map1 = affine_map<(d0, d1) -> (0, 0)>
module attributes {stable_mosaic.version = 14 : i64} {
  func.func @_emb_lookup(%arg0: i32, %arg1: i32, %arg2: memref<8192xi32, #tpu.memory_space<hbm>>, %arg3: memref<4096x1024xf32, #tpu.memory_space<hbm>>, %arg4: memref<4096x1024xf32, #tpu.memory_space<hbm>>, %arg5: memref<8192x1024xf32, #tpu.memory_space<hbm>>, %arg6: memref<8192x1024xf32, #tpu.memory_space<hbm>>, %arg7: memref<256xi32, #tpu.memory_space<vmem>>, %arg8: memref<256xi32, #tpu.memory_space<vmem>>, %arg9: memref<16x1024xf32, #tpu.memory_space<vmem>>, %arg10: memref<16x1024xf32, #tpu.memory_space<vmem>>, %arg11: memref<16x1024xf32, #tpu.memory_space<vmem>>, %arg12: memref<16x1024xf32, #tpu.memory_space<vmem>>, %arg13: memref<16x1024xf32, #tpu.memory_space<vmem>>, %arg14: memref<16x1024xf32, #tpu.memory_space<vmem>>, %arg15: memref<!tpu.dma_semaphore, #tpu.memory_space<semaphore_mem>>, %arg16: memref<!tpu.dma_semaphore, #tpu.memory_space<semaphore_mem>>, %arg17: memref<!tpu.dma_semaphore, #tpu.memory_space<semaphore_mem>>, %arg18: memref<!tpu.dma_semaphore, #tpu.memory_space<semaphore_mem>>, %arg19: memref<!tpu.dma_semaphore, #tpu.memory_space<semaphore_mem>>, %arg20: memref<!tpu.dma_semaphore, #tpu.memory_space<semaphore_mem>>, %arg21: memref<!tpu.dma_semaphore, #tpu.memory_space<semaphore_mem>>, %arg22: memref<!tpu.dma_semaphore, #tpu.memory_space<semaphore_mem>>, %arg23: memref<!tpu.dma_semaphore, #tpu.memory_space<semaphore_mem>>, %arg24: memref<!tpu.dma_semaphore, #tpu.memory_space<semaphore_mem>>, %arg25: memref<!tpu.dma_semaphore, #tpu.memory_space<semaphore_mem>>, %arg26: memref<!tpu.dma_semaphore, #tpu.memory_space<semaphore_mem>>) attributes {dimension_semantics = [#tpu.dimension_semantics<core_parallel>, #tpu.dimension_semantics<subcore_parallel>], iteration_bounds = array<i64: 2, 16>, scalar_prefetch = 0 : i64, scratch_operands = 20 : i64, tpu.core_type = #tpu.core_type<sc_vector_subcore>, window_params = [{transform_indices = #map}, {transform_indices = #map1}, {transform_indices = #map1}, {transform_indices = #map1}, {transform_indices = #map1}]} {
    %mul3A = arith.constant 2 : i32
    %mul3A_0 = arith.muli %arg1, %mul3A : i32
    %add3A = arith.addi %mul3A_0, %arg0 : i32
    %mul3A_1 = arith.constant 256 : i32
    %mul3A_2 = arith.muli %add3A, %mul3A_1 : i32
    "tpu.region"() ({
      %run_scoped3A = tpu.sem_alloc : memref<!tpu.dma_semaphore, #tpu.memory_space<semaphore_mem>>
      %dma_start3A_860 = tpu.memref_slice %arg2[%mul3A_2] : memref<8192xi32, #tpu.memory_space<hbm>> -> memref<256xi32, #tpu.memory_space<hbm>>
      %dma_start3A_861 = tpu.memref_slice %arg2[%mul3A_2] : memref<8192xi32, #tpu.memory_space<hbm>> -> memref<256xi32, #tpu.memory_space<hbm>>
      tpu.enqueue_dma source(%dma_start3A_861 : memref<256xi32, #tpu.memory_space<hbm>>) target(%arg7 : memref<256xi32, #tpu.memory_space<vmem>>) target_semaphore(%run_scoped3A : memref<!tpu.dma_semaphore, #tpu.memory_space<semaphore_mem>>)
      %dma_wait3A_862 = tpu.memref_slice %arg2[%mul3A_2] : memref<8192xi32, #tpu.memory_space<hbm>> -> memref<256xi32, #tpu.memory_space<hbm>>
      %dma_wait3A_863 = tpu.memref_slice %arg2[%mul3A_2] : memref<8192xi32, #tpu.memory_space<hbm>> -> memref<256xi32, #tpu.memory_space<hbm>>
      tpu.wait_dma2 semaphore(%run_scoped3A : memref<!tpu.dma_semaphore, #tpu.memory_space<semaphore_mem>>) src(%dma_wait3A_863 : memref<256xi32, #tpu.memory_space<hbm>>) dst(%arg7 : memref<256xi32, #tpu.memory_space<vmem>>)
      tpu.yield
    }) : () -> ()
    %get3A = arith.constant 0 : index
    %get3A_3 = tpu.vector_load %arg7[%get3A] {strides = array<i32>} : memref<256xi32, #tpu.memory_space<vmem>>, vector<16xi32>,
    %get3A_4 = vector.shape_cast %get3A_3 : vector<16xi32> to vector<16xi32>
    %jit3A = arith.constant -2048 : i32
    %jit3A_5 = arith.constant 2047 : i32
    %max3A = vector.broadcast %jit3A : i32 to vector<16xi32>
    %max3A_6 = arith.maxsi %max3A, %get3A_4 : vector<16xi32>
    %min3A = vector.broadcast %jit3A_5 : i32 to vector<16xi32>
    %min3A_7 = arith.minsi %min3A, %max3A_6 : vector<16xi32>
    %add3A_8 = arith.constant 2048 : i32
    %add3A_9 = vector.broadcast %add3A_8 : i32 to vector<16xi32>
    %add3A_10 = arith.addi %min3A_7, %add3A_9 : vector<16xi32>
    %swap3A = arith.constant 0 : index
    %swap3A_11 = tpu.vector_load %arg8[%swap3A] {strides = array<i32>} : memref<256xi32, #tpu.memory_space<vmem>>, vector<16xi32>,
    %swap3A_12 = vector.shape_cast %swap3A_11 : vector<16xi32> to vector<16xi32>
    %swap3A_13 = vector.shape_cast %add3A_10 : vector<16xi32> to vector<16xi32>
    tpu.vector_store %arg8[%swap3A], %swap3A_13 {strides = array<i32>} : memref<256xi32, #tpu.memory_space<vmem>>, vector<16xi32>,
    %get3A_14 = arith.constant 16 : index
    %get3A_15 = tpu.vector_load %arg7[%get3A_14] {strides = array<i32>} : memref<256xi32, #tpu.memory_space<vmem>>, vector<16xi32>,
    %get3A_16 = vector.shape_cast %get3A_15 : vector<16xi32> to vector<16xi32>
    %jit3A_17 = arith.constant -2048 : i32
    %jit3A_18 = arith.constant 2047 : i32
    %max3A_19 = vector.broadcast %jit3A_17 : i32 to vector<16xi32>
    %max3A_20 = arith.maxsi %max3A_19, %get3A_16 : vector<16xi32>
    %min3A_21 = vector.broadcast %jit3A_18 : i32 to vector<16xi32>
    %min3A_22 = arith.minsi %min3A_21, %max3A_20 : vector<16xi32>
    %add3A_23 = arith.constant 2048 : i32
    %add3A_24 = vector.broadcast %add3A_23 : i32 to vector<16xi32>
    %add3A_25 = arith.addi %min3A_22, %add3A_24 : vector<16xi32>
    %swap3A_26 = arith.constant 16 : index
    %swap3A_27 = tpu.vector_load %arg8[%swap3A_26] {strides = array<i32>} : memref<256xi32, #tpu.memory_space<vmem>>, vector<16xi32>,
    %swap3A_28 = vector.shape_cast %swap3A_27 : vector<16xi32> to vector<16xi32>
    %swap3A_29 = vector.shape_cast %add3A_25 : vector<16xi32> to vector<16xi32>
    tpu.vector_store %arg8[%swap3A_26], %swap3A_29 {strides = array<i32>} : memref<256xi32, #tpu.memory_space<vmem>>, vector<16xi32>,
    %get3A_30 = arith.constant 32 : index
    %get3A_31 = tpu.vector_load %arg7[%get3A_30] {strides = array<i32>} : memref<256xi32, #tpu.memory_space<vmem>>, vector<16xi32>,
    %get3A_32 = vector.shape_cast %get3A_31 : vector<16xi32> to vector<16xi32>
    %jit3A_33 = arith.constant -2048 : i32
    %jit3A_34 = arith.constant 2047 : i32
    %max3A_35 = vector.broadcast %jit3A_33 : i32 to vector<16xi32>
    %max3A_36 = arith.maxsi %max3A_35, %get3A_32 : vector<16xi32>
    %min3A_37 = vector.broadcast %jit3A_34 : i32 to vector<16xi32>
    %min3A_38 = arith.minsi %min3A_37, %max3A_36 : vector<16xi32>
    %add3A_39 = arith.constant 2048 : i32
    %add3A_40 = vector.broadcast %add3A_39 : i32 to vector<16xi32>
    %add3A_41 = arith.addi %min3A_38, %add3A_40 : vector<16xi32>
    %swap3A_42 = arith.constant 32 : index
    %swap3A_43 = tpu.vector_load %arg8[%swap3A_42] {strides = array<i32>} : memref<256xi32, #tpu.memory_space<vmem>>, vector<16xi32>,
    %swap3A_44 = vector.shape_cast %swap3A_43 : vector<16xi32> to vector<16xi32>
    %swap3A_45 = vector.shape_cast %add3A_41 : vector<16xi32> to vector<16xi32>
    tpu.vector_store %arg8[%swap3A_42], %swap3A_45 {strides = array<i32>} : memref<256xi32, #tpu.memory_space<vmem>>, vector<16xi32>,
    %get3A_46 = arith.constant 48 : index
    %get3A_47 = tpu.vector_load %arg7[%get3A_46] {strides = array<i32>} : memref<256xi32, #tpu.memory_space<vmem>>, vector<16xi32>,
    %get3A_48 = vector.shape_cast %get3A_47 : vector<16xi32> to vector<16xi32>
    %jit3A_49 = arith.constant -2048 : i32
    %jit3A_50 = arith.constant 2047 : i32
    %max3A_51 = vector.broadcast %jit3A_49 : i32 to vector<16xi32>
    %max3A_52 = arith.maxsi %max3A_51, %get3A_48 : vector<16xi32>
    %min3A_53 = vector.broadcast %jit3A_50 : i32 to vector<16xi32>
    %min3A_54 = arith.minsi %min3A_53, %max3A_52 : vector<16xi32>
    %add3A_55 = arith.constant 2048 : i32
    %add3A_56 = vector.broadcast %add3A_55 : i32 to vector<16xi32>
    %add3A_57 = arith.addi %min3A_54, %add3A_56 : vector<16xi32>
    %swap3A_58 = arith.constant 48 : index
    %swap3A_59 = tpu.vector_load %arg8[%swap3A_58] {strides = array<i32>} : memref<256xi32, #tpu.memory_space<vmem>>, vector<16xi32>,
    %swap3A_60 = vector.shape_cast %swap3A_59 : vector<16xi32> to vector<16xi32>
    %swap3A_61 = vector.shape_cast %add3A_57 : vector<16xi32> to vector<16xi32>
    tpu.vector_store %arg8[%swap3A_58], %swap3A_61 {strides = array<i32>} : memref<256xi32, #tpu.memory_space<vmem>>, vector<16xi32>,
    %get3A_62 = arith.constant 64 : index
    %get3A_63 = tpu.vector_load %arg7[%get3A_62] {strides = array<i32>} : memref<256xi32, #tpu.memory_space<vmem>>, vector<16xi32>,
    %get3A_64 = vector.shape_cast %get3A_63 : vector<16xi32> to vector<16xi32>
    %jit3A_65 = arith.constant -2048 : i32
    %jit3A_66 = arith.constant 2047 : i32
    %max3A_67 = vector.broadcast %jit3A_65 : i32 to vector<16xi32>
    %max3A_68 = arith.maxsi %max3A_67, %get3A_64 : vector<16xi32>
    %min3A_69 = vector.broadcast %jit3A_66 : i32 to vector<16xi32>
    %min3A_70 = arith.minsi %min3A_69, %max3A_68 : vector<16xi32>
    %add3A_71 = arith.constant 2048 : i32
    %add3A_72 = vector.broadcast %add3A_71 : i32 to vector<16xi32>
    %add3A_73 = arith.addi %min3A_70, %add3A_72 : vector<16xi32>
    %swap3A_74 = arith.constant 64 : index
    %swap3A_75 = tpu.vector_load %arg8[%swap3A_74] {strides = array<i32>} : memref<256xi32, #tpu.memory_space<vmem>>, vector<16xi32>,
    %swap3A_76 = vector.shape_cast %swap3A_75 : vector<16xi32> to vector<16xi32>
    %swap3A_77 = vector.shape_cast %add3A_73 : vector<16xi32> to vector<16xi32>
    tpu.vector_store %arg8[%swap3A_74], %swap3A_77 {strides = array<i32>} : memref<256xi32, #tpu.memory_space<vmem>>, vector<16xi32>,
    %get3A_78 = arith.constant 80 : index
    %get3A_79 = tpu.vector_load %arg7[%get3A_78] {strides = array<i32>} : memref<256xi32, #tpu.memory_space<vmem>>, vector<16xi32>,
    %get3A_80 = vector.shape_cast %get3A_79 : vector<16xi32> to vector<16xi32>
    %jit3A_81 = arith.constant -2048 : i32
    %jit3A_82 = arith.constant 2047 : i32
    %max3A_83 = vector.broadcast %jit3A_81 : i32 to vector<16xi32>
    %max3A_84 = arith.maxsi %max3A_83, %get3A_80 : vector<16xi32>
    %min3A_85 = vector.broadcast %jit3A_82 : i32 to vector<16xi32>
    %min3A_86 = arith.minsi %min3A_85, %max3A_84 : vector<16xi32>
    %add3A_87 = arith.constant 2048 : i32
    %add3A_88 = vector.broadcast %add3A_87 : i32 to vector<16xi32>
    %add3A_89 = arith.addi %min3A_86, %add3A_88 : vector<16xi32>
    %swap3A_90 = arith.constant 80 : index
    %swap3A_91 = tpu.vector_load %arg8[%swap3A_90] {strides = array<i32>} : memref<256xi32, #tpu.memory_space<vmem>>, vector<16xi32>,
    %swap3A_92 = vector.shape_cast %swap3A_91 : vector<16xi32> to vector<16xi32>
    %swap3A_93 = vector.shape_cast %add3A_89 : vector<16xi32> to vector<16xi32>
    tpu.vector_store %arg8[%swap3A_90], %swap3A_93 {strides = array<i32>} : memref<256xi32, #tpu.memory_space<vmem>>, vector<16xi32>,
    %get3A_94 = arith.constant 96 : index
    %get3A_95 = tpu.vector_load %arg7[%get3A_94] {strides = array<i32>} : memref<256xi32, #tpu.memory_space<vmem>>, vector<16xi32>,
    %get3A_96 = vector.shape_cast %get3A_95 : vector<16xi32> to vector<16xi32>
    %jit3A_97 = arith.constant -2048 : i32
    %jit3A_98 = arith.constant 2047 : i32
    %max3A_99 = vector.broadcast %jit3A_97 : i32 to vector<16xi32>
    %max3A_100 = arith.maxsi %max3A_99, %get3A_96 : vector<16xi32>
    %min3A_101 = vector.broadcast %jit3A_98 : i32 to vector<16xi32>
    %min3A_102 = arith.minsi %min3A_101, %max3A_100 : vector<16xi32>
    %add3A_103 = arith.constant 2048 : i32
    %add3A_104 = vector.broadcast %add3A_103 : i32 to vector<16xi32>
    %add3A_105 = arith.addi %min3A_102, %add3A_104 : vector<16xi32>
    %swap3A_106 = arith.constant 96 : index
    %swap3A_107 = tpu.vector_load %arg8[%swap3A_106] {strides = array<i32>} : memref<256xi32, #tpu.memory_space<vmem>>, vector<16xi32>,
    %swap3A_108 = vector.shape_cast %swap3A_107 : vector<16xi32> to vector<16xi32>
    %swap3A_109 = vector.shape_cast %add3A_105 : vector<16xi32> to vector<16xi32>
    tpu.vector_store %arg8[%swap3A_106], %swap3A_109 {strides = array<i32>} : memref<256xi32, #tpu.memory_space<vmem>>, vector<16xi32>,
    %get3A_110 = arith.constant 112 : index
    %get3A_111 = tpu.vector_load %arg7[%get3A_110] {strides = array<i32>} : memref<256xi32, #tpu.memory_space<vmem>>, vector<16xi32>,
    %get3A_112 = vector.shape_cast %get3A_111 : vector<16xi32> to vector<16xi32>
    %jit3A_113 = arith.constant -2048 : i32
    %jit3A_114 = arith.constant 2047 : i32
    %max3A_115 = vector.broadcast %jit3A_113 : i32 to vector<16xi32>
    %max3A_116 = arith.maxsi %max3A_115, %get3A_112 : vector<16xi32>
    %min3A_117 = vector.broadcast %jit3A_114 : i32 to vector<16xi32>
    %min3A_118 = arith.minsi %min3A_117, %max3A_116 : vector<16xi32>
    %add3A_119 = arith.constant 2048 : i32
    %add3A_120 = vector.broadcast %add3A_119 : i32 to vector<16xi32>
    %add3A_121 = arith.addi %min3A_118, %add3A_120 : vector<16xi32>
    %swap3A_122 = arith.constant 112 : index
    %swap3A_123 = tpu.vector_load %arg8[%swap3A_122] {strides = array<i32>} : memref<256xi32, #tpu.memory_space<vmem>>, vector<16xi32>,
    %swap3A_124 = vector.shape_cast %swap3A_123 : vector<16xi32> to vector<16xi32>
    %swap3A_125 = vector.shape_cast %add3A_121 : vector<16xi32> to vector<16xi32>
    tpu.vector_store %arg8[%swap3A_122], %swap3A_125 {strides = array<i32>} : memref<256xi32, #tpu.memory_space<vmem>>, vector<16xi32>,
    %get3A_126 = arith.constant 128 : index
    %get3A_127 = tpu.vector_load %arg7[%get3A_126] {strides = array<i32>} : memref<256xi32, #tpu.memory_space<vmem>>, vector<16xi32>,
    %get3A_128 = vector.shape_cast %get3A_127 : vector<16xi32> to vector<16xi32>
    %jit3A_129 = arith.constant -2048 : i32
    %jit3A_130 = arith.constant 2047 : i32
    %max3A_131 = vector.broadcast %jit3A_129 : i32 to vector<16xi32>
    %max3A_132 = arith.maxsi %max3A_131, %get3A_128 : vector<16xi32>
    %min3A_133 = vector.broadcast %jit3A_130 : i32 to vector<16xi32>
    %min3A_134 = arith.minsi %min3A_133, %max3A_132 : vector<16xi32>
    %add3A_135 = arith.constant 2048 : i32
    %add3A_136 = vector.broadcast %add3A_135 : i32 to vector<16xi32>
    %add3A_137 = arith.addi %min3A_134, %add3A_136 : vector<16xi32>
    %swap3A_138 = arith.constant 128 : index
    %swap3A_139 = tpu.vector_load %arg8[%swap3A_138] {strides = array<i32>} : memref<256xi32, #tpu.memory_space<vmem>>, vector<16xi32>,
    %swap3A_140 = vector.shape_cast %swap3A_139 : vector<16xi32> to vector<16xi32>
    %swap3A_141 = vector.shape_cast %add3A_137 : vector<16xi32> to vector<16xi32>
    tpu.vector_store %arg8[%swap3A_138], %swap3A_141 {strides = array<i32>} : memref<256xi32, #tpu.memory_space<vmem>>, vector<16xi32>,
    %get3A_142 = arith.constant 144 : index
    %get3A_143 = tpu.vector_load %arg7[%get3A_142] {strides = array<i32>} : memref<256xi32, #tpu.memory_space<vmem>>, vector<16xi32>,
    %get3A_144 = vector.shape_cast %get3A_143 : vector<16xi32> to vector<16xi32>
    %jit3A_145 = arith.constant -2048 : i32
    %jit3A_146 = arith.constant 2047 : i32
    %max3A_147 = vector.broadcast %jit3A_145 : i32 to vector<16xi32>
    %max3A_148 = arith.maxsi %max3A_147, %get3A_144 : vector<16xi32>
    %min3A_149 = vector.broadcast %jit3A_146 : i32 to vector<16xi32>
    %min3A_150 = arith.minsi %min3A_149, %max3A_148 : vector<16xi32>
    %add3A_151 = arith.constant 2048 : i32
    %add3A_152 = vector.broadcast %add3A_151 : i32 to vector<16xi32>
    %add3A_153 = arith.addi %min3A_150, %add3A_152 : vector<16xi32>
    %swap3A_154 = arith.constant 144 : index
    %swap3A_155 = tpu.vector_load %arg8[%swap3A_154] {strides = array<i32>} : memref<256xi32, #tpu.memory_space<vmem>>, vector<16xi32>,
    %swap3A_156 = vector.shape_cast %swap3A_155 : vector<16xi32> to vector<16xi32>
    %swap3A_157 = vector.shape_cast %add3A_153 : vector<16xi32> to vector<16xi32>
    tpu.vector_store %arg8[%swap3A_154], %swap3A_157 {strides = array<i32>} : memref<256xi32, #tpu.memory_space<vmem>>, vector<16xi32>,
    %get3A_158 = arith.constant 160 : index
    %get3A_159 = tpu.vector_load %arg7[%get3A_158] {strides = array<i32>} : memref<256xi32, #tpu.memory_space<vmem>>, vector<16xi32>,
    %get3A_160 = vector.shape_cast %get3A_159 : vector<16xi32> to vector<16xi32>
    %jit3A_161 = arith.constant -2048 : i32
    %jit3A_162 = arith.constant 2047 : i32
    %max3A_163 = vector.broadcast %jit3A_161 : i32 to vector<16xi32>
    %max3A_164 = arith.maxsi %max3A_163, %get3A_160 : vector<16xi32>
    %min3A_165 = vector.broadcast %jit3A_162 : i32 to vector<16xi32>
    %min3A_166 = arith.minsi %min3A_165, %max3A_164 : vector<16xi32>
    %add3A_167 = arith.constant 2048 : i32
    %add3A_168 = vector.broadcast %add3A_167 : i32 to vector<16xi32>
    %add3A_169 = arith.addi %min3A_166, %add3A_168 : vector<16xi32>
    %swap3A_170 = arith.constant 160 : index
    %swap3A_171 = tpu.vector_load %arg8[%swap3A_170] {strides = array<i32>} : memref<256xi32, #tpu.memory_space<vmem>>, vector<16xi32>,
    %swap3A_172 = vector.shape_cast %swap3A_171 : vector<16xi32> to vector<16xi32>
    %swap3A_173 = vector.shape_cast %add3A_169 : vector<16xi32> to vector<16xi32>
    tpu.vector_store %arg8[%swap3A_170], %swap3A_173 {strides = array<i32>} : memref<256xi32, #tpu.memory_space<vmem>>, vector<16xi32>,
    %get3A_174 = arith.constant 176 : index
    %get3A_175 = tpu.vector_load %arg7[%get3A_174] {strides = array<i32>} : memref<256xi32, #tpu.memory_space<vmem>>, vector<16xi32>,
    %get3A_176 = vector.shape_cast %get3A_175 : vector<16xi32> to vector<16xi32>
    %jit3A_177 = arith.constant -2048 : i32
    %jit3A_178 = arith.constant 2047 : i32
    %max3A_179 = vector.broadcast %jit3A_177 : i32 to vector<16xi32>
    %max3A_180 = arith.maxsi %max3A_179, %get3A_176 : vector<16xi32>
    %min3A_181 = vector.broadcast %jit3A_178 : i32 to vector<16xi32>
    %min3A_182 = arith.minsi %min3A_181, %max3A_180 : vector<16xi32>
    %add3A_183 = arith.constant 2048 : i32
    %add3A_184 = vector.broadcast %add3A_183 : i32 to vector<16xi32>
    %add3A_185 = arith.addi %min3A_182, %add3A_184 : vector<16xi32>
    %swap3A_186 = arith.constant 176 : index
    %swap3A_187 = tpu.vector_load %arg8[%swap3A_186] {strides = array<i32>} : memref<256xi32, #tpu.memory_space<vmem>>, vector<16xi32>,
    %swap3A_188 = vector.shape_cast %swap3A_187 : vector<16xi32> to vector<16xi32>
    %swap3A_189 = vector.shape_cast %add3A_185 : vector<16xi32> to vector<16xi32>
    tpu.vector_store %arg8[%swap3A_186], %swap3A_189 {strides = array<i32>} : memref<256xi32, #tpu.memory_space<vmem>>, vector<16xi32>,
    %get3A_190 = arith.constant 192 : index
    %get3A_191 = tpu.vector_load %arg7[%get3A_190] {strides = array<i32>} : memref<256xi32, #tpu.memory_space<vmem>>, vector<16xi32>,
    %get3A_192 = vector.shape_cast %get3A_191 : vector<16xi32> to vector<16xi32>
    %jit3A_193 = arith.constant -2048 : i32
    %jit3A_194 = arith.constant 2047 : i32
    %max3A_195 = vector.broadcast %jit3A_193 : i32 to vector<16xi32>
    %max3A_196 = arith.maxsi %max3A_195, %get3A_192 : vector<16xi32>
    %min3A_197 = vector.broadcast %jit3A_194 : i32 to vector<16xi32>
    %min3A_198 = arith.minsi %min3A_197, %max3A_196 : vector<16xi32>
    %add3A_199 = arith.constant 2048 : i32
    %add3A_200 = vector.broadcast %add3A_199 : i32 to vector<16xi32>
    %add3A_201 = arith.addi %min3A_198, %add3A_200 : vector<16xi32>
    %swap3A_202 = arith.constant 192 : index
    %swap3A_203 = tpu.vector_load %arg8[%swap3A_202] {strides = array<i32>} : memref<256xi32, #tpu.memory_space<vmem>>, vector<16xi32>,
    %swap3A_204 = vector.shape_cast %swap3A_203 : vector<16xi32> to vector<16xi32>
    %swap3A_205 = vector.shape_cast %add3A_201 : vector<16xi32> to vector<16xi32>
    tpu.vector_store %arg8[%swap3A_202], %swap3A_205 {strides = array<i32>} : memref<256xi32, #tpu.memory_space<vmem>>, vector<16xi32>,
    %get3A_206 = arith.constant 208 : index
    %get3A_207 = tpu.vector_load %arg7[%get3A_206] {strides = array<i32>} : memref<256xi32, #tpu.memory_space<vmem>>, vector<16xi32>,
    %get3A_208 = vector.shape_cast %get3A_207 : vector<16xi32> to vector<16xi32>
    %jit3A_209 = arith.constant -2048 : i32
    %jit3A_210 = arith.constant 2047 : i32
    %max3A_211 = vector.broadcast %jit3A_209 : i32 to vector<16xi32>
    %max3A_212 = arith.maxsi %max3A_211, %get3A_208 : vector<16xi32>
    %min3A_213 = vector.broadcast %jit3A_210 : i32 to vector<16xi32>
    %min3A_214 = arith.minsi %min3A_213, %max3A_212 : vector<16xi32>
    %add3A_215 = arith.constant 2048 : i32
    %add3A_216 = vector.broadcast %add3A_215 : i32 to vector<16xi32>
    %add3A_217 = arith.addi %min3A_214, %add3A_216 : vector<16xi32>
    %swap3A_218 = arith.constant 208 : index
    %swap3A_219 = tpu.vector_load %arg8[%swap3A_218] {strides = array<i32>} : memref<256xi32, #tpu.memory_space<vmem>>, vector<16xi32>,
    %swap3A_220 = vector.shape_cast %swap3A_219 : vector<16xi32> to vector<16xi32>
    %swap3A_221 = vector.shape_cast %add3A_217 : vector<16xi32> to vector<16xi32>
    tpu.vector_store %arg8[%swap3A_218], %swap3A_221 {strides = array<i32>} : memref<256xi32, #tpu.memory_space<vmem>>, vector<16xi32>,
    %get3A_222 = arith.constant 224 : index
    %get3A_223 = tpu.vector_load %arg7[%get3A_222] {strides = array<i32>} : memref<256xi32, #tpu.memory_space<vmem>>, vector<16xi32>,
    %get3A_224 = vector.shape_cast %get3A_223 : vector<16xi32> to vector<16xi32>
    %jit3A_225 = arith.constant -2048 : i32
    %jit3A_226 = arith.constant 2047 : i32
    %max3A_227 = vector.broadcast %jit3A_225 : i32 to vector<16xi32>
    %max3A_228 = arith.maxsi %max3A_227, %get3A_224 : vector<16xi32>
    %min3A_229 = vector.broadcast %jit3A_226 : i32 to vector<16xi32>
    %min3A_230 = arith.minsi %min3A_229, %max3A_228 : vector<16xi32>
    %add3A_231 = arith.constant 2048 : i32
    %add3A_232 = vector.broadcast %add3A_231 : i32 to vector<16xi32>
    %add3A_233 = arith.addi %min3A_230, %add3A_232 : vector<16xi32>
    %swap3A_234 = arith.constant 224 : index
    %swap3A_235 = tpu.vector_load %arg8[%swap3A_234] {strides = array<i32>} : memref<256xi32, #tpu.memory_space<vmem>>, vector<16xi32>,
    %swap3A_236 = vector.shape_cast %swap3A_235 : vector<16xi32> to vector<16xi32>
    %swap3A_237 = vector.shape_cast %add3A_233 : vector<16xi32> to vector<16xi32>
    tpu.vector_store %arg8[%swap3A_234], %swap3A_237 {strides = array<i32>} : memref<256xi32, #tpu.memory_space<vmem>>, vector<16xi32>,
    %get3A_238 = arith.constant 240 : index
    %get3A_239 = tpu.vector_load %arg7[%get3A_238] {strides = array<i32>} : memref<256xi32, #tpu.memory_space<vmem>>, vector<16xi32>,
    %get3A_240 = vector.shape_cast %get3A_239 : vector<16xi32> to vector<16xi32>
    %jit3A_241 = arith.constant -2048 : i32
    %jit3A_242 = arith.constant 2047 : i32
    %max3A_243 = vector.broadcast %jit3A_241 : i32 to vector<16xi32>
    %max3A_244 = arith.maxsi %max3A_243, %get3A_240 : vector<16xi32>
    %min3A_245 = vector.broadcast %jit3A_242 : i32 to vector<16xi32>
    %min3A_246 = arith.minsi %min3A_245, %max3A_244 : vector<16xi32>
    %add3A_247 = arith.constant 2048 : i32
    %add3A_248 = vector.broadcast %add3A_247 : i32 to vector<16xi32>
    %add3A_249 = arith.addi %min3A_246, %add3A_248 : vector<16xi32>
    %swap3A_250 = arith.constant 240 : index
    %swap3A_251 = tpu.vector_load %arg8[%swap3A_250] {strides = array<i32>} : memref<256xi32, #tpu.memory_space<vmem>>, vector<16xi32>,
    %swap3A_252 = vector.shape_cast %swap3A_251 : vector<16xi32> to vector<16xi32>
    %swap3A_253 = vector.shape_cast %add3A_249 : vector<16xi32> to vector<16xi32>
    tpu.vector_store %arg8[%swap3A_250], %swap3A_253 {strides = array<i32>} : memref<256xi32, #tpu.memory_space<vmem>>, vector<16xi32>,
    %get3A_254 = arith.constant 0 : index
    %get3A_255 = tpu.vector_load %arg8[%get3A_254] {strides = array<i32>} : memref<256xi32, #tpu.memory_space<vmem>>, vector<16xi32>,
    %get3A_256 = vector.shape_cast %get3A_255 : vector<16xi32> to vector<16xi32>
    %dma_start3A = arith.constant 0 : i32
    %dma_start3A_257 = arith.constant 0 : i32
    %dma_start3A_258 = tpu.memref_slice %arg3[%dma_start3A, %dma_start3A_257] : memref<4096x1024xf32, #tpu.memory_space<hbm>> -> memref<4096x1024xf32, #tpu.memory_space<hbm>>
    tpu.enqueue_indirect_dma source(%dma_start3A_258 : memref<4096x1024xf32, #tpu.memory_space<hbm>>) target(%arg9 : memref<16x1024xf32, #tpu.memory_space<vmem>>) offsets(%get3A_256 : vector<16xi32>) semaphore(%arg15 : memref<!tpu.dma_semaphore, #tpu.memory_space<semaphore_mem>>)
    %get3A_259 = arith.constant 0 : index
    %get3A_260 = tpu.vector_load %arg8[%get3A_259] {strides = array<i32>} : memref<256xi32, #tpu.memory_space<vmem>>, vector<16xi32>,
    %get3A_261 = vector.shape_cast %get3A_260 : vector<16xi32> to vector<16xi32>
    %dma_start3A_262 = arith.constant 0 : i32
    %dma_start3A_263 = arith.constant 0 : i32
    %dma_start3A_264 = tpu.memref_slice %arg4[%dma_start3A_262, %dma_start3A_263] : memref<4096x1024xf32, #tpu.memory_space<hbm>> -> memref<4096x1024xf32, #tpu.memory_space<hbm>>
    tpu.enqueue_indirect_dma source(%dma_start3A_264 : memref<4096x1024xf32, #tpu.memory_space<hbm>>) target(%arg10 : memref<16x1024xf32, #tpu.memory_space<vmem>>) offsets(%get3A_261 : vector<16xi32>) semaphore(%arg16 : memref<!tpu.dma_semaphore, #tpu.memory_space<semaphore_mem>>)
    %get3A_265 = arith.constant 16 : index
    %get3A_266 = tpu.vector_load %arg8[%get3A_265] {strides = array<i32>} : memref<256xi32, #tpu.memory_space<vmem>>, vector<16xi32>,
    %get3A_267 = vector.shape_cast %get3A_266 : vector<16xi32> to vector<16xi32>
    %dma_start3A_268 = arith.constant 0 : i32
    %dma_start3A_269 = arith.constant 0 : i32
    %dma_start3A_270 = tpu.memref_slice %arg3[%dma_start3A_268, %dma_start3A_269] : memref<4096x1024xf32, #tpu.memory_space<hbm>> -> memref<4096x1024xf32, #tpu.memory_space<hbm>>
    tpu.enqueue_indirect_dma source(%dma_start3A_270 : memref<4096x1024xf32, #tpu.memory_space<hbm>>) target(%arg11 : memref<16x1024xf32, #tpu.memory_space<vmem>>) offsets(%get3A_267 : vector<16xi32>) semaphore(%arg17 : memref<!tpu.dma_semaphore, #tpu.memory_space<semaphore_mem>>)
    %get3A_271 = arith.constant 16 : index
    %get3A_272 = tpu.vector_load %arg8[%get3A_271] {strides = array<i32>} : memref<256xi32, #tpu.memory_space<vmem>>, vector<16xi32>,
    %get3A_273 = vector.shape_cast %get3A_272 : vector<16xi32> to vector<16xi32>
    %dma_start3A_274 = arith.constant 0 : i32
    %dma_start3A_275 = arith.constant 0 : i32
    %dma_start3A_276 = tpu.memref_slice %arg4[%dma_start3A_274, %dma_start3A_275] : memref<4096x1024xf32, #tpu.memory_space<hbm>> -> memref<4096x1024xf32, #tpu.memory_space<hbm>>
    tpu.enqueue_indirect_dma source(%dma_start3A_276 : memref<4096x1024xf32, #tpu.memory_space<hbm>>) target(%arg12 : memref<16x1024xf32, #tpu.memory_space<vmem>>) offsets(%get3A_273 : vector<16xi32>) semaphore(%arg18 : memref<!tpu.dma_semaphore, #tpu.memory_space<semaphore_mem>>)
    %dma_wait3A = arith.constant 0 : i32
    %dma_wait3A_277 = arith.constant 0 : i32
    %dma_wait3A_278 = tpu.memref_slice %arg3[%dma_wait3A, %dma_wait3A_277] : memref<4096x1024xf32, #tpu.memory_space<hbm>> -> memref<4096x1024xf32, #tpu.memory_space<hbm>>
    tpu.wait_indirect_dma semaphore(%arg15 : memref<!tpu.dma_semaphore, #tpu.memory_space<semaphore_mem>>) src(%dma_wait3A_278 : memref<4096x1024xf32, #tpu.memory_space<hbm>>) dst(%arg9 : memref<16x1024xf32, #tpu.memory_space<vmem>>)
    %add3A_279 = arith.constant 0 : i32
    %add3A_280 = arith.addi %mul3A_2, %add3A_279 : i32
    %dma_start3A_281 = arith.constant 0 : i32
    %dma_start3A_282 = tpu.memref_slice %arg5[%add3A_280, %dma_start3A_281] : memref<8192x1024xf32, #tpu.memory_space<hbm>> -> memref<16x1024xf32, #tpu.memory_space<hbm>>
    %dma_start3A_283 = arith.constant 0 : i32
    %dma_start3A_284 = tpu.memref_slice %arg5[%add3A_280, %dma_start3A_283] : memref<8192x1024xf32, #tpu.memory_space<hbm>> -> memref<16x1024xf32, #tpu.memory_space<hbm>>
    tpu.enqueue_dma source(%arg9 : memref<16x1024xf32, #tpu.memory_space<vmem>>) target(%dma_start3A_284 : memref<16x1024xf32, #tpu.memory_space<hbm>>) target_semaphore(%arg21 : memref<!tpu.dma_semaphore, #tpu.memory_space<semaphore_mem>>)
    %get3A_285 = arith.constant 32 : index
    %get3A_286 = tpu.vector_load %arg8[%get3A_285] {strides = array<i32>} : memref<256xi32, #tpu.memory_space<vmem>>, vector<16xi32>,
    %get3A_287 = vector.shape_cast %get3A_286 : vector<16xi32> to vector<16xi32>
    %dma_start3A_288 = arith.constant 0 : i32
    %dma_start3A_289 = arith.constant 0 : i32
    %dma_start3A_290 = tpu.memref_slice %arg3[%dma_start3A_288, %dma_start3A_289] : memref<4096x1024xf32, #tpu.memory_space<hbm>> -> memref<4096x1024xf32, #tpu.memory_space<hbm>>
    tpu.enqueue_indirect_dma source(%dma_start3A_290 : memref<4096x1024xf32, #tpu.memory_space<hbm>>) target(%arg13 : memref<16x1024xf32, #tpu.memory_space<vmem>>) offsets(%get3A_287 : vector<16xi32>) semaphore(%arg19 : memref<!tpu.dma_semaphore, #tpu.memory_space<semaphore_mem>>)
    %dma_wait3A_291 = arith.constant 0 : i32
    %dma_wait3A_292 = arith.constant 0 : i32
    %dma_wait3A_293 = tpu.memref_slice %arg4[%dma_wait3A_291, %dma_wait3A_292] : memref<4096x1024xf32, #tpu.memory_space<hbm>> -> memref<4096x1024xf32, #tpu.memory_space<hbm>>
    tpu.wait_indirect_dma semaphore(%arg16 : memref<!tpu.dma_semaphore, #tpu.memory_space<semaphore_mem>>) src(%dma_wait3A_293 : memref<4096x1024xf32, #tpu.memory_space<hbm>>) dst(%arg10 : memref<16x1024xf32, #tpu.memory_space<vmem>>)
    %add3A_294 = arith.constant 0 : i32
    %add3A_295 = arith.addi %mul3A_2, %add3A_294 : i32
    %dma_start3A_296 = arith.constant 0 : i32
    %dma_start3A_297 = tpu.memref_slice %arg6[%add3A_295, %dma_start3A_296] : memref<8192x1024xf32, #tpu.memory_space<hbm>> -> memref<16x1024xf32, #tpu.memory_space<hbm>>
    %dma_start3A_298 = arith.constant 0 : i32
    %dma_start3A_299 = tpu.memref_slice %arg6[%add3A_295, %dma_start3A_298] : memref<8192x1024xf32, #tpu.memory_space<hbm>> -> memref<16x1024xf32, #tpu.memory_space<hbm>>
    tpu.enqueue_dma source(%arg10 : memref<16x1024xf32, #tpu.memory_space<vmem>>) target(%dma_start3A_299 : memref<16x1024xf32, #tpu.memory_space<hbm>>) target_semaphore(%arg22 : memref<!tpu.dma_semaphore, #tpu.memory_space<semaphore_mem>>)
    %get3A_300 = arith.constant 32 : index
    %get3A_301 = tpu.vector_load %arg8[%get3A_300] {strides = array<i32>} : memref<256xi32, #tpu.memory_space<vmem>>, vector<16xi32>,
    %get3A_302 = vector.shape_cast %get3A_301 : vector<16xi32> to vector<16xi32>
    %dma_start3A_303 = arith.constant 0 : i32
    %dma_start3A_304 = arith.constant 0 : i32
    %dma_start3A_305 = tpu.memref_slice %arg4[%dma_start3A_303, %dma_start3A_304] : memref<4096x1024xf32, #tpu.memory_space<hbm>> -> memref<4096x1024xf32, #tpu.memory_space<hbm>>
    tpu.enqueue_indirect_dma source(%dma_start3A_305 : memref<4096x1024xf32, #tpu.memory_space<hbm>>) target(%arg14 : memref<16x1024xf32, #tpu.memory_space<vmem>>) offsets(%get3A_302 : vector<16xi32>) semaphore(%arg20 : memref<!tpu.dma_semaphore, #tpu.memory_space<semaphore_mem>>)
    %dma_wait3A_306 = arith.constant 0 : i32
    %dma_wait3A_307 = arith.constant 0 : i32
    %dma_wait3A_308 = tpu.memref_slice %arg3[%dma_wait3A_306, %dma_wait3A_307] : memref<4096x1024xf32, #tpu.memory_space<hbm>> -> memref<4096x1024xf32, #tpu.memory_space<hbm>>
    tpu.wait_indirect_dma semaphore(%arg17 : memref<!tpu.dma_semaphore, #tpu.memory_space<semaphore_mem>>) src(%dma_wait3A_308 : memref<4096x1024xf32, #tpu.memory_space<hbm>>) dst(%arg11 : memref<16x1024xf32, #tpu.memory_space<vmem>>)
    %add3A_309 = arith.constant 16 : i32
    %add3A_310 = arith.addi %mul3A_2, %add3A_309 : i32
    %dma_start3A_311 = arith.constant 0 : i32
    %dma_start3A_312 = tpu.memref_slice %arg5[%add3A_310, %dma_start3A_311] : memref<8192x1024xf32, #tpu.memory_space<hbm>> -> memref<16x1024xf32, #tpu.memory_space<hbm>>
    %dma_start3A_313 = arith.constant 0 : i32
    %dma_start3A_314 = tpu.memref_slice %arg5[%add3A_310, %dma_start3A_313] : memref<8192x1024xf32, #tpu.memory_space<hbm>> -> memref<16x1024xf32, #tpu.memory_space<hbm>>
    tpu.enqueue_dma source(%arg11 : memref<16x1024xf32, #tpu.memory_space<vmem>>) target(%dma_start3A_314 : memref<16x1024xf32, #tpu.memory_space<hbm>>) target_semaphore(%arg23 : memref<!tpu.dma_semaphore, #tpu.memory_space<semaphore_mem>>)
    %dma_wait3A_315 = arith.constant 0 : i32
    %dma_wait3A_316 = tpu.memref_slice %arg5[%add3A_280, %dma_wait3A_315] : memref<8192x1024xf32, #tpu.memory_space<hbm>> -> memref<16x1024xf32, #tpu.memory_space<hbm>>
    %dma_wait3A_317 = arith.constant 0 : i32
    %dma_wait3A_318 = tpu.memref_slice %arg5[%add3A_280, %dma_wait3A_317] : memref<8192x1024xf32, #tpu.memory_space<hbm>> -> memref<16x1024xf32, #tpu.memory_space<hbm>>
    tpu.wait_dma2 semaphore(%arg21 : memref<!tpu.dma_semaphore, #tpu.memory_space<semaphore_mem>>) src(%arg9 : memref<16x1024xf32, #tpu.memory_space<vmem>>) dst(%dma_wait3A_318 : memref<16x1024xf32, #tpu.memory_space<hbm>>)
    %get3A_319 = arith.constant 48 : index
    %get3A_320 = tpu.vector_load %arg8[%get3A_319] {strides = array<i32>} : memref<256xi32, #tpu.memory_space<vmem>>, vector<16xi32>,
    %get3A_321 = vector.shape_cast %get3A_320 : vector<16xi32> to vector<16xi32>
    %dma_start3A_322 = arith.constant 0 : i32
    %dma_start3A_323 = arith.constant 0 : i32
    %dma_start3A_324 = tpu.memref_slice %arg3[%dma_start3A_322, %dma_start3A_323] : memref<4096x1024xf32, #tpu.memory_space<hbm>> -> memref<4096x1024xf32, #tpu.memory_space<hbm>>
    tpu.enqueue_indirect_dma source(%dma_start3A_324 : memref<4096x1024xf32, #tpu.memory_space<hbm>>) target(%arg9 : memref<16x1024xf32, #tpu.memory_space<vmem>>) offsets(%get3A_321 : vector<16xi32>) semaphore(%arg15 : memref<!tpu.dma_semaphore, #tpu.memory_space<semaphore_mem>>)
    %dma_wait3A_325 = arith.constant 0 : i32
    %dma_wait3A_326 = arith.constant 0 : i32
    %dma_wait3A_327 = tpu.memref_slice %arg4[%dma_wait3A_325, %dma_wait3A_326] : memref<4096x1024xf32, #tpu.memory_space<hbm>> -> memref<4096x1024xf32, #tpu.memory_space<hbm>>
    tpu.wait_indirect_dma semaphore(%arg18 : memref<!tpu.dma_semaphore, #tpu.memory_space<semaphore_mem>>) src(%dma_wait3A_327 : memref<4096x1024xf32, #tpu.memory_space<hbm>>) dst(%arg12 : memref<16x1024xf32, #tpu.memory_space<vmem>>)
    %add3A_328 = arith.constant 16 : i32
    %add3A_329 = arith.addi %mul3A_2, %add3A_328 : i32
    %dma_start3A_330 = arith.constant 0 : i32
    %dma_start3A_331 = tpu.memref_slice %arg6[%add3A_329, %dma_start3A_330] : memref<8192x1024xf32, #tpu.memory_space<hbm>> -> memref<16x1024xf32, #tpu.memory_space<hbm>>
    %dma_start3A_332 = arith.constant 0 : i32
    %dma_start3A_333 = tpu.memref_slice %arg6[%add3A_329, %dma_start3A_332] : memref<8192x1024xf32, #tpu.memory_space<hbm>> -> memref<16x1024xf32, #tpu.memory_space<hbm>>
    tpu.enqueue_dma source(%arg12 : memref<16x1024xf32, #tpu.memory_space<vmem>>) target(%dma_start3A_333 : memref<16x1024xf32, #tpu.memory_space<hbm>>) target_semaphore(%arg24 : memref<!tpu.dma_semaphore, #tpu.memory_space<semaphore_mem>>)
    %dma_wait3A_334 = arith.constant 0 : i32
    %dma_wait3A_335 = tpu.memref_slice %arg6[%add3A_295, %dma_wait3A_334] : memref<8192x1024xf32, #tpu.memory_space<hbm>> -> memref<16x1024xf32, #tpu.memory_space<hbm>>
    %dma_wait3A_336 = arith.constant 0 : i32
    %dma_wait3A_337 = tpu.memref_slice %arg6[%add3A_295, %dma_wait3A_336] : memref<8192x1024xf32, #tpu.memory_space<hbm>> -> memref<16x1024xf32, #tpu.memory_space<hbm>>
    tpu.wait_dma2 semaphore(%arg22 : memref<!tpu.dma_semaphore, #tpu.memory_space<semaphore_mem>>) src(%arg10 : memref<16x1024xf32, #tpu.memory_space<vmem>>) dst(%dma_wait3A_337 : memref<16x1024xf32, #tpu.memory_space<hbm>>)
    %get3A_338 = arith.constant 48 : index
    %get3A_339 = tpu.vector_load %arg8[%get3A_338] {strides = array<i32>} : memref<256xi32, #tpu.memory_space<vmem>>, vector<16xi32>,
    %get3A_340 = vector.shape_cast %get3A_339 : vector<16xi32> to vector<16xi32>
    %dma_start3A_341 = arith.constant 0 : i32
    %dma_start3A_342 = arith.constant 0 : i32
    %dma_start3A_343 = tpu.memref_slice %arg4[%dma_start3A_341, %dma_start3A_342] : memref<4096x1024xf32, #tpu.memory_space<hbm>> -> memref<4096x1024xf32, #tpu.memory_space<hbm>>
    tpu.enqueue_indirect_dma source(%dma_start3A_343 : memref<4096x1024xf32, #tpu.memory_space<hbm>>) target(%arg10 : memref<16x1024xf32, #tpu.memory_space<vmem>>) offsets(%get3A_340 : vector<16xi32>) semaphore(%arg16 : memref<!tpu.dma_semaphore, #tpu.memory_space<semaphore_mem>>)
    %dma_wait3A_344 = arith.constant 0 : i32
    %dma_wait3A_345 = arith.constant 0 : i32
    %dma_wait3A_346 = tpu.memref_slice %arg3[%dma_wait3A_344, %dma_wait3A_345] : memref<4096x1024xf32, #tpu.memory_space<hbm>> -> memref<4096x1024xf32, #tpu.memory_space<hbm>>
    tpu.wait_indirect_dma semaphore(%arg19 : memref<!tpu.dma_semaphore, #tpu.memory_space<semaphore_mem>>) src(%dma_wait3A_346 : memref<4096x1024xf32, #tpu.memory_space<hbm>>) dst(%arg13 : memref<16x1024xf32, #tpu.memory_space<vmem>>)
    %add3A_347 = arith.constant 32 : i32
    %add3A_348 = arith.addi %mul3A_2, %add3A_347 : i32
    %dma_start3A_349 = arith.constant 0 : i32
    %dma_start3A_350 = tpu.memref_slice %arg5[%add3A_348, %dma_start3A_349] : memref<8192x1024xf32, #tpu.memory_space<hbm>> -> memref<16x1024xf32, #tpu.memory_space<hbm>>
    %dma_start3A_351 = arith.constant 0 : i32
    %dma_start3A_352 = tpu.memref_slice %arg5[%add3A_348, %dma_start3A_351] : memref<8192x1024xf32, #tpu.memory_space<hbm>> -> memref<16x1024xf32, #tpu.memory_space<hbm>>
    tpu.enqueue_dma source(%arg13 : memref<16x1024xf32, #tpu.memory_space<vmem>>) target(%dma_start3A_352 : memref<16x1024xf32, #tpu.memory_space<hbm>>) target_semaphore(%arg25 : memref<!tpu.dma_semaphore, #tpu.memory_space<semaphore_mem>>)
    %dma_wait3A_353 = arith.constant 0 : i32
    %dma_wait3A_354 = tpu.memref_slice %arg5[%add3A_310, %dma_wait3A_353] : memref<8192x1024xf32, #tpu.memory_space<hbm>> -> memref<16x1024xf32, #tpu.memory_space<hbm>>
    %dma_wait3A_355 = arith.constant 0 : i32
    %dma_wait3A_356 = tpu.memref_slice %arg5[%add3A_310, %dma_wait3A_355] : memref<8192x1024xf32, #tpu.memory_space<hbm>> -> memref<16x1024xf32, #tpu.memory_space<hbm>>
    tpu.wait_dma2 semaphore(%arg23 : memref<!tpu.dma_semaphore, #tpu.memory_space<semaphore_mem>>) src(%arg11 : memref<16x1024xf32, #tpu.memory_space<vmem>>) dst(%dma_wait3A_356 : memref<16x1024xf32, #tpu.memory_space<hbm>>)
    %get3A_357 = arith.constant 64 : index
    %get3A_358 = tpu.vector_load %arg8[%get3A_357] {strides = array<i32>} : memref<256xi32, #tpu.memory_space<vmem>>, vector<16xi32>,
    %get3A_359 = vector.shape_cast %get3A_358 : vector<16xi32> to vector<16xi32>
    %dma_start3A_360 = arith.constant 0 : i32
    %dma_start3A_361 = arith.constant 0 : i32
    %dma_start3A_362 = tpu.memref_slice %arg3[%dma_start3A_360, %dma_start3A_361] : memref<4096x1024xf32, #tpu.memory_space<hbm>> -> memref<4096x1024xf32, #tpu.memory_space<hbm>>
    tpu.enqueue_indirect_dma source(%dma_start3A_362 : memref<4096x1024xf32, #tpu.memory_space<hbm>>) target(%arg11 : memref<16x1024xf32, #tpu.memory_space<vmem>>) offsets(%get3A_359 : vector<16xi32>) semaphore(%arg17 : memref<!tpu.dma_semaphore, #tpu.memory_space<semaphore_mem>>)
    %dma_wait3A_363 = arith.constant 0 : i32
    %dma_wait3A_364 = arith.constant 0 : i32
    %dma_wait3A_365 = tpu.memref_slice %arg4[%dma_wait3A_363, %dma_wait3A_364] : memref<4096x1024xf32, #tpu.memory_space<hbm>> -> memref<4096x1024xf32, #tpu.memory_space<hbm>>
    tpu.wait_indirect_dma semaphore(%arg20 : memref<!tpu.dma_semaphore, #tpu.memory_space<semaphore_mem>>) src(%dma_wait3A_365 : memref<4096x1024xf32, #tpu.memory_space<hbm>>) dst(%arg14 : memref<16x1024xf32, #tpu.memory_space<vmem>>)
    %add3A_366 = arith.constant 32 : i32
    %add3A_367 = arith.addi %mul3A_2, %add3A_366 : i32
    %dma_start3A_368 = arith.constant 0 : i32
    %dma_start3A_369 = tpu.memref_slice %arg6[%add3A_367, %dma_start3A_368] : memref<8192x1024xf32, #tpu.memory_space<hbm>> -> memref<16x1024xf32, #tpu.memory_space<hbm>>
    %dma_start3A_370 = arith.constant 0 : i32
    %dma_start3A_371 = tpu.memref_slice %arg6[%add3A_367, %dma_start3A_370] : memref<8192x1024xf32, #tpu.memory_space<hbm>> -> memref<16x1024xf32, #tpu.memory_space<hbm>>
    tpu.enqueue_dma source(%arg14 : memref<16x1024xf32, #tpu.memory_space<vmem>>) target(%dma_start3A_371 : memref<16x1024xf32, #tpu.memory_space<hbm>>) target_semaphore(%arg26 : memref<!tpu.dma_semaphore, #tpu.memory_space<semaphore_mem>>)
    %dma_wait3A_372 = arith.constant 0 : i32
    %dma_wait3A_373 = tpu.memref_slice %arg6[%add3A_329, %dma_wait3A_372] : memref<8192x1024xf32, #tpu.memory_space<hbm>> -> memref<16x1024xf32, #tpu.memory_space<hbm>>
    %dma_wait3A_374 = arith.constant 0 : i32
    %dma_wait3A_375 = tpu.memref_slice %arg6[%add3A_329, %dma_wait3A_374] : memref<8192x1024xf32, #tpu.memory_space<hbm>> -> memref<16x1024xf32, #tpu.memory_space<hbm>>
    tpu.wait_dma2 semaphore(%arg24 : memref<!tpu.dma_semaphore, #tpu.memory_space<semaphore_mem>>) src(%arg12 : memref<16x1024xf32, #tpu.memory_space<vmem>>) dst(%dma_wait3A_375 : memref<16x1024xf32, #tpu.memory_space<hbm>>)
    %get3A_376 = arith.constant 64 : index
    %get3A_377 = tpu.vector_load %arg8[%get3A_376] {strides = array<i32>} : memref<256xi32, #tpu.memory_space<vmem>>, vector<16xi32>,
    %get3A_378 = vector.shape_cast %get3A_377 : vector<16xi32> to vector<16xi32>
    %dma_start3A_379 = arith.constant 0 : i32
    %dma_start3A_380 = arith.constant 0 : i32
    %dma_start3A_381 = tpu.memref_slice %arg4[%dma_start3A_379, %dma_start3A_380] : memref<4096x1024xf32, #tpu.memory_space<hbm>> -> memref<4096x1024xf32, #tpu.memory_space<hbm>>
    tpu.enqueue_indirect_dma source(%dma_start3A_381 : memref<4096x1024xf32, #tpu.memory_space<hbm>>) target(%arg12 : memref<16x1024xf32, #tpu.memory_space<vmem>>) offsets(%get3A_378 : vector<16xi32>) semaphore(%arg18 : memref<!tpu.dma_semaphore, #tpu.memory_space<semaphore_mem>>)
    %dma_wait3A_382 = arith.constant 0 : i32
    %dma_wait3A_383 = arith.constant 0 : i32
    %dma_wait3A_384 = tpu.memref_slice %arg3[%dma_wait3A_382, %dma_wait3A_383] : memref<4096x1024xf32, #tpu.memory_space<hbm>> -> memref<4096x1024xf32, #tpu.memory_space<hbm>>
    tpu.wait_indirect_dma semaphore(%arg15 : memref<!tpu.dma_semaphore, #tpu.memory_space<semaphore_mem>>) src(%dma_wait3A_384 : memref<4096x1024xf32, #tpu.memory_space<hbm>>) dst(%arg9 : memref<16x1024xf32, #tpu.memory_space<vmem>>)
    %add3A_385 = arith.constant 48 : i32
    %add3A_386 = arith.addi %mul3A_2, %add3A_385 : i32
    %dma_start3A_387 = arith.constant 0 : i32
    %dma_start3A_388 = tpu.memref_slice %arg5[%add3A_386, %dma_start3A_387] : memref<8192x1024xf32, #tpu.memory_space<hbm>> -> memref<16x1024xf32, #tpu.memory_space<hbm>>
    %dma_start3A_389 = arith.constant 0 : i32
    %dma_start3A_390 = tpu.memref_slice %arg5[%add3A_386, %dma_start3A_389] : memref<8192x1024xf32, #tpu.memory_space<hbm>> -> memref<16x1024xf32, #tpu.memory_space<hbm>>
    tpu.enqueue_dma source(%arg9 : memref<16x1024xf32, #tpu.memory_space<vmem>>) target(%dma_start3A_390 : memref<16x1024xf32, #tpu.memory_space<hbm>>) target_semaphore(%arg21 : memref<!tpu.dma_semaphore, #tpu.memory_space<semaphore_mem>>)
    %dma_wait3A_391 = arith.constant 0 : i32
    %dma_wait3A_392 = tpu.memref_slice %arg5[%add3A_348, %dma_wait3A_391] : memref<8192x1024xf32, #tpu.memory_space<hbm>> -> memref<16x1024xf32, #tpu.memory_space<hbm>>
    %dma_wait3A_393 = arith.constant 0 : i32
    %dma_wait3A_394 = tpu.memref_slice %arg5[%add3A_348, %dma_wait3A_393] : memref<8192x1024xf32, #tpu.memory_space<hbm>> -> memref<16x1024xf32, #tpu.memory_space<hbm>>
    tpu.wait_dma2 semaphore(%arg25 : memref<!tpu.dma_semaphore, #tpu.memory_space<semaphore_mem>>) src(%arg13 : memref<16x1024xf32, #tpu.memory_space<vmem>>) dst(%dma_wait3A_394 : memref<16x1024xf32, #tpu.memory_space<hbm>>)
    %get3A_395 = arith.constant 80 : index
    %get3A_396 = tpu.vector_load %arg8[%get3A_395] {strides = array<i32>} : memref<256xi32, #tpu.memory_space<vmem>>, vector<16xi32>,
    %get3A_397 = vector.shape_cast %get3A_396 : vector<16xi32> to vector<16xi32>
    %dma_start3A_398 = arith.constant 0 : i32
    %dma_start3A_399 = arith.constant 0 : i32
    %dma_start3A_400 = tpu.memref_slice %arg3[%dma_start3A_398, %dma_start3A_399] : memref<4096x1024xf32, #tpu.memory_space<hbm>> -> memref<4096x1024xf32, #tpu.memory_space<hbm>>
    tpu.enqueue_indirect_dma source(%dma_start3A_400 : memref<4096x1024xf32, #tpu.memory_space<hbm>>) target(%arg13 : memref<16x1024xf32, #tpu.memory_space<vmem>>) offsets(%get3A_397 : vector<16xi32>) semaphore(%arg19 : memref<!tpu.dma_semaphore, #tpu.memory_space<semaphore_mem>>)
    %dma_wait3A_401 = arith.constant 0 : i32
    %dma_wait3A_402 = arith.constant 0 : i32
    %dma_wait3A_403 = tpu.memref_slice %arg4[%dma_wait3A_401, %dma_wait3A_402] : memref<4096x1024xf32, #tpu.memory_space<hbm>> -> memref<4096x1024xf32, #tpu.memory_space<hbm>>
    tpu.wait_indirect_dma semaphore(%arg16 : memref<!tpu.dma_semaphore, #tpu.memory_space<semaphore_mem>>) src(%dma_wait3A_403 : memref<4096x1024xf32, #tpu.memory_space<hbm>>) dst(%arg10 : memref<16x1024xf32, #tpu.memory_space<vmem>>)
    %add3A_404 = arith.constant 48 : i32
    %add3A_405 = arith.addi %mul3A_2, %add3A_404 : i32
    %dma_start3A_406 = arith.constant 0 : i32
    %dma_start3A_407 = tpu.memref_slice %arg6[%add3A_405, %dma_start3A_406] : memref<8192x1024xf32, #tpu.memory_space<hbm>> -> memref<16x1024xf32, #tpu.memory_space<hbm>>
    %dma_start3A_408 = arith.constant 0 : i32
    %dma_start3A_409 = tpu.memref_slice %arg6[%add3A_405, %dma_start3A_408] : memref<8192x1024xf32, #tpu.memory_space<hbm>> -> memref<16x1024xf32, #tpu.memory_space<hbm>>
    tpu.enqueue_dma source(%arg10 : memref<16x1024xf32, #tpu.memory_space<vmem>>) target(%dma_start3A_409 : memref<16x1024xf32, #tpu.memory_space<hbm>>) target_semaphore(%arg22 : memref<!tpu.dma_semaphore, #tpu.memory_space<semaphore_mem>>)
    %dma_wait3A_410 = arith.constant 0 : i32
    %dma_wait3A_411 = tpu.memref_slice %arg6[%add3A_367, %dma_wait3A_410] : memref<8192x1024xf32, #tpu.memory_space<hbm>> -> memref<16x1024xf32, #tpu.memory_space<hbm>>
    %dma_wait3A_412 = arith.constant 0 : i32
    %dma_wait3A_413 = tpu.memref_slice %arg6[%add3A_367, %dma_wait3A_412] : memref<8192x1024xf32, #tpu.memory_space<hbm>> -> memref<16x1024xf32, #tpu.memory_space<hbm>>
    tpu.wait_dma2 semaphore(%arg26 : memref<!tpu.dma_semaphore, #tpu.memory_space<semaphore_mem>>) src(%arg14 : memref<16x1024xf32, #tpu.memory_space<vmem>>) dst(%dma_wait3A_413 : memref<16x1024xf32, #tpu.memory_space<hbm>>)
    %get3A_414 = arith.constant 80 : index
    %get3A_415 = tpu.vector_load %arg8[%get3A_414] {strides = array<i32>} : memref<256xi32, #tpu.memory_space<vmem>>, vector<16xi32>,
    %get3A_416 = vector.shape_cast %get3A_415 : vector<16xi32> to vector<16xi32>
    %dma_start3A_417 = arith.constant 0 : i32
    %dma_start3A_418 = arith.constant 0 : i32
    %dma_start3A_419 = tpu.memref_slice %arg4[%dma_start3A_417, %dma_start3A_418] : memref<4096x1024xf32, #tpu.memory_space<hbm>> -> memref<4096x1024xf32, #tpu.memory_space<hbm>>
    tpu.enqueue_indirect_dma source(%dma_start3A_419 : memref<4096x1024xf32, #tpu.memory_space<hbm>>) target(%arg14 : memref<16x1024xf32, #tpu.memory_space<vmem>>) offsets(%get3A_416 : vector<16xi32>) semaphore(%arg20 : memref<!tpu.dma_semaphore, #tpu.memory_space<semaphore_mem>>)
    %dma_wait3A_420 = arith.constant 0 : i32
    %dma_wait3A_421 = arith.constant 0 : i32
    %dma_wait3A_422 = tpu.memref_slice %arg3[%dma_wait3A_420, %dma_wait3A_421] : memref<4096x1024xf32, #tpu.memory_space<hbm>> -> memref<4096x1024xf32, #tpu.memory_space<hbm>>
    tpu.wait_indirect_dma semaphore(%arg17 : memref<!tpu.dma_semaphore, #tpu.memory_space<semaphore_mem>>) src(%dma_wait3A_422 : memref<4096x1024xf32, #tpu.memory_space<hbm>>) dst(%arg11 : memref<16x1024xf32, #tpu.memory_space<vmem>>)
    %add3A_423 = arith.constant 64 : i32
    %add3A_424 = arith.addi %mul3A_2, %add3A_423 : i32
    %dma_start3A_425 = arith.constant 0 : i32
    %dma_start3A_426 = tpu.memref_slice %arg5[%add3A_424, %dma_start3A_425] : memref<8192x1024xf32, #tpu.memory_space<hbm>> -> memref<16x1024xf32, #tpu.memory_space<hbm>>
    %dma_start3A_427 = arith.constant 0 : i32
    %dma_start3A_428 = tpu.memref_slice %arg5[%add3A_424, %dma_start3A_427] : memref<8192x1024xf32, #tpu.memory_space<hbm>> -> memref<16x1024xf32, #tpu.memory_space<hbm>>
    tpu.enqueue_dma source(%arg11 : memref<16x1024xf32, #tpu.memory_space<vmem>>) target(%dma_start3A_428 : memref<16x1024xf32, #tpu.memory_space<hbm>>) target_semaphore(%arg23 : memref<!tpu.dma_semaphore, #tpu.memory_space<semaphore_mem>>)
    %dma_wait3A_429 = arith.constant 0 : i32
    %dma_wait3A_430 = tpu.memref_slice %arg5[%add3A_386, %dma_wait3A_429] : memref<8192x1024xf32, #tpu.memory_space<hbm>> -> memref<16x1024xf32, #tpu.memory_space<hbm>>
    %dma_wait3A_431 = arith.constant 0 : i32
    %dma_wait3A_432 = tpu.memref_slice %arg5[%add3A_386, %dma_wait3A_431] : memref<8192x1024xf32, #tpu.memory_space<hbm>> -> memref<16x1024xf32, #tpu.memory_space<hbm>>
    tpu.wait_dma2 semaphore(%arg21 : memref<!tpu.dma_semaphore, #tpu.memory_space<semaphore_mem>>) src(%arg9 : memref<16x1024xf32, #tpu.memory_space<vmem>>) dst(%dma_wait3A_432 : memref<16x1024xf32, #tpu.memory_space<hbm>>)
    %get3A_433 = arith.constant 96 : index
    %get3A_434 = tpu.vector_load %arg8[%get3A_433] {strides = array<i32>} : memref<256xi32, #tpu.memory_space<vmem>>, vector<16xi32>,
    %get3A_435 = vector.shape_cast %get3A_434 : vector<16xi32> to vector<16xi32>
    %dma_start3A_436 = arith.constant 0 : i32
    %dma_start3A_437 = arith.constant 0 : i32
    %dma_start3A_438 = tpu.memref_slice %arg3[%dma_start3A_436, %dma_start3A_437] : memref<4096x1024xf32, #tpu.memory_space<hbm>> -> memref<4096x1024xf32, #tpu.memory_space<hbm>>
    tpu.enqueue_indirect_dma source(%dma_start3A_438 : memref<4096x1024xf32, #tpu.memory_space<hbm>>) target(%arg9 : memref<16x1024xf32, #tpu.memory_space<vmem>>) offsets(%get3A_435 : vector<16xi32>) semaphore(%arg15 : memref<!tpu.dma_semaphore, #tpu.memory_space<semaphore_mem>>)
    %dma_wait3A_439 = arith.constant 0 : i32
    %dma_wait3A_440 = arith.constant 0 : i32
    %dma_wait3A_441 = tpu.memref_slice %arg4[%dma_wait3A_439, %dma_wait3A_440] : memref<4096x1024xf32, #tpu.memory_space<hbm>> -> memref<4096x1024xf32, #tpu.memory_space<hbm>>
    tpu.wait_indirect_dma semaphore(%arg18 : memref<!tpu.dma_semaphore, #tpu.memory_space<semaphore_mem>>) src(%dma_wait3A_441 : memref<4096x1024xf32, #tpu.memory_space<hbm>>) dst(%arg12 : memref<16x1024xf32, #tpu.memory_space<vmem>>)
    %add3A_442 = arith.constant 64 : i32
    %add3A_443 = arith.addi %mul3A_2, %add3A_442 : i32
    %dma_start3A_444 = arith.constant 0 : i32
    %dma_start3A_445 = tpu.memref_slice %arg6[%add3A_443, %dma_start3A_444] : memref<8192x1024xf32, #tpu.memory_space<hbm>> -> memref<16x1024xf32, #tpu.memory_space<hbm>>
    %dma_start3A_446 = arith.constant 0 : i32
    %dma_start3A_447 = tpu.memref_slice %arg6[%add3A_443, %dma_start3A_446] : memref<8192x1024xf32, #tpu.memory_space<hbm>> -> memref<16x1024xf32, #tpu.memory_space<hbm>>
    tpu.enqueue_dma source(%arg12 : memref<16x1024xf32, #tpu.memory_space<vmem>>) target(%dma_start3A_447 : memref<16x1024xf32, #tpu.memory_space<hbm>>) target_semaphore(%arg24 : memref<!tpu.dma_semaphore, #tpu.memory_space<semaphore_mem>>)
    %dma_wait3A_448 = arith.constant 0 : i32
    %dma_wait3A_449 = tpu.memref_slice %arg6[%add3A_405, %dma_wait3A_448] : memref<8192x1024xf32, #tpu.memory_space<hbm>> -> memref<16x1024xf32, #tpu.memory_space<hbm>>
    %dma_wait3A_450 = arith.constant 0 : i32
    %dma_wait3A_451 = tpu.memref_slice %arg6[%add3A_405, %dma_wait3A_450] : memref<8192x1024xf32, #tpu.memory_space<hbm>> -> memref<16x1024xf32, #tpu.memory_space<hbm>>
    tpu.wait_dma2 semaphore(%arg22 : memref<!tpu.dma_semaphore, #tpu.memory_space<semaphore_mem>>) src(%arg10 : memref<16x1024xf32, #tpu.memory_space<vmem>>) dst(%dma_wait3A_451 : memref<16x1024xf32, #tpu.memory_space<hbm>>)
    %get3A_452 = arith.constant 96 : index
    %get3A_453 = tpu.vector_load %arg8[%get3A_452] {strides = array<i32>} : memref<256xi32, #tpu.memory_space<vmem>>, vector<16xi32>,
    %get3A_454 = vector.shape_cast %get3A_453 : vector<16xi32> to vector<16xi32>
    %dma_start3A_455 = arith.constant 0 : i32
    %dma_start3A_456 = arith.constant 0 : i32
    %dma_start3A_457 = tpu.memref_slice %arg4[%dma_start3A_455, %dma_start3A_456] : memref<4096x1024xf32, #tpu.memory_space<hbm>> -> memref<4096x1024xf32, #tpu.memory_space<hbm>>
    tpu.enqueue_indirect_dma source(%dma_start3A_457 : memref<4096x1024xf32, #tpu.memory_space<hbm>>) target(%arg10 : memref<16x1024xf32, #tpu.memory_space<vmem>>) offsets(%get3A_454 : vector<16xi32>) semaphore(%arg16 : memref<!tpu.dma_semaphore, #tpu.memory_space<semaphore_mem>>)
    %dma_wait3A_458 = arith.constant 0 : i32
    %dma_wait3A_459 = arith.constant 0 : i32
    %dma_wait3A_460 = tpu.memref_slice %arg3[%dma_wait3A_458, %dma_wait3A_459] : memref<4096x1024xf32, #tpu.memory_space<hbm>> -> memref<4096x1024xf32, #tpu.memory_space<hbm>>
    tpu.wait_indirect_dma semaphore(%arg19 : memref<!tpu.dma_semaphore, #tpu.memory_space<semaphore_mem>>) src(%dma_wait3A_460 : memref<4096x1024xf32, #tpu.memory_space<hbm>>) dst(%arg13 : memref<16x1024xf32, #tpu.memory_space<vmem>>)
    %add3A_461 = arith.constant 80 : i32
    %add3A_462 = arith.addi %mul3A_2, %add3A_461 : i32
    %dma_start3A_463 = arith.constant 0 : i32
    %dma_start3A_464 = tpu.memref_slice %arg5[%add3A_462, %dma_start3A_463] : memref<8192x1024xf32, #tpu.memory_space<hbm>> -> memref<16x1024xf32, #tpu.memory_space<hbm>>
    %dma_start3A_465 = arith.constant 0 : i32
    %dma_start3A_466 = tpu.memref_slice %arg5[%add3A_462, %dma_start3A_465] : memref<8192x1024xf32, #tpu.memory_space<hbm>> -> memref<16x1024xf32, #tpu.memory_space<hbm>>
    tpu.enqueue_dma source(%arg13 : memref<16x1024xf32, #tpu.memory_space<vmem>>) target(%dma_start3A_466 : memref<16x1024xf32, #tpu.memory_space<hbm>>) target_semaphore(%arg25 : memref<!tpu.dma_semaphore, #tpu.memory_space<semaphore_mem>>)
    %dma_wait3A_467 = arith.constant 0 : i32
    %dma_wait3A_468 = tpu.memref_slice %arg5[%add3A_424, %dma_wait3A_467] : memref<8192x1024xf32, #tpu.memory_space<hbm>> -> memref<16x1024xf32, #tpu.memory_space<hbm>>
    %dma_wait3A_469 = arith.constant 0 : i32
    %dma_wait3A_470 = tpu.memref_slice %arg5[%add3A_424, %dma_wait3A_469] : memref<8192x1024xf32, #tpu.memory_space<hbm>> -> memref<16x1024xf32, #tpu.memory_space<hbm>>
    tpu.wait_dma2 semaphore(%arg23 : memref<!tpu.dma_semaphore, #tpu.memory_space<semaphore_mem>>) src(%arg11 : memref<16x1024xf32, #tpu.memory_space<vmem>>) dst(%dma_wait3A_470 : memref<16x1024xf32, #tpu.memory_space<hbm>>)
    %get3A_471 = arith.constant 112 : index
    %get3A_472 = tpu.vector_load %arg8[%get3A_471] {strides = array<i32>} : memref<256xi32, #tpu.memory_space<vmem>>, vector<16xi32>,
    %get3A_473 = vector.shape_cast %get3A_472 : vector<16xi32> to vector<16xi32>
    %dma_start3A_474 = arith.constant 0 : i32
    %dma_start3A_475 = arith.constant 0 : i32
    %dma_start3A_476 = tpu.memref_slice %arg3[%dma_start3A_474, %dma_start3A_475] : memref<4096x1024xf32, #tpu.memory_space<hbm>> -> memref<4096x1024xf32, #tpu.memory_space<hbm>>
    tpu.enqueue_indirect_dma source(%dma_start3A_476 : memref<4096x1024xf32, #tpu.memory_space<hbm>>) target(%arg11 : memref<16x1024xf32, #tpu.memory_space<vmem>>) offsets(%get3A_473 : vector<16xi32>) semaphore(%arg17 : memref<!tpu.dma_semaphore, #tpu.memory_space<semaphore_mem>>)
    %dma_wait3A_477 = arith.constant 0 : i32
    %dma_wait3A_478 = arith.constant 0 : i32
    %dma_wait3A_479 = tpu.memref_slice %arg4[%dma_wait3A_477, %dma_wait3A_478] : memref<4096x1024xf32, #tpu.memory_space<hbm>> -> memref<4096x1024xf32, #tpu.memory_space<hbm>>
    tpu.wait_indirect_dma semaphore(%arg20 : memref<!tpu.dma_semaphore, #tpu.memory_space<semaphore_mem>>) src(%dma_wait3A_479 : memref<4096x1024xf32, #tpu.memory_space<hbm>>) dst(%arg14 : memref<16x1024xf32, #tpu.memory_space<vmem>>)
    %add3A_480 = arith.constant 80 : i32
    %add3A_481 = arith.addi %mul3A_2, %add3A_480 : i32
    %dma_start3A_482 = arith.constant 0 : i32
    %dma_start3A_483 = tpu.memref_slice %arg6[%add3A_481, %dma_start3A_482] : memref<8192x1024xf32, #tpu.memory_space<hbm>> -> memref<16x1024xf32, #tpu.memory_space<hbm>>
    %dma_start3A_484 = arith.constant 0 : i32
    %dma_start3A_485 = tpu.memref_slice %arg6[%add3A_481, %dma_start3A_484] : memref<8192x1024xf32, #tpu.memory_space<hbm>> -> memref<16x1024xf32, #tpu.memory_space<hbm>>
    tpu.enqueue_dma source(%arg14 : memref<16x1024xf32, #tpu.memory_space<vmem>>) target(%dma_start3A_485 : memref<16x1024xf32, #tpu.memory_space<hbm>>) target_semaphore(%arg26 : memref<!tpu.dma_semaphore, #tpu.memory_space<semaphore_mem>>)
    %dma_wait3A_486 = arith.constant 0 : i32
    %dma_wait3A_487 = tpu.memref_slice %arg6[%add3A_443, %dma_wait3A_486] : memref<8192x1024xf32, #tpu.memory_space<hbm>> -> memref<16x1024xf32, #tpu.memory_space<hbm>>
    %dma_wait3A_488 = arith.constant 0 : i32
    %dma_wait3A_489 = tpu.memref_slice %arg6[%add3A_443, %dma_wait3A_488] : memref<8192x1024xf32, #tpu.memory_space<hbm>> -> memref<16x1024xf32, #tpu.memory_space<hbm>>
    tpu.wait_dma2 semaphore(%arg24 : memref<!tpu.dma_semaphore, #tpu.memory_space<semaphore_mem>>) src(%arg12 : memref<16x1024xf32, #tpu.memory_space<vmem>>) dst(%dma_wait3A_489 : memref<16x1024xf32, #tpu.memory_space<hbm>>)
    %get3A_490 = arith.constant 112 : index
    %get3A_491 = tpu.vector_load %arg8[%get3A_490] {strides = array<i32>} : memref<256xi32, #tpu.memory_space<vmem>>, vector<16xi32>,
    %get3A_492 = vector.shape_cast %get3A_491 : vector<16xi32> to vector<16xi32>
    %dma_start3A_493 = arith.constant 0 : i32
    %dma_start3A_494 = arith.constant 0 : i32
    %dma_start3A_495 = tpu.memref_slice %arg4[%dma_start3A_493, %dma_start3A_494] : memref<4096x1024xf32, #tpu.memory_space<hbm>> -> memref<4096x1024xf32, #tpu.memory_space<hbm>>
    tpu.enqueue_indirect_dma source(%dma_start3A_495 : memref<4096x1024xf32, #tpu.memory_space<hbm>>) target(%arg12 : memref<16x1024xf32, #tpu.memory_space<vmem>>) offsets(%get3A_492 : vector<16xi32>) semaphore(%arg18 : memref<!tpu.dma_semaphore, #tpu.memory_space<semaphore_mem>>)
    %dma_wait3A_496 = arith.constant 0 : i32
    %dma_wait3A_497 = arith.constant 0 : i32
    %dma_wait3A_498 = tpu.memref_slice %arg3[%dma_wait3A_496, %dma_wait3A_497] : memref<4096x1024xf32, #tpu.memory_space<hbm>> -> memref<4096x1024xf32, #tpu.memory_space<hbm>>
    tpu.wait_indirect_dma semaphore(%arg15 : memref<!tpu.dma_semaphore, #tpu.memory_space<semaphore_mem>>) src(%dma_wait3A_498 : memref<4096x1024xf32, #tpu.memory_space<hbm>>) dst(%arg9 : memref<16x1024xf32, #tpu.memory_space<vmem>>)
    %add3A_499 = arith.constant 96 : i32
    %add3A_500 = arith.addi %mul3A_2, %add3A_499 : i32
    %dma_start3A_501 = arith.constant 0 : i32
    %dma_start3A_502 = tpu.memref_slice %arg5[%add3A_500, %dma_start3A_501] : memref<8192x1024xf32, #tpu.memory_space<hbm>> -> memref<16x1024xf32, #tpu.memory_space<hbm>>
    %dma_start3A_503 = arith.constant 0 : i32
    %dma_start3A_504 = tpu.memref_slice %arg5[%add3A_500, %dma_start3A_503] : memref<8192x1024xf32, #tpu.memory_space<hbm>> -> memref<16x1024xf32, #tpu.memory_space<hbm>>
    tpu.enqueue_dma source(%arg9 : memref<16x1024xf32, #tpu.memory_space<vmem>>) target(%dma_start3A_504 : memref<16x1024xf32, #tpu.memory_space<hbm>>) target_semaphore(%arg21 : memref<!tpu.dma_semaphore, #tpu.memory_space<semaphore_mem>>)
    %dma_wait3A_505 = arith.constant 0 : i32
    %dma_wait3A_506 = tpu.memref_slice %arg5[%add3A_462, %dma_wait3A_505] : memref<8192x1024xf32, #tpu.memory_space<hbm>> -> memref<16x1024xf32, #tpu.memory_space<hbm>>
    %dma_wait3A_507 = arith.constant 0 : i32
    %dma_wait3A_508 = tpu.memref_slice %arg5[%add3A_462, %dma_wait3A_507] : memref<8192x1024xf32, #tpu.memory_space<hbm>> -> memref<16x1024xf32, #tpu.memory_space<hbm>>
    tpu.wait_dma2 semaphore(%arg25 : memref<!tpu.dma_semaphore, #tpu.memory_space<semaphore_mem>>) src(%arg13 : memref<16x1024xf32, #tpu.memory_space<vmem>>) dst(%dma_wait3A_508 : memref<16x1024xf32, #tpu.memory_space<hbm>>)
    %get3A_509 = arith.constant 128 : index
    %get3A_510 = tpu.vector_load %arg8[%get3A_509] {strides = array<i32>} : memref<256xi32, #tpu.memory_space<vmem>>, vector<16xi32>,
    %get3A_511 = vector.shape_cast %get3A_510 : vector<16xi32> to vector<16xi32>
    %dma_start3A_512 = arith.constant 0 : i32
    %dma_start3A_513 = arith.constant 0 : i32
    %dma_start3A_514 = tpu.memref_slice %arg3[%dma_start3A_512, %dma_start3A_513] : memref<4096x1024xf32, #tpu.memory_space<hbm>> -> memref<4096x1024xf32, #tpu.memory_space<hbm>>
    tpu.enqueue_indirect_dma source(%dma_start3A_514 : memref<4096x1024xf32, #tpu.memory_space<hbm>>) target(%arg13 : memref<16x1024xf32, #tpu.memory_space<vmem>>) offsets(%get3A_511 : vector<16xi32>) semaphore(%arg19 : memref<!tpu.dma_semaphore, #tpu.memory_space<semaphore_mem>>)
    %dma_wait3A_515 = arith.constant 0 : i32
    %dma_wait3A_516 = arith.constant 0 : i32
    %dma_wait3A_517 = tpu.memref_slice %arg4[%dma_wait3A_515, %dma_wait3A_516] : memref<4096x1024xf32, #tpu.memory_space<hbm>> -> memref<4096x1024xf32, #tpu.memory_space<hbm>>
    tpu.wait_indirect_dma semaphore(%arg16 : memref<!tpu.dma_semaphore, #tpu.memory_space<semaphore_mem>>) src(%dma_wait3A_517 : memref<4096x1024xf32, #tpu.memory_space<hbm>>) dst(%arg10 : memref<16x1024xf32, #tpu.memory_space<vmem>>)
    %add3A_518 = arith.constant 96 : i32
    %add3A_519 = arith.addi %mul3A_2, %add3A_518 : i32
    %dma_start3A_520 = arith.constant 0 : i32
    %dma_start3A_521 = tpu.memref_slice %arg6[%add3A_519, %dma_start3A_520] : memref<8192x1024xf32, #tpu.memory_space<hbm>> -> memref<16x1024xf32, #tpu.memory_space<hbm>>
    %dma_start3A_522 = arith.constant 0 : i32
    %dma_start3A_523 = tpu.memref_slice %arg6[%add3A_519, %dma_start3A_522] : memref<8192x1024xf32, #tpu.memory_space<hbm>> -> memref<16x1024xf32, #tpu.memory_space<hbm>>
    tpu.enqueue_dma source(%arg10 : memref<16x1024xf32, #tpu.memory_space<vmem>>) target(%dma_start3A_523 : memref<16x1024xf32, #tpu.memory_space<hbm>>) target_semaphore(%arg22 : memref<!tpu.dma_semaphore, #tpu.memory_space<semaphore_mem>>)
    %dma_wait3A_524 = arith.constant 0 : i32
    %dma_wait3A_525 = tpu.memref_slice %arg6[%add3A_481, %dma_wait3A_524] : memref<8192x1024xf32, #tpu.memory_space<hbm>> -> memref<16x1024xf32, #tpu.memory_space<hbm>>
    %dma_wait3A_526 = arith.constant 0 : i32
    %dma_wait3A_527 = tpu.memref_slice %arg6[%add3A_481, %dma_wait3A_526] : memref<8192x1024xf32, #tpu.memory_space<hbm>> -> memref<16x1024xf32, #tpu.memory_space<hbm>>
    tpu.wait_dma2 semaphore(%arg26 : memref<!tpu.dma_semaphore, #tpu.memory_space<semaphore_mem>>) src(%arg14 : memref<16x1024xf32, #tpu.memory_space<vmem>>) dst(%dma_wait3A_527 : memref<16x1024xf32, #tpu.memory_space<hbm>>)
    %get3A_528 = arith.constant 128 : index
    %get3A_529 = tpu.vector_load %arg8[%get3A_528] {strides = array<i32>} : memref<256xi32, #tpu.memory_space<vmem>>, vector<16xi32>,
    %get3A_530 = vector.shape_cast %get3A_529 : vector<16xi32> to vector<16xi32>
    %dma_start3A_531 = arith.constant 0 : i32
    %dma_start3A_532 = arith.constant 0 : i32
    %dma_start3A_533 = tpu.memref_slice %arg4[%dma_start3A_531, %dma_start3A_532] : memref<4096x1024xf32, #tpu.memory_space<hbm>> -> memref<4096x1024xf32, #tpu.memory_space<hbm>>
    tpu.enqueue_indirect_dma source(%dma_start3A_533 : memref<4096x1024xf32, #tpu.memory_space<hbm>>) target(%arg14 : memref<16x1024xf32, #tpu.memory_space<vmem>>) offsets(%get3A_530 : vector<16xi32>) semaphore(%arg20 : memref<!tpu.dma_semaphore, #tpu.memory_space<semaphore_mem>>)
    %dma_wait3A_534 = arith.constant 0 : i32
    %dma_wait3A_535 = arith.constant 0 : i32
    %dma_wait3A_536 = tpu.memref_slice %arg3[%dma_wait3A_534, %dma_wait3A_535] : memref<4096x1024xf32, #tpu.memory_space<hbm>> -> memref<4096x1024xf32, #tpu.memory_space<hbm>>
    tpu.wait_indirect_dma semaphore(%arg17 : memref<!tpu.dma_semaphore, #tpu.memory_space<semaphore_mem>>) src(%dma_wait3A_536 : memref<4096x1024xf32, #tpu.memory_space<hbm>>) dst(%arg11 : memref<16x1024xf32, #tpu.memory_space<vmem>>)
    %add3A_537 = arith.constant 112 : i32
    %add3A_538 = arith.addi %mul3A_2, %add3A_537 : i32
    %dma_start3A_539 = arith.constant 0 : i32
    %dma_start3A_540 = tpu.memref_slice %arg5[%add3A_538, %dma_start3A_539] : memref<8192x1024xf32, #tpu.memory_space<hbm>> -> memref<16x1024xf32, #tpu.memory_space<hbm>>
    %dma_start3A_541 = arith.constant 0 : i32
    %dma_start3A_542 = tpu.memref_slice %arg5[%add3A_538, %dma_start3A_541] : memref<8192x1024xf32, #tpu.memory_space<hbm>> -> memref<16x1024xf32, #tpu.memory_space<hbm>>
    tpu.enqueue_dma source(%arg11 : memref<16x1024xf32, #tpu.memory_space<vmem>>) target(%dma_start3A_542 : memref<16x1024xf32, #tpu.memory_space<hbm>>) target_semaphore(%arg23 : memref<!tpu.dma_semaphore, #tpu.memory_space<semaphore_mem>>)
    %dma_wait3A_543 = arith.constant 0 : i32
    %dma_wait3A_544 = tpu.memref_slice %arg5[%add3A_500, %dma_wait3A_543] : memref<8192x1024xf32, #tpu.memory_space<hbm>> -> memref<16x1024xf32, #tpu.memory_space<hbm>>
    %dma_wait3A_545 = arith.constant 0 : i32
    %dma_wait3A_546 = tpu.memref_slice %arg5[%add3A_500, %dma_wait3A_545] : memref<8192x1024xf32, #tpu.memory_space<hbm>> -> memref<16x1024xf32, #tpu.memory_space<hbm>>
    tpu.wait_dma2 semaphore(%arg21 : memref<!tpu.dma_semaphore, #tpu.memory_space<semaphore_mem>>) src(%arg9 : memref<16x1024xf32, #tpu.memory_space<vmem>>) dst(%dma_wait3A_546 : memref<16x1024xf32, #tpu.memory_space<hbm>>)
    %get3A_547 = arith.constant 144 : index
    %get3A_548 = tpu.vector_load %arg8[%get3A_547] {strides = array<i32>} : memref<256xi32, #tpu.memory_space<vmem>>, vector<16xi32>,
    %get3A_549 = vector.shape_cast %get3A_548 : vector<16xi32> to vector<16xi32>
    %dma_start3A_550 = arith.constant 0 : i32
    %dma_start3A_551 = arith.constant 0 : i32
    %dma_start3A_552 = tpu.memref_slice %arg3[%dma_start3A_550, %dma_start3A_551] : memref<4096x1024xf32, #tpu.memory_space<hbm>> -> memref<4096x1024xf32, #tpu.memory_space<hbm>>
    tpu.enqueue_indirect_dma source(%dma_start3A_552 : memref<4096x1024xf32, #tpu.memory_space<hbm>>) target(%arg9 : memref<16x1024xf32, #tpu.memory_space<vmem>>) offsets(%get3A_549 : vector<16xi32>) semaphore(%arg15 : memref<!tpu.dma_semaphore, #tpu.memory_space<semaphore_mem>>)
    %dma_wait3A_553 = arith.constant 0 : i32
    %dma_wait3A_554 = arith.constant 0 : i32
    %dma_wait3A_555 = tpu.memref_slice %arg4[%dma_wait3A_553, %dma_wait3A_554] : memref<4096x1024xf32, #tpu.memory_space<hbm>> -> memref<4096x1024xf32, #tpu.memory_space<hbm>>
    tpu.wait_indirect_dma semaphore(%arg18 : memref<!tpu.dma_semaphore, #tpu.memory_space<semaphore_mem>>) src(%dma_wait3A_555 : memref<4096x1024xf32, #tpu.memory_space<hbm>>) dst(%arg12 : memref<16x1024xf32, #tpu.memory_space<vmem>>)
    %add3A_556 = arith.constant 112 : i32
    %add3A_557 = arith.addi %mul3A_2, %add3A_556 : i32
    %dma_start3A_558 = arith.constant 0 : i32
    %dma_start3A_559 = tpu.memref_slice %arg6[%add3A_557, %dma_start3A_558] : memref<8192x1024xf32, #tpu.memory_space<hbm>> -> memref<16x1024xf32, #tpu.memory_space<hbm>>
    %dma_start3A_560 = arith.constant 0 : i32
    %dma_start3A_561 = tpu.memref_slice %arg6[%add3A_557, %dma_start3A_560] : memref<8192x1024xf32, #tpu.memory_space<hbm>> -> memref<16x1024xf32, #tpu.memory_space<hbm>>
    tpu.enqueue_dma source(%arg12 : memref<16x1024xf32, #tpu.memory_space<vmem>>) target(%dma_start3A_561 : memref<16x1024xf32, #tpu.memory_space<hbm>>) target_semaphore(%arg24 : memref<!tpu.dma_semaphore, #tpu.memory_space<semaphore_mem>>)
    %dma_wait3A_562 = arith.constant 0 : i32
    %dma_wait3A_563 = tpu.memref_slice %arg6[%add3A_519, %dma_wait3A_562] : memref<8192x1024xf32, #tpu.memory_space<hbm>> -> memref<16x1024xf32, #tpu.memory_space<hbm>>
    %dma_wait3A_564 = arith.constant 0 : i32
    %dma_wait3A_565 = tpu.memref_slice %arg6[%add3A_519, %dma_wait3A_564] : memref<8192x1024xf32, #tpu.memory_space<hbm>> -> memref<16x1024xf32, #tpu.memory_space<hbm>>
    tpu.wait_dma2 semaphore(%arg22 : memref<!tpu.dma_semaphore, #tpu.memory_space<semaphore_mem>>) src(%arg10 : memref<16x1024xf32, #tpu.memory_space<vmem>>) dst(%dma_wait3A_565 : memref<16x1024xf32, #tpu.memory_space<hbm>>)
    %get3A_566 = arith.constant 144 : index
    %get3A_567 = tpu.vector_load %arg8[%get3A_566] {strides = array<i32>} : memref<256xi32, #tpu.memory_space<vmem>>, vector<16xi32>,
    %get3A_568 = vector.shape_cast %get3A_567 : vector<16xi32> to vector<16xi32>
    %dma_start3A_569 = arith.constant 0 : i32
    %dma_start3A_570 = arith.constant 0 : i32
    %dma_start3A_571 = tpu.memref_slice %arg4[%dma_start3A_569, %dma_start3A_570] : memref<4096x1024xf32, #tpu.memory_space<hbm>> -> memref<4096x1024xf32, #tpu.memory_space<hbm>>
    tpu.enqueue_indirect_dma source(%dma_start3A_571 : memref<4096x1024xf32, #tpu.memory_space<hbm>>) target(%arg10 : memref<16x1024xf32, #tpu.memory_space<vmem>>) offsets(%get3A_568 : vector<16xi32>) semaphore(%arg16 : memref<!tpu.dma_semaphore, #tpu.memory_space<semaphore_mem>>)
    %dma_wait3A_572 = arith.constant 0 : i32
    %dma_wait3A_573 = arith.constant 0 : i32
    %dma_wait3A_574 = tpu.memref_slice %arg3[%dma_wait3A_572, %dma_wait3A_573] : memref<4096x1024xf32, #tpu.memory_space<hbm>> -> memref<4096x1024xf32, #tpu.memory_space<hbm>>
    tpu.wait_indirect_dma semaphore(%arg19 : memref<!tpu.dma_semaphore, #tpu.memory_space<semaphore_mem>>) src(%dma_wait3A_574 : memref<4096x1024xf32, #tpu.memory_space<hbm>>) dst(%arg13 : memref<16x1024xf32, #tpu.memory_space<vmem>>)
    %add3A_575 = arith.constant 128 : i32
    %add3A_576 = arith.addi %mul3A_2, %add3A_575 : i32
    %dma_start3A_577 = arith.constant 0 : i32
    %dma_start3A_578 = tpu.memref_slice %arg5[%add3A_576, %dma_start3A_577] : memref<8192x1024xf32, #tpu.memory_space<hbm>> -> memref<16x1024xf32, #tpu.memory_space<hbm>>
    %dma_start3A_579 = arith.constant 0 : i32
    %dma_start3A_580 = tpu.memref_slice %arg5[%add3A_576, %dma_start3A_579] : memref<8192x1024xf32, #tpu.memory_space<hbm>> -> memref<16x1024xf32, #tpu.memory_space<hbm>>
    tpu.enqueue_dma source(%arg13 : memref<16x1024xf32, #tpu.memory_space<vmem>>) target(%dma_start3A_580 : memref<16x1024xf32, #tpu.memory_space<hbm>>) target_semaphore(%arg25 : memref<!tpu.dma_semaphore, #tpu.memory_space<semaphore_mem>>)
    %dma_wait3A_581 = arith.constant 0 : i32
    %dma_wait3A_582 = tpu.memref_slice %arg5[%add3A_538, %dma_wait3A_581] : memref<8192x1024xf32, #tpu.memory_space<hbm>> -> memref<16x1024xf32, #tpu.memory_space<hbm>>
    %dma_wait3A_583 = arith.constant 0 : i32
    %dma_wait3A_584 = tpu.memref_slice %arg5[%add3A_538, %dma_wait3A_583] : memref<8192x1024xf32, #tpu.memory_space<hbm>> -> memref<16x1024xf32, #tpu.memory_space<hbm>>
    tpu.wait_dma2 semaphore(%arg23 : memref<!tpu.dma_semaphore, #tpu.memory_space<semaphore_mem>>) src(%arg11 : memref<16x1024xf32, #tpu.memory_space<vmem>>) dst(%dma_wait3A_584 : memref<16x1024xf32, #tpu.memory_space<hbm>>)
    %get3A_585 = arith.constant 160 : index
    %get3A_586 = tpu.vector_load %arg8[%get3A_585] {strides = array<i32>} : memref<256xi32, #tpu.memory_space<vmem>>, vector<16xi32>,
    %get3A_587 = vector.shape_cast %get3A_586 : vector<16xi32> to vector<16xi32>
    %dma_start3A_588 = arith.constant 0 : i32
    %dma_start3A_589 = arith.constant 0 : i32
    %dma_start3A_590 = tpu.memref_slice %arg3[%dma_start3A_588, %dma_start3A_589] : memref<4096x1024xf32, #tpu.memory_space<hbm>> -> memref<4096x1024xf32, #tpu.memory_space<hbm>>
    tpu.enqueue_indirect_dma source(%dma_start3A_590 : memref<4096x1024xf32, #tpu.memory_space<hbm>>) target(%arg11 : memref<16x1024xf32, #tpu.memory_space<vmem>>) offsets(%get3A_587 : vector<16xi32>) semaphore(%arg17 : memref<!tpu.dma_semaphore, #tpu.memory_space<semaphore_mem>>)
    %dma_wait3A_591 = arith.constant 0 : i32
    %dma_wait3A_592 = arith.constant 0 : i32
    %dma_wait3A_593 = tpu.memref_slice %arg4[%dma_wait3A_591, %dma_wait3A_592] : memref<4096x1024xf32, #tpu.memory_space<hbm>> -> memref<4096x1024xf32, #tpu.memory_space<hbm>>
    tpu.wait_indirect_dma semaphore(%arg20 : memref<!tpu.dma_semaphore, #tpu.memory_space<semaphore_mem>>) src(%dma_wait3A_593 : memref<4096x1024xf32, #tpu.memory_space<hbm>>) dst(%arg14 : memref<16x1024xf32, #tpu.memory_space<vmem>>)
    %add3A_594 = arith.constant 128 : i32
    %add3A_595 = arith.addi %mul3A_2, %add3A_594 : i32
    %dma_start3A_596 = arith.constant 0 : i32
    %dma_start3A_597 = tpu.memref_slice %arg6[%add3A_595, %dma_start3A_596] : memref<8192x1024xf32, #tpu.memory_space<hbm>> -> memref<16x1024xf32, #tpu.memory_space<hbm>>
    %dma_start3A_598 = arith.constant 0 : i32
    %dma_start3A_599 = tpu.memref_slice %arg6[%add3A_595, %dma_start3A_598] : memref<8192x1024xf32, #tpu.memory_space<hbm>> -> memref<16x1024xf32, #tpu.memory_space<hbm>>
    tpu.enqueue_dma source(%arg14 : memref<16x1024xf32, #tpu.memory_space<vmem>>) target(%dma_start3A_599 : memref<16x1024xf32, #tpu.memory_space<hbm>>) target_semaphore(%arg26 : memref<!tpu.dma_semaphore, #tpu.memory_space<semaphore_mem>>)
    %dma_wait3A_600 = arith.constant 0 : i32
    %dma_wait3A_601 = tpu.memref_slice %arg6[%add3A_557, %dma_wait3A_600] : memref<8192x1024xf32, #tpu.memory_space<hbm>> -> memref<16x1024xf32, #tpu.memory_space<hbm>>
    %dma_wait3A_602 = arith.constant 0 : i32
    %dma_wait3A_603 = tpu.memref_slice %arg6[%add3A_557, %dma_wait3A_602] : memref<8192x1024xf32, #tpu.memory_space<hbm>> -> memref<16x1024xf32, #tpu.memory_space<hbm>>
    tpu.wait_dma2 semaphore(%arg24 : memref<!tpu.dma_semaphore, #tpu.memory_space<semaphore_mem>>) src(%arg12 : memref<16x1024xf32, #tpu.memory_space<vmem>>) dst(%dma_wait3A_603 : memref<16x1024xf32, #tpu.memory_space<hbm>>)
    %get3A_604 = arith.constant 160 : index
    %get3A_605 = tpu.vector_load %arg8[%get3A_604] {strides = array<i32>} : memref<256xi32, #tpu.memory_space<vmem>>, vector<16xi32>,
    %get3A_606 = vector.shape_cast %get3A_605 : vector<16xi32> to vector<16xi32>
    %dma_start3A_607 = arith.constant 0 : i32
    %dma_start3A_608 = arith.constant 0 : i32
    %dma_start3A_609 = tpu.memref_slice %arg4[%dma_start3A_607, %dma_start3A_608] : memref<4096x1024xf32, #tpu.memory_space<hbm>> -> memref<4096x1024xf32, #tpu.memory_space<hbm>>
    tpu.enqueue_indirect_dma source(%dma_start3A_609 : memref<4096x1024xf32, #tpu.memory_space<hbm>>) target(%arg12 : memref<16x1024xf32, #tpu.memory_space<vmem>>) offsets(%get3A_606 : vector<16xi32>) semaphore(%arg18 : memref<!tpu.dma_semaphore, #tpu.memory_space<semaphore_mem>>)
    %dma_wait3A_610 = arith.constant 0 : i32
    %dma_wait3A_611 = arith.constant 0 : i32
    %dma_wait3A_612 = tpu.memref_slice %arg3[%dma_wait3A_610, %dma_wait3A_611] : memref<4096x1024xf32, #tpu.memory_space<hbm>> -> memref<4096x1024xf32, #tpu.memory_space<hbm>>
    tpu.wait_indirect_dma semaphore(%arg15 : memref<!tpu.dma_semaphore, #tpu.memory_space<semaphore_mem>>) src(%dma_wait3A_612 : memref<4096x1024xf32, #tpu.memory_space<hbm>>) dst(%arg9 : memref<16x1024xf32, #tpu.memory_space<vmem>>)
    %add3A_613 = arith.constant 144 : i32
    %add3A_614 = arith.addi %mul3A_2, %add3A_613 : i32
    %dma_start3A_615 = arith.constant 0 : i32
    %dma_start3A_616 = tpu.memref_slice %arg5[%add3A_614, %dma_start3A_615] : memref<8192x1024xf32, #tpu.memory_space<hbm>> -> memref<16x1024xf32, #tpu.memory_space<hbm>>
    %dma_start3A_617 = arith.constant 0 : i32
    %dma_start3A_618 = tpu.memref_slice %arg5[%add3A_614, %dma_start3A_617] : memref<8192x1024xf32, #tpu.memory_space<hbm>> -> memref<16x1024xf32, #tpu.memory_space<hbm>>
    tpu.enqueue_dma source(%arg9 : memref<16x1024xf32, #tpu.memory_space<vmem>>) target(%dma_start3A_618 : memref<16x1024xf32, #tpu.memory_space<hbm>>) target_semaphore(%arg21 : memref<!tpu.dma_semaphore, #tpu.memory_space<semaphore_mem>>)
    %dma_wait3A_619 = arith.constant 0 : i32
    %dma_wait3A_620 = tpu.memref_slice %arg5[%add3A_576, %dma_wait3A_619] : memref<8192x1024xf32, #tpu.memory_space<hbm>> -> memref<16x1024xf32, #tpu.memory_space<hbm>>
    %dma_wait3A_621 = arith.constant 0 : i32
    %dma_wait3A_622 = tpu.memref_slice %arg5[%add3A_576, %dma_wait3A_621] : memref<8192x1024xf32, #tpu.memory_space<hbm>> -> memref<16x1024xf32, #tpu.memory_space<hbm>>
    tpu.wait_dma2 semaphore(%arg25 : memref<!tpu.dma_semaphore, #tpu.memory_space<semaphore_mem>>) src(%arg13 : memref<16x1024xf32, #tpu.memory_space<vmem>>) dst(%dma_wait3A_622 : memref<16x1024xf32, #tpu.memory_space<hbm>>)
    %get3A_623 = arith.constant 176 : index
    %get3A_624 = tpu.vector_load %arg8[%get3A_623] {strides = array<i32>} : memref<256xi32, #tpu.memory_space<vmem>>, vector<16xi32>,
    %get3A_625 = vector.shape_cast %get3A_624 : vector<16xi32> to vector<16xi32>
    %dma_start3A_626 = arith.constant 0 : i32
    %dma_start3A_627 = arith.constant 0 : i32
    %dma_start3A_628 = tpu.memref_slice %arg3[%dma_start3A_626, %dma_start3A_627] : memref<4096x1024xf32, #tpu.memory_space<hbm>> -> memref<4096x1024xf32, #tpu.memory_space<hbm>>
    tpu.enqueue_indirect_dma source(%dma_start3A_628 : memref<4096x1024xf32, #tpu.memory_space<hbm>>) target(%arg13 : memref<16x1024xf32, #tpu.memory_space<vmem>>) offsets(%get3A_625 : vector<16xi32>) semaphore(%arg19 : memref<!tpu.dma_semaphore, #tpu.memory_space<semaphore_mem>>)
    %dma_wait3A_629 = arith.constant 0 : i32
    %dma_wait3A_630 = arith.constant 0 : i32
    %dma_wait3A_631 = tpu.memref_slice %arg4[%dma_wait3A_629, %dma_wait3A_630] : memref<4096x1024xf32, #tpu.memory_space<hbm>> -> memref<4096x1024xf32, #tpu.memory_space<hbm>>
    tpu.wait_indirect_dma semaphore(%arg16 : memref<!tpu.dma_semaphore, #tpu.memory_space<semaphore_mem>>) src(%dma_wait3A_631 : memref<4096x1024xf32, #tpu.memory_space<hbm>>) dst(%arg10 : memref<16x1024xf32, #tpu.memory_space<vmem>>)
    %add3A_632 = arith.constant 144 : i32
    %add3A_633 = arith.addi %mul3A_2, %add3A_632 : i32
    %dma_start3A_634 = arith.constant 0 : i32
    %dma_start3A_635 = tpu.memref_slice %arg6[%add3A_633, %dma_start3A_634] : memref<8192x1024xf32, #tpu.memory_space<hbm>> -> memref<16x1024xf32, #tpu.memory_space<hbm>>
    %dma_start3A_636 = arith.constant 0 : i32
    %dma_start3A_637 = tpu.memref_slice %arg6[%add3A_633, %dma_start3A_636] : memref<8192x1024xf32, #tpu.memory_space<hbm>> -> memref<16x1024xf32, #tpu.memory_space<hbm>>
    tpu.enqueue_dma source(%arg10 : memref<16x1024xf32, #tpu.memory_space<vmem>>) target(%dma_start3A_637 : memref<16x1024xf32, #tpu.memory_space<hbm>>) target_semaphore(%arg22 : memref<!tpu.dma_semaphore, #tpu.memory_space<semaphore_mem>>)
    %dma_wait3A_638 = arith.constant 0 : i32
    %dma_wait3A_639 = tpu.memref_slice %arg6[%add3A_595, %dma_wait3A_638] : memref<8192x1024xf32, #tpu.memory_space<hbm>> -> memref<16x1024xf32, #tpu.memory_space<hbm>>
    %dma_wait3A_640 = arith.constant 0 : i32
    %dma_wait3A_641 = tpu.memref_slice %arg6[%add3A_595, %dma_wait3A_640] : memref<8192x1024xf32, #tpu.memory_space<hbm>> -> memref<16x1024xf32, #tpu.memory_space<hbm>>
    tpu.wait_dma2 semaphore(%arg26 : memref<!tpu.dma_semaphore, #tpu.memory_space<semaphore_mem>>) src(%arg14 : memref<16x1024xf32, #tpu.memory_space<vmem>>) dst(%dma_wait3A_641 : memref<16x1024xf32, #tpu.memory_space<hbm>>)
    %get3A_642 = arith.constant 176 : index
    %get3A_643 = tpu.vector_load %arg8[%get3A_642] {strides = array<i32>} : memref<256xi32, #tpu.memory_space<vmem>>, vector<16xi32>,
    %get3A_644 = vector.shape_cast %get3A_643 : vector<16xi32> to vector<16xi32>
    %dma_start3A_645 = arith.constant 0 : i32
    %dma_start3A_646 = arith.constant 0 : i32
    %dma_start3A_647 = tpu.memref_slice %arg4[%dma_start3A_645, %dma_start3A_646] : memref<4096x1024xf32, #tpu.memory_space<hbm>> -> memref<4096x1024xf32, #tpu.memory_space<hbm>>
    tpu.enqueue_indirect_dma source(%dma_start3A_647 : memref<4096x1024xf32, #tpu.memory_space<hbm>>) target(%arg14 : memref<16x1024xf32, #tpu.memory_space<vmem>>) offsets(%get3A_644 : vector<16xi32>) semaphore(%arg20 : memref<!tpu.dma_semaphore, #tpu.memory_space<semaphore_mem>>)
    %dma_wait3A_648 = arith.constant 0 : i32
    %dma_wait3A_649 = arith.constant 0 : i32
    %dma_wait3A_650 = tpu.memref_slice %arg3[%dma_wait3A_648, %dma_wait3A_649] : memref<4096x1024xf32, #tpu.memory_space<hbm>> -> memref<4096x1024xf32, #tpu.memory_space<hbm>>
    tpu.wait_indirect_dma semaphore(%arg17 : memref<!tpu.dma_semaphore, #tpu.memory_space<semaphore_mem>>) src(%dma_wait3A_650 : memref<4096x1024xf32, #tpu.memory_space<hbm>>) dst(%arg11 : memref<16x1024xf32, #tpu.memory_space<vmem>>)
    %add3A_651 = arith.constant 160 : i32
    %add3A_652 = arith.addi %mul3A_2, %add3A_651 : i32
    %dma_start3A_653 = arith.constant 0 : i32
    %dma_start3A_654 = tpu.memref_slice %arg5[%add3A_652, %dma_start3A_653] : memref<8192x1024xf32, #tpu.memory_space<hbm>> -> memref<16x1024xf32, #tpu.memory_space<hbm>>
    %dma_start3A_655 = arith.constant 0 : i32
    %dma_start3A_656 = tpu.memref_slice %arg5[%add3A_652, %dma_start3A_655] : memref<8192x1024xf32, #tpu.memory_space<hbm>> -> memref<16x1024xf32, #tpu.memory_space<hbm>>
    tpu.enqueue_dma source(%arg11 : memref<16x1024xf32, #tpu.memory_space<vmem>>) target(%dma_start3A_656 : memref<16x1024xf32, #tpu.memory_space<hbm>>) target_semaphore(%arg23 : memref<!tpu.dma_semaphore, #tpu.memory_space<semaphore_mem>>)
    %dma_wait3A_657 = arith.constant 0 : i32
    %dma_wait3A_658 = tpu.memref_slice %arg5[%add3A_614, %dma_wait3A_657] : memref<8192x1024xf32, #tpu.memory_space<hbm>> -> memref<16x1024xf32, #tpu.memory_space<hbm>>
    %dma_wait3A_659 = arith.constant 0 : i32
    %dma_wait3A_660 = tpu.memref_slice %arg5[%add3A_614, %dma_wait3A_659] : memref<8192x1024xf32, #tpu.memory_space<hbm>> -> memref<16x1024xf32, #tpu.memory_space<hbm>>
    tpu.wait_dma2 semaphore(%arg21 : memref<!tpu.dma_semaphore, #tpu.memory_space<semaphore_mem>>) src(%arg9 : memref<16x1024xf32, #tpu.memory_space<vmem>>) dst(%dma_wait3A_660 : memref<16x1024xf32, #tpu.memory_space<hbm>>)
    %get3A_661 = arith.constant 192 : index
    %get3A_662 = tpu.vector_load %arg8[%get3A_661] {strides = array<i32>} : memref<256xi32, #tpu.memory_space<vmem>>, vector<16xi32>,
    %get3A_663 = vector.shape_cast %get3A_662 : vector<16xi32> to vector<16xi32>
    %dma_start3A_664 = arith.constant 0 : i32
    %dma_start3A_665 = arith.constant 0 : i32
    %dma_start3A_666 = tpu.memref_slice %arg3[%dma_start3A_664, %dma_start3A_665] : memref<4096x1024xf32, #tpu.memory_space<hbm>> -> memref<4096x1024xf32, #tpu.memory_space<hbm>>
    tpu.enqueue_indirect_dma source(%dma_start3A_666 : memref<4096x1024xf32, #tpu.memory_space<hbm>>) target(%arg9 : memref<16x1024xf32, #tpu.memory_space<vmem>>) offsets(%get3A_663 : vector<16xi32>) semaphore(%arg15 : memref<!tpu.dma_semaphore, #tpu.memory_space<semaphore_mem>>)
    %dma_wait3A_667 = arith.constant 0 : i32
    %dma_wait3A_668 = arith.constant 0 : i32
    %dma_wait3A_669 = tpu.memref_slice %arg4[%dma_wait3A_667, %dma_wait3A_668] : memref<4096x1024xf32, #tpu.memory_space<hbm>> -> memref<4096x1024xf32, #tpu.memory_space<hbm>>
    tpu.wait_indirect_dma semaphore(%arg18 : memref<!tpu.dma_semaphore, #tpu.memory_space<semaphore_mem>>) src(%dma_wait3A_669 : memref<4096x1024xf32, #tpu.memory_space<hbm>>) dst(%arg12 : memref<16x1024xf32, #tpu.memory_space<vmem>>)
    %add3A_670 = arith.constant 160 : i32
    %add3A_671 = arith.addi %mul3A_2, %add3A_670 : i32
    %dma_start3A_672 = arith.constant 0 : i32
    %dma_start3A_673 = tpu.memref_slice %arg6[%add3A_671, %dma_start3A_672] : memref<8192x1024xf32, #tpu.memory_space<hbm>> -> memref<16x1024xf32, #tpu.memory_space<hbm>>
    %dma_start3A_674 = arith.constant 0 : i32
    %dma_start3A_675 = tpu.memref_slice %arg6[%add3A_671, %dma_start3A_674] : memref<8192x1024xf32, #tpu.memory_space<hbm>> -> memref<16x1024xf32, #tpu.memory_space<hbm>>
    tpu.enqueue_dma source(%arg12 : memref<16x1024xf32, #tpu.memory_space<vmem>>) target(%dma_start3A_675 : memref<16x1024xf32, #tpu.memory_space<hbm>>) target_semaphore(%arg24 : memref<!tpu.dma_semaphore, #tpu.memory_space<semaphore_mem>>)
    %dma_wait3A_676 = arith.constant 0 : i32
    %dma_wait3A_677 = tpu.memref_slice %arg6[%add3A_633, %dma_wait3A_676] : memref<8192x1024xf32, #tpu.memory_space<hbm>> -> memref<16x1024xf32, #tpu.memory_space<hbm>>
    %dma_wait3A_678 = arith.constant 0 : i32
    %dma_wait3A_679 = tpu.memref_slice %arg6[%add3A_633, %dma_wait3A_678] : memref<8192x1024xf32, #tpu.memory_space<hbm>> -> memref<16x1024xf32, #tpu.memory_space<hbm>>
    tpu.wait_dma2 semaphore(%arg22 : memref<!tpu.dma_semaphore, #tpu.memory_space<semaphore_mem>>) src(%arg10 : memref<16x1024xf32, #tpu.memory_space<vmem>>) dst(%dma_wait3A_679 : memref<16x1024xf32, #tpu.memory_space<hbm>>)
    %get3A_680 = arith.constant 192 : index
    %get3A_681 = tpu.vector_load %arg8[%get3A_680] {strides = array<i32>} : memref<256xi32, #tpu.memory_space<vmem>>, vector<16xi32>,
    %get3A_682 = vector.shape_cast %get3A_681 : vector<16xi32> to vector<16xi32>
    %dma_start3A_683 = arith.constant 0 : i32
    %dma_start3A_684 = arith.constant 0 : i32
    %dma_start3A_685 = tpu.memref_slice %arg4[%dma_start3A_683, %dma_start3A_684] : memref<4096x1024xf32, #tpu.memory_space<hbm>> -> memref<4096x1024xf32, #tpu.memory_space<hbm>>
    tpu.enqueue_indirect_dma source(%dma_start3A_685 : memref<4096x1024xf32, #tpu.memory_space<hbm>>) target(%arg10 : memref<16x1024xf32, #tpu.memory_space<vmem>>) offsets(%get3A_682 : vector<16xi32>) semaphore(%arg16 : memref<!tpu.dma_semaphore, #tpu.memory_space<semaphore_mem>>)
    %dma_wait3A_686 = arith.constant 0 : i32
    %dma_wait3A_687 = arith.constant 0 : i32
    %dma_wait3A_688 = tpu.memref_slice %arg3[%dma_wait3A_686, %dma_wait3A_687] : memref<4096x1024xf32, #tpu.memory_space<hbm>> -> memref<4096x1024xf32, #tpu.memory_space<hbm>>
    tpu.wait_indirect_dma semaphore(%arg19 : memref<!tpu.dma_semaphore, #tpu.memory_space<semaphore_mem>>) src(%dma_wait3A_688 : memref<4096x1024xf32, #tpu.memory_space<hbm>>) dst(%arg13 : memref<16x1024xf32, #tpu.memory_space<vmem>>)
    %add3A_689 = arith.constant 176 : i32
    %add3A_690 = arith.addi %mul3A_2, %add3A_689 : i32
    %dma_start3A_691 = arith.constant 0 : i32
    %dma_start3A_692 = tpu.memref_slice %arg5[%add3A_690, %dma_start3A_691] : memref<8192x1024xf32, #tpu.memory_space<hbm>> -> memref<16x1024xf32, #tpu.memory_space<hbm>>
    %dma_start3A_693 = arith.constant 0 : i32
    %dma_start3A_694 = tpu.memref_slice %arg5[%add3A_690, %dma_start3A_693] : memref<8192x1024xf32, #tpu.memory_space<hbm>> -> memref<16x1024xf32, #tpu.memory_space<hbm>>
    tpu.enqueue_dma source(%arg13 : memref<16x1024xf32, #tpu.memory_space<vmem>>) target(%dma_start3A_694 : memref<16x1024xf32, #tpu.memory_space<hbm>>) target_semaphore(%arg25 : memref<!tpu.dma_semaphore, #tpu.memory_space<semaphore_mem>>)
    %dma_wait3A_695 = arith.constant 0 : i32
    %dma_wait3A_696 = tpu.memref_slice %arg5[%add3A_652, %dma_wait3A_695] : memref<8192x1024xf32, #tpu.memory_space<hbm>> -> memref<16x1024xf32, #tpu.memory_space<hbm>>
    %dma_wait3A_697 = arith.constant 0 : i32
    %dma_wait3A_698 = tpu.memref_slice %arg5[%add3A_652, %dma_wait3A_697] : memref<8192x1024xf32, #tpu.memory_space<hbm>> -> memref<16x1024xf32, #tpu.memory_space<hbm>>
    tpu.wait_dma2 semaphore(%arg23 : memref<!tpu.dma_semaphore, #tpu.memory_space<semaphore_mem>>) src(%arg11 : memref<16x1024xf32, #tpu.memory_space<vmem>>) dst(%dma_wait3A_698 : memref<16x1024xf32, #tpu.memory_space<hbm>>)
    %get3A_699 = arith.constant 208 : index
    %get3A_700 = tpu.vector_load %arg8[%get3A_699] {strides = array<i32>} : memref<256xi32, #tpu.memory_space<vmem>>, vector<16xi32>,
    %get3A_701 = vector.shape_cast %get3A_700 : vector<16xi32> to vector<16xi32>
    %dma_start3A_702 = arith.constant 0 : i32
    %dma_start3A_703 = arith.constant 0 : i32
    %dma_start3A_704 = tpu.memref_slice %arg3[%dma_start3A_702, %dma_start3A_703] : memref<4096x1024xf32, #tpu.memory_space<hbm>> -> memref<4096x1024xf32, #tpu.memory_space<hbm>>
    tpu.enqueue_indirect_dma source(%dma_start3A_704 : memref<4096x1024xf32, #tpu.memory_space<hbm>>) target(%arg11 : memref<16x1024xf32, #tpu.memory_space<vmem>>) offsets(%get3A_701 : vector<16xi32>) semaphore(%arg17 : memref<!tpu.dma_semaphore, #tpu.memory_space<semaphore_mem>>)
    %dma_wait3A_705 = arith.constant 0 : i32
    %dma_wait3A_706 = arith.constant 0 : i32
    %dma_wait3A_707 = tpu.memref_slice %arg4[%dma_wait3A_705, %dma_wait3A_706] : memref<4096x1024xf32, #tpu.memory_space<hbm>> -> memref<4096x1024xf32, #tpu.memory_space<hbm>>
    tpu.wait_indirect_dma semaphore(%arg20 : memref<!tpu.dma_semaphore, #tpu.memory_space<semaphore_mem>>) src(%dma_wait3A_707 : memref<4096x1024xf32, #tpu.memory_space<hbm>>) dst(%arg14 : memref<16x1024xf32, #tpu.memory_space<vmem>>)
    %add3A_708 = arith.constant 176 : i32
    %add3A_709 = arith.addi %mul3A_2, %add3A_708 : i32
    %dma_start3A_710 = arith.constant 0 : i32
    %dma_start3A_711 = tpu.memref_slice %arg6[%add3A_709, %dma_start3A_710] : memref<8192x1024xf32, #tpu.memory_space<hbm>> -> memref<16x1024xf32, #tpu.memory_space<hbm>>
    %dma_start3A_712 = arith.constant 0 : i32
    %dma_start3A_713 = tpu.memref_slice %arg6[%add3A_709, %dma_start3A_712] : memref<8192x1024xf32, #tpu.memory_space<hbm>> -> memref<16x1024xf32, #tpu.memory_space<hbm>>
    tpu.enqueue_dma source(%arg14 : memref<16x1024xf32, #tpu.memory_space<vmem>>) target(%dma_start3A_713 : memref<16x1024xf32, #tpu.memory_space<hbm>>) target_semaphore(%arg26 : memref<!tpu.dma_semaphore, #tpu.memory_space<semaphore_mem>>)
    %dma_wait3A_714 = arith.constant 0 : i32
    %dma_wait3A_715 = tpu.memref_slice %arg6[%add3A_671, %dma_wait3A_714] : memref<8192x1024xf32, #tpu.memory_space<hbm>> -> memref<16x1024xf32, #tpu.memory_space<hbm>>
    %dma_wait3A_716 = arith.constant 0 : i32
    %dma_wait3A_717 = tpu.memref_slice %arg6[%add3A_671, %dma_wait3A_716] : memref<8192x1024xf32, #tpu.memory_space<hbm>> -> memref<16x1024xf32, #tpu.memory_space<hbm>>
    tpu.wait_dma2 semaphore(%arg24 : memref<!tpu.dma_semaphore, #tpu.memory_space<semaphore_mem>>) src(%arg12 : memref<16x1024xf32, #tpu.memory_space<vmem>>) dst(%dma_wait3A_717 : memref<16x1024xf32, #tpu.memory_space<hbm>>)
    %get3A_718 = arith.constant 208 : index
    %get3A_719 = tpu.vector_load %arg8[%get3A_718] {strides = array<i32>} : memref<256xi32, #tpu.memory_space<vmem>>, vector<16xi32>,
    %get3A_720 = vector.shape_cast %get3A_719 : vector<16xi32> to vector<16xi32>
    %dma_start3A_721 = arith.constant 0 : i32
    %dma_start3A_722 = arith.constant 0 : i32
    %dma_start3A_723 = tpu.memref_slice %arg4[%dma_start3A_721, %dma_start3A_722] : memref<4096x1024xf32, #tpu.memory_space<hbm>> -> memref<4096x1024xf32, #tpu.memory_space<hbm>>
    tpu.enqueue_indirect_dma source(%dma_start3A_723 : memref<4096x1024xf32, #tpu.memory_space<hbm>>) target(%arg12 : memref<16x1024xf32, #tpu.memory_space<vmem>>) offsets(%get3A_720 : vector<16xi32>) semaphore(%arg18 : memref<!tpu.dma_semaphore, #tpu.memory_space<semaphore_mem>>)
    %dma_wait3A_724 = arith.constant 0 : i32
    %dma_wait3A_725 = arith.constant 0 : i32
    %dma_wait3A_726 = tpu.memref_slice %arg3[%dma_wait3A_724, %dma_wait3A_725] : memref<4096x1024xf32, #tpu.memory_space<hbm>> -> memref<4096x1024xf32, #tpu.memory_space<hbm>>
    tpu.wait_indirect_dma semaphore(%arg15 : memref<!tpu.dma_semaphore, #tpu.memory_space<semaphore_mem>>) src(%dma_wait3A_726 : memref<4096x1024xf32, #tpu.memory_space<hbm>>) dst(%arg9 : memref<16x1024xf32, #tpu.memory_space<vmem>>)
    %add3A_727 = arith.constant 192 : i32
    %add3A_728 = arith.addi %mul3A_2, %add3A_727 : i32
    %dma_start3A_729 = arith.constant 0 : i32
    %dma_start3A_730 = tpu.memref_slice %arg5[%add3A_728, %dma_start3A_729] : memref<8192x1024xf32, #tpu.memory_space<hbm>> -> memref<16x1024xf32, #tpu.memory_space<hbm>>
    %dma_start3A_731 = arith.constant 0 : i32
    %dma_start3A_732 = tpu.memref_slice %arg5[%add3A_728, %dma_start3A_731] : memref<8192x1024xf32, #tpu.memory_space<hbm>> -> memref<16x1024xf32, #tpu.memory_space<hbm>>
    tpu.enqueue_dma source(%arg9 : memref<16x1024xf32, #tpu.memory_space<vmem>>) target(%dma_start3A_732 : memref<16x1024xf32, #tpu.memory_space<hbm>>) target_semaphore(%arg21 : memref<!tpu.dma_semaphore, #tpu.memory_space<semaphore_mem>>)
    %dma_wait3A_733 = arith.constant 0 : i32
    %dma_wait3A_734 = tpu.memref_slice %arg5[%add3A_690, %dma_wait3A_733] : memref<8192x1024xf32, #tpu.memory_space<hbm>> -> memref<16x1024xf32, #tpu.memory_space<hbm>>
    %dma_wait3A_735 = arith.constant 0 : i32
    %dma_wait3A_736 = tpu.memref_slice %arg5[%add3A_690, %dma_wait3A_735] : memref<8192x1024xf32, #tpu.memory_space<hbm>> -> memref<16x1024xf32, #tpu.memory_space<hbm>>
    tpu.wait_dma2 semaphore(%arg25 : memref<!tpu.dma_semaphore, #tpu.memory_space<semaphore_mem>>) src(%arg13 : memref<16x1024xf32, #tpu.memory_space<vmem>>) dst(%dma_wait3A_736 : memref<16x1024xf32, #tpu.memory_space<hbm>>)
    %get3A_737 = arith.constant 224 : index
    %get3A_738 = tpu.vector_load %arg8[%get3A_737] {strides = array<i32>} : memref<256xi32, #tpu.memory_space<vmem>>, vector<16xi32>,
    %get3A_739 = vector.shape_cast %get3A_738 : vector<16xi32> to vector<16xi32>
    %dma_start3A_740 = arith.constant 0 : i32
    %dma_start3A_741 = arith.constant 0 : i32
    %dma_start3A_742 = tpu.memref_slice %arg3[%dma_start3A_740, %dma_start3A_741] : memref<4096x1024xf32, #tpu.memory_space<hbm>> -> memref<4096x1024xf32, #tpu.memory_space<hbm>>
    tpu.enqueue_indirect_dma source(%dma_start3A_742 : memref<4096x1024xf32, #tpu.memory_space<hbm>>) target(%arg13 : memref<16x1024xf32, #tpu.memory_space<vmem>>) offsets(%get3A_739 : vector<16xi32>) semaphore(%arg19 : memref<!tpu.dma_semaphore, #tpu.memory_space<semaphore_mem>>)
    %dma_wait3A_743 = arith.constant 0 : i32
    %dma_wait3A_744 = arith.constant 0 : i32
    %dma_wait3A_745 = tpu.memref_slice %arg4[%dma_wait3A_743, %dma_wait3A_744] : memref<4096x1024xf32, #tpu.memory_space<hbm>> -> memref<4096x1024xf32, #tpu.memory_space<hbm>>
    tpu.wait_indirect_dma semaphore(%arg16 : memref<!tpu.dma_semaphore, #tpu.memory_space<semaphore_mem>>) src(%dma_wait3A_745 : memref<4096x1024xf32, #tpu.memory_space<hbm>>) dst(%arg10 : memref<16x1024xf32, #tpu.memory_space<vmem>>)
    %add3A_746 = arith.constant 192 : i32
    %add3A_747 = arith.addi %mul3A_2, %add3A_746 : i32
    %dma_start3A_748 = arith.constant 0 : i32
    %dma_start3A_749 = tpu.memref_slice %arg6[%add3A_747, %dma_start3A_748] : memref<8192x1024xf32, #tpu.memory_space<hbm>> -> memref<16x1024xf32, #tpu.memory_space<hbm>>
    %dma_start3A_750 = arith.constant 0 : i32
    %dma_start3A_751 = tpu.memref_slice %arg6[%add3A_747, %dma_start3A_750] : memref<8192x1024xf32, #tpu.memory_space<hbm>> -> memref<16x1024xf32, #tpu.memory_space<hbm>>
    tpu.enqueue_dma source(%arg10 : memref<16x1024xf32, #tpu.memory_space<vmem>>) target(%dma_start3A_751 : memref<16x1024xf32, #tpu.memory_space<hbm>>) target_semaphore(%arg22 : memref<!tpu.dma_semaphore, #tpu.memory_space<semaphore_mem>>)
    %dma_wait3A_752 = arith.constant 0 : i32
    %dma_wait3A_753 = tpu.memref_slice %arg6[%add3A_709, %dma_wait3A_752] : memref<8192x1024xf32, #tpu.memory_space<hbm>> -> memref<16x1024xf32, #tpu.memory_space<hbm>>
    %dma_wait3A_754 = arith.constant 0 : i32
    %dma_wait3A_755 = tpu.memref_slice %arg6[%add3A_709, %dma_wait3A_754] : memref<8192x1024xf32, #tpu.memory_space<hbm>> -> memref<16x1024xf32, #tpu.memory_space<hbm>>
    tpu.wait_dma2 semaphore(%arg26 : memref<!tpu.dma_semaphore, #tpu.memory_space<semaphore_mem>>) src(%arg14 : memref<16x1024xf32, #tpu.memory_space<vmem>>) dst(%dma_wait3A_755 : memref<16x1024xf32, #tpu.memory_space<hbm>>)
    %get3A_756 = arith.constant 224 : index
    %get3A_757 = tpu.vector_load %arg8[%get3A_756] {strides = array<i32>} : memref<256xi32, #tpu.memory_space<vmem>>, vector<16xi32>,
    %get3A_758 = vector.shape_cast %get3A_757 : vector<16xi32> to vector<16xi32>
    %dma_start3A_759 = arith.constant 0 : i32
    %dma_start3A_760 = arith.constant 0 : i32
    %dma_start3A_761 = tpu.memref_slice %arg4[%dma_start3A_759, %dma_start3A_760] : memref<4096x1024xf32, #tpu.memory_space<hbm>> -> memref<4096x1024xf32, #tpu.memory_space<hbm>>
    tpu.enqueue_indirect_dma source(%dma_start3A_761 : memref<4096x1024xf32, #tpu.memory_space<hbm>>) target(%arg14 : memref<16x1024xf32, #tpu.memory_space<vmem>>) offsets(%get3A_758 : vector<16xi32>) semaphore(%arg20 : memref<!tpu.dma_semaphore, #tpu.memory_space<semaphore_mem>>)
    %dma_wait3A_762 = arith.constant 0 : i32
    %dma_wait3A_763 = arith.constant 0 : i32
    %dma_wait3A_764 = tpu.memref_slice %arg3[%dma_wait3A_762, %dma_wait3A_763] : memref<4096x1024xf32, #tpu.memory_space<hbm>> -> memref<4096x1024xf32, #tpu.memory_space<hbm>>
    tpu.wait_indirect_dma semaphore(%arg17 : memref<!tpu.dma_semaphore, #tpu.memory_space<semaphore_mem>>) src(%dma_wait3A_764 : memref<4096x1024xf32, #tpu.memory_space<hbm>>) dst(%arg11 : memref<16x1024xf32, #tpu.memory_space<vmem>>)
    %add3A_765 = arith.constant 208 : i32
    %add3A_766 = arith.addi %mul3A_2, %add3A_765 : i32
    %dma_start3A_767 = arith.constant 0 : i32
    %dma_start3A_768 = tpu.memref_slice %arg5[%add3A_766, %dma_start3A_767] : memref<8192x1024xf32, #tpu.memory_space<hbm>> -> memref<16x1024xf32, #tpu.memory_space<hbm>>
    %dma_start3A_769 = arith.constant 0 : i32
    %dma_start3A_770 = tpu.memref_slice %arg5[%add3A_766, %dma_start3A_769] : memref<8192x1024xf32, #tpu.memory_space<hbm>> -> memref<16x1024xf32, #tpu.memory_space<hbm>>
    tpu.enqueue_dma source(%arg11 : memref<16x1024xf32, #tpu.memory_space<vmem>>) target(%dma_start3A_770 : memref<16x1024xf32, #tpu.memory_space<hbm>>) target_semaphore(%arg23 : memref<!tpu.dma_semaphore, #tpu.memory_space<semaphore_mem>>)
    %dma_wait3A_771 = arith.constant 0 : i32
    %dma_wait3A_772 = tpu.memref_slice %arg5[%add3A_728, %dma_wait3A_771] : memref<8192x1024xf32, #tpu.memory_space<hbm>> -> memref<16x1024xf32, #tpu.memory_space<hbm>>
    %dma_wait3A_773 = arith.constant 0 : i32
    %dma_wait3A_774 = tpu.memref_slice %arg5[%add3A_728, %dma_wait3A_773] : memref<8192x1024xf32, #tpu.memory_space<hbm>> -> memref<16x1024xf32, #tpu.memory_space<hbm>>
    tpu.wait_dma2 semaphore(%arg21 : memref<!tpu.dma_semaphore, #tpu.memory_space<semaphore_mem>>) src(%arg9 : memref<16x1024xf32, #tpu.memory_space<vmem>>) dst(%dma_wait3A_774 : memref<16x1024xf32, #tpu.memory_space<hbm>>)
    %get3A_775 = arith.constant 240 : index
    %get3A_776 = tpu.vector_load %arg8[%get3A_775] {strides = array<i32>} : memref<256xi32, #tpu.memory_space<vmem>>, vector<16xi32>,
    %get3A_777 = vector.shape_cast %get3A_776 : vector<16xi32> to vector<16xi32>
    %dma_start3A_778 = arith.constant 0 : i32
    %dma_start3A_779 = arith.constant 0 : i32
    %dma_start3A_780 = tpu.memref_slice %arg3[%dma_start3A_778, %dma_start3A_779] : memref<4096x1024xf32, #tpu.memory_space<hbm>> -> memref<4096x1024xf32, #tpu.memory_space<hbm>>
    tpu.enqueue_indirect_dma source(%dma_start3A_780 : memref<4096x1024xf32, #tpu.memory_space<hbm>>) target(%arg9 : memref<16x1024xf32, #tpu.memory_space<vmem>>) offsets(%get3A_777 : vector<16xi32>) semaphore(%arg15 : memref<!tpu.dma_semaphore, #tpu.memory_space<semaphore_mem>>)
    %dma_wait3A_781 = arith.constant 0 : i32
    %dma_wait3A_782 = arith.constant 0 : i32
    %dma_wait3A_783 = tpu.memref_slice %arg4[%dma_wait3A_781, %dma_wait3A_782] : memref<4096x1024xf32, #tpu.memory_space<hbm>> -> memref<4096x1024xf32, #tpu.memory_space<hbm>>
    tpu.wait_indirect_dma semaphore(%arg18 : memref<!tpu.dma_semaphore, #tpu.memory_space<semaphore_mem>>) src(%dma_wait3A_783 : memref<4096x1024xf32, #tpu.memory_space<hbm>>) dst(%arg12 : memref<16x1024xf32, #tpu.memory_space<vmem>>)
    %add3A_784 = arith.constant 208 : i32
    %add3A_785 = arith.addi %mul3A_2, %add3A_784 : i32
    %dma_start3A_786 = arith.constant 0 : i32
    %dma_start3A_787 = tpu.memref_slice %arg6[%add3A_785, %dma_start3A_786] : memref<8192x1024xf32, #tpu.memory_space<hbm>> -> memref<16x1024xf32, #tpu.memory_space<hbm>>
    %dma_start3A_788 = arith.constant 0 : i32
    %dma_start3A_789 = tpu.memref_slice %arg6[%add3A_785, %dma_start3A_788] : memref<8192x1024xf32, #tpu.memory_space<hbm>> -> memref<16x1024xf32, #tpu.memory_space<hbm>>
    tpu.enqueue_dma source(%arg12 : memref<16x1024xf32, #tpu.memory_space<vmem>>) target(%dma_start3A_789 : memref<16x1024xf32, #tpu.memory_space<hbm>>) target_semaphore(%arg24 : memref<!tpu.dma_semaphore, #tpu.memory_space<semaphore_mem>>)
    %dma_wait3A_790 = arith.constant 0 : i32
    %dma_wait3A_791 = tpu.memref_slice %arg6[%add3A_747, %dma_wait3A_790] : memref<8192x1024xf32, #tpu.memory_space<hbm>> -> memref<16x1024xf32, #tpu.memory_space<hbm>>
    %dma_wait3A_792 = arith.constant 0 : i32
    %dma_wait3A_793 = tpu.memref_slice %arg6[%add3A_747, %dma_wait3A_792] : memref<8192x1024xf32, #tpu.memory_space<hbm>> -> memref<16x1024xf32, #tpu.memory_space<hbm>>
    tpu.wait_dma2 semaphore(%arg22 : memref<!tpu.dma_semaphore, #tpu.memory_space<semaphore_mem>>) src(%arg10 : memref<16x1024xf32, #tpu.memory_space<vmem>>) dst(%dma_wait3A_793 : memref<16x1024xf32, #tpu.memory_space<hbm>>)
    %get3A_794 = arith.constant 240 : index
    %get3A_795 = tpu.vector_load %arg8[%get3A_794] {strides = array<i32>} : memref<256xi32, #tpu.memory_space<vmem>>, vector<16xi32>,
    %get3A_796 = vector.shape_cast %get3A_795 : vector<16xi32> to vector<16xi32>
    %dma_start3A_797 = arith.constant 0 : i32
    %dma_start3A_798 = arith.constant 0 : i32
    %dma_start3A_799 = tpu.memref_slice %arg4[%dma_start3A_797, %dma_start3A_798] : memref<4096x1024xf32, #tpu.memory_space<hbm>> -> memref<4096x1024xf32, #tpu.memory_space<hbm>>
    tpu.enqueue_indirect_dma source(%dma_start3A_799 : memref<4096x1024xf32, #tpu.memory_space<hbm>>) target(%arg10 : memref<16x1024xf32, #tpu.memory_space<vmem>>) offsets(%get3A_796 : vector<16xi32>) semaphore(%arg16 : memref<!tpu.dma_semaphore, #tpu.memory_space<semaphore_mem>>)
    %dma_wait3A_800 = arith.constant 0 : i32
    %dma_wait3A_801 = arith.constant 0 : i32
    %dma_wait3A_802 = tpu.memref_slice %arg3[%dma_wait3A_800, %dma_wait3A_801] : memref<4096x1024xf32, #tpu.memory_space<hbm>> -> memref<4096x1024xf32, #tpu.memory_space<hbm>>
    tpu.wait_indirect_dma semaphore(%arg19 : memref<!tpu.dma_semaphore, #tpu.memory_space<semaphore_mem>>) src(%dma_wait3A_802 : memref<4096x1024xf32, #tpu.memory_space<hbm>>) dst(%arg13 : memref<16x1024xf32, #tpu.memory_space<vmem>>)
    %add3A_803 = arith.constant 224 : i32
    %add3A_804 = arith.addi %mul3A_2, %add3A_803 : i32
    %dma_start3A_805 = arith.constant 0 : i32
    %dma_start3A_806 = tpu.memref_slice %arg5[%add3A_804, %dma_start3A_805] : memref<8192x1024xf32, #tpu.memory_space<hbm>> -> memref<16x1024xf32, #tpu.memory_space<hbm>>
    %dma_start3A_807 = arith.constant 0 : i32
    %dma_start3A_808 = tpu.memref_slice %arg5[%add3A_804, %dma_start3A_807] : memref<8192x1024xf32, #tpu.memory_space<hbm>> -> memref<16x1024xf32, #tpu.memory_space<hbm>>
    tpu.enqueue_dma source(%arg13 : memref<16x1024xf32, #tpu.memory_space<vmem>>) target(%dma_start3A_808 : memref<16x1024xf32, #tpu.memory_space<hbm>>) target_semaphore(%arg25 : memref<!tpu.dma_semaphore, #tpu.memory_space<semaphore_mem>>)
    %dma_wait3A_809 = arith.constant 0 : i32
    %dma_wait3A_810 = arith.constant 0 : i32
    %dma_wait3A_811 = tpu.memref_slice %arg4[%dma_wait3A_809, %dma_wait3A_810] : memref<4096x1024xf32, #tpu.memory_space<hbm>> -> memref<4096x1024xf32, #tpu.memory_space<hbm>>
    tpu.wait_indirect_dma semaphore(%arg20 : memref<!tpu.dma_semaphore, #tpu.memory_space<semaphore_mem>>) src(%dma_wait3A_811 : memref<4096x1024xf32, #tpu.memory_space<hbm>>) dst(%arg14 : memref<16x1024xf32, #tpu.memory_space<vmem>>)
    %add3A_812 = arith.constant 224 : i32
    %add3A_813 = arith.addi %mul3A_2, %add3A_812 : i32
    %dma_start3A_814 = arith.constant 0 : i32
    %dma_start3A_815 = tpu.memref_slice %arg6[%add3A_813, %dma_start3A_814] : memref<8192x1024xf32, #tpu.memory_space<hbm>> -> memref<16x1024xf32, #tpu.memory_space<hbm>>
    %dma_start3A_816 = arith.constant 0 : i32
    %dma_start3A_817 = tpu.memref_slice %arg6[%add3A_813, %dma_start3A_816] : memref<8192x1024xf32, #tpu.memory_space<hbm>> -> memref<16x1024xf32, #tpu.memory_space<hbm>>
    tpu.enqueue_dma source(%arg14 : memref<16x1024xf32, #tpu.memory_space<vmem>>) target(%dma_start3A_817 : memref<16x1024xf32, #tpu.memory_space<hbm>>) target_semaphore(%arg26 : memref<!tpu.dma_semaphore, #tpu.memory_space<semaphore_mem>>)
    %dma_wait3A_818 = arith.constant 0 : i32
    %dma_wait3A_819 = arith.constant 0 : i32
    %dma_wait3A_820 = tpu.memref_slice %arg3[%dma_wait3A_818, %dma_wait3A_819] : memref<4096x1024xf32, #tpu.memory_space<hbm>> -> memref<4096x1024xf32, #tpu.memory_space<hbm>>
    tpu.wait_indirect_dma semaphore(%arg15 : memref<!tpu.dma_semaphore, #tpu.memory_space<semaphore_mem>>) src(%dma_wait3A_820 : memref<4096x1024xf32, #tpu.memory_space<hbm>>) dst(%arg9 : memref<16x1024xf32, #tpu.memory_space<vmem>>)
    %add3A_821 = arith.constant 240 : i32
    %add3A_822 = arith.addi %mul3A_2, %add3A_821 : i32
    %dma_start3A_823 = arith.constant 0 : i32
    %dma_start3A_824 = tpu.memref_slice %arg5[%add3A_822, %dma_start3A_823] : memref<8192x1024xf32, #tpu.memory_space<hbm>> -> memref<16x1024xf32, #tpu.memory_space<hbm>>
    %dma_start3A_825 = arith.constant 0 : i32
    %dma_start3A_826 = tpu.memref_slice %arg5[%add3A_822, %dma_start3A_825] : memref<8192x1024xf32, #tpu.memory_space<hbm>> -> memref<16x1024xf32, #tpu.memory_space<hbm>>
    tpu.enqueue_dma source(%arg9 : memref<16x1024xf32, #tpu.memory_space<vmem>>) target(%dma_start3A_826 : memref<16x1024xf32, #tpu.memory_space<hbm>>) target_semaphore(%arg21 : memref<!tpu.dma_semaphore, #tpu.memory_space<semaphore_mem>>)
    %dma_wait3A_827 = arith.constant 0 : i32
    %dma_wait3A_828 = arith.constant 0 : i32
    %dma_wait3A_829 = tpu.memref_slice %arg4[%dma_wait3A_827, %dma_wait3A_828] : memref<4096x1024xf32, #tpu.memory_space<hbm>> -> memref<4096x1024xf32, #tpu.memory_space<hbm>>
    tpu.wait_indirect_dma semaphore(%arg16 : memref<!tpu.dma_semaphore, #tpu.memory_space<semaphore_mem>>) src(%dma_wait3A_829 : memref<4096x1024xf32, #tpu.memory_space<hbm>>) dst(%arg10 : memref<16x1024xf32, #tpu.memory_space<vmem>>)
    %add3A_830 = arith.constant 240 : i32
    %add3A_831 = arith.addi %mul3A_2, %add3A_830 : i32
    %dma_start3A_832 = arith.constant 0 : i32
    %dma_start3A_833 = tpu.memref_slice %arg6[%add3A_831, %dma_start3A_832] : memref<8192x1024xf32, #tpu.memory_space<hbm>> -> memref<16x1024xf32, #tpu.memory_space<hbm>>
    %dma_start3A_834 = arith.constant 0 : i32
    %dma_start3A_835 = tpu.memref_slice %arg6[%add3A_831, %dma_start3A_834] : memref<8192x1024xf32, #tpu.memory_space<hbm>> -> memref<16x1024xf32, #tpu.memory_space<hbm>>
    tpu.enqueue_dma source(%arg10 : memref<16x1024xf32, #tpu.memory_space<vmem>>) target(%dma_start3A_835 : memref<16x1024xf32, #tpu.memory_space<hbm>>) target_semaphore(%arg22 : memref<!tpu.dma_semaphore, #tpu.memory_space<semaphore_mem>>)
    %dma_wait3A_836 = arith.constant 0 : i32
    %dma_wait3A_837 = tpu.memref_slice %arg5[%add3A_766, %dma_wait3A_836] : memref<8192x1024xf32, #tpu.memory_space<hbm>> -> memref<16x1024xf32, #tpu.memory_space<hbm>>
    %dma_wait3A_838 = arith.constant 0 : i32
    %dma_wait3A_839 = tpu.memref_slice %arg5[%add3A_766, %dma_wait3A_838] : memref<8192x1024xf32, #tpu.memory_space<hbm>> -> memref<16x1024xf32, #tpu.memory_space<hbm>>
    tpu.wait_dma2 semaphore(%arg23 : memref<!tpu.dma_semaphore, #tpu.memory_space<semaphore_mem>>) src(%arg11 : memref<16x1024xf32, #tpu.memory_space<vmem>>) dst(%dma_wait3A_839 : memref<16x1024xf32, #tpu.memory_space<hbm>>)
    %dma_wait3A_840 = arith.constant 0 : i32
    %dma_wait3A_841 = tpu.memref_slice %arg6[%add3A_785, %dma_wait3A_840] : memref<8192x1024xf32, #tpu.memory_space<hbm>> -> memref<16x1024xf32, #tpu.memory_space<hbm>>
    %dma_wait3A_842 = arith.constant 0 : i32
    %dma_wait3A_843 = tpu.memref_slice %arg6[%add3A_785, %dma_wait3A_842] : memref<8192x1024xf32, #tpu.memory_space<hbm>> -> memref<16x1024xf32, #tpu.memory_space<hbm>>
    tpu.wait_dma2 semaphore(%arg24 : memref<!tpu.dma_semaphore, #tpu.memory_space<semaphore_mem>>) src(%arg12 : memref<16x1024xf32, #tpu.memory_space<vmem>>) dst(%dma_wait3A_843 : memref<16x1024xf32, #tpu.memory_space<hbm>>)
    %dma_wait3A_844 = arith.constant 0 : i32
    %dma_wait3A_845 = tpu.memref_slice %arg5[%add3A_804, %dma_wait3A_844] : memref<8192x1024xf32, #tpu.memory_space<hbm>> -> memref<16x1024xf32, #tpu.memory_space<hbm>>
    %dma_wait3A_846 = arith.constant 0 : i32
    %dma_wait3A_847 = tpu.memref_slice %arg5[%add3A_804, %dma_wait3A_846] : memref<8192x1024xf32, #tpu.memory_space<hbm>> -> memref<16x1024xf32, #tpu.memory_space<hbm>>
    tpu.wait_dma2 semaphore(%arg25 : memref<!tpu.dma_semaphore, #tpu.memory_space<semaphore_mem>>) src(%arg13 : memref<16x1024xf32, #tpu.memory_space<vmem>>) dst(%dma_wait3A_847 : memref<16x1024xf32, #tpu.memory_space<hbm>>)
    %dma_wait3A_848 = arith.constant 0 : i32
    %dma_wait3A_849 = tpu.memref_slice %arg6[%add3A_813, %dma_wait3A_848] : memref<8192x1024xf32, #tpu.memory_space<hbm>> -> memref<16x1024xf32, #tpu.memory_space<hbm>>
    %dma_wait3A_850 = arith.constant 0 : i32
    %dma_wait3A_851 = tpu.memref_slice %arg6[%add3A_813, %dma_wait3A_850] : memref<8192x1024xf32, #tpu.memory_space<hbm>> -> memref<16x1024xf32, #tpu.memory_space<hbm>>
    tpu.wait_dma2 semaphore(%arg26 : memref<!tpu.dma_semaphore, #tpu.memory_space<semaphore_mem>>) src(%arg14 : memref<16x1024xf32, #tpu.memory_space<vmem>>) dst(%dma_wait3A_851 : memref<16x1024xf32, #tpu.memory_space<hbm>>)
    %dma_wait3A_852 = arith.constant 0 : i32
    %dma_wait3A_853 = tpu.memref_slice %arg5[%add3A_822, %dma_wait3A_852] : memref<8192x1024xf32, #tpu.memory_space<hbm>> -> memref<16x1024xf32, #tpu.memory_space<hbm>>
    %dma_wait3A_854 = arith.constant 0 : i32
    %dma_wait3A_855 = tpu.memref_slice %arg5[%add3A_822, %dma_wait3A_854] : memref<8192x1024xf32, #tpu.memory_space<hbm>> -> memref<16x1024xf32, #tpu.memory_space<hbm>>
    tpu.wait_dma2 semaphore(%arg21 : memref<!tpu.dma_semaphore, #tpu.memory_space<semaphore_mem>>) src(%arg9 : memref<16x1024xf32, #tpu.memory_space<vmem>>) dst(%dma_wait3A_855 : memref<16x1024xf32, #tpu.memory_space<hbm>>)
    %dma_wait3A_856 = arith.constant 0 : i32
    %dma_wait3A_857 = tpu.memref_slice %arg6[%add3A_831, %dma_wait3A_856] : memref<8192x1024xf32, #tpu.memory_space<hbm>> -> memref<16x1024xf32, #tpu.memory_space<hbm>>
    %dma_wait3A_858 = arith.constant 0 : i32
    %dma_wait3A_859 = tpu.memref_slice %arg6[%add3A_831, %dma_wait3A_858] : memref<8192x1024xf32, #tpu.memory_space<hbm>> -> memref<16x1024xf32, #tpu.memory_space<hbm>>
    tpu.wait_dma2 semaphore(%arg22 : memref<!tpu.dma_semaphore, #tpu.memory_space<semaphore_mem>>) src(%arg10 : memref<16x1024xf32, #tpu.memory_space<vmem>>) dst(%dma_wait3A_859 : memref<16x1024xf32, #tpu.memory_space<hbm>>)
    return
  }
}

</mosaic_0001>

<sc_bundles>
// kernel: kernel.3.cloned.1.call-start
scs
__scs_entry_jumppad:
0x0: {  	(pc) =	sbr.rel $0x88, $3  }
0x1: {  	(tag) =	ssettag $0x0;
	lr =	simm.s32 $0x1  }
0x2: {  	[smem:$0x3F9E] =	sst lr;
	_ =	strace $0xD0000000  }
0x3: {  	_ = 	snop  }
0x4: {  	_ = 	snop  }
0x5: {  	_ = 	snop  }
0x6: {  	_ = 	snop  }
0x7: {  	_ = 	snop  }
__scs_overlays_trampoline_lowered:
0x8: {  	[smem:$0x3FAD] =	sst s0  }
0x9: {  	[smem:$0x3FAE] =	sst s1  }
0xa: {  	[smem:$0x3FAF] =	sst s2  }
0xb: {  	[smem:$0x3FB0] =	sst s3  }
0xc: {  	[smem:$0x3FB1] =	sst s4  }
0xd: {  	[smem:$0x3FB2] =	sst s5  }
0xe: {  	[smem:$0x3FB3] =	sst s6  }
0xf: {  	[smem:$0x3FB4] =	sst s7  }
0x10: {  	[smem:$0x3FB5] =	sst s8  }
0x11: {  	[smem:$0x3FB6] =	sst s9;
	s0 =	simm.s32 @!p0 $0x0  }
0x12: {  	s1 =	sld [smem:$0x3F9C];
	s0 =	simm.s32 @p0 $0x1  }
0x13: {  	[smem:$0x3FB7] =	sst s0;
	s0 =	simm.s32 @!p1 $0x0  }
0x14: {  	s2 =	sld [smem:$0x3F9B];
	s0 =	simm.s32 @p1 $0x1  }
0x15: {  	[smem:$0x3FB8] =	sst s0;
	s0 =	simm.s32 @!p2 $0x0  }
0x16: {  	s3 =	sld [smem:$0x3FDB];
	s0 =	simm.s32 @p2 $0x1  }
0x17: {  	s4 =	simm.s32 $0x1BF5;
	[smem:$0x3FBA] =	sst s0  }
0x18: {  	s0 =	sld [smem:$0x3F9D];
	_ =	swait.ge [sflag:s4], $0x0  }
0x19: {  	s7 =	sld [smem:$0x3F9E]  }
0x1a: {  	s8 =	sadd.s32 $0xFFFFE003, lr  }
0x1b: {  	s9 =	sadd.s32 $0xFFFFFEF7, lr;
	s5 =	simm.s32 $0xFFFFFFFF;
	p2 =	slt.u32 s8, $0xFFFFF086  }
0x1c: {  	p1 =	slt.u32 s9, $0xF7A;
	s5 =	simm.s32 @!p2 $0x0  }
0x1d: {  	s5 =	simm.s32 @p1 $0x1;
	p0 =	seq.s32 s7, s2  }
0x1e: {  	s7 =	smul.u32 @!p0 $0xF7A, s2;
	p2 =	seq.s32 @!p0 s5, $0x0  }
0x1f: {  	s9 =	smul.u32 $0xF7A, s1;
	s8 =	simm.s32 @!p0 $0x1BF5;
	p2 =	por !p2, p0  }
0x20: {  	[sflag:s8] =	ssyncset.s32 @!p0 $0xFFFFF086;
	s6 =	sadd.s32 @!p0 s3, s7;
	s7 =	simm.s32 @!p0 $0x108  }
0x21: {  	s3 =	sadd.s32 s3, s9;
	s6 =	sadd.s32 @!p0 $0x88, s6;
	s7 =	simm.s32 @p2 $0x1082  }
0x22: {  	[simem:s7], [sflag:s8] =	dma.local @!p0 [hbm:s6], $0xF7A  }
0x23: {  	s9 =	sor.u32 $0xD0000000, s2;
	s6 =	simm.s32 $0x108;
	_ =	swait.ge @!p0 [sflag:s8], $0x0  }
0x24: {  	s3 =	sadd.s32 $0x88, s3;
	s6 =	simm.s32 @!p1 $0x1082;
	[sflag:s4] =	ssyncset.s32 $0xFFFFF086  }
0x25: {  	[simem:s6], [sflag:s4] =	dma.local [hbm:s3], $0xF7A  }
0x26: {  	[smem:$0x3F9E] =	sst s1;
	(tag) =	ssettag s2;
	_ =	strace s9  }
0x27: {  	s1 =	sld [smem:$0x3FAE]  }
0x28: {  	s2 =	sld [smem:$0x3FAF]  }
0x29: {  	s4 =	sld [smem:$0x3FB1]  }
0x2a: {  	p0 =	seq.s32 s5, $0x0;
	s5 =	sld [smem:$0x3FB2]  }
0x2b: {  	s6 =	sld [smem:$0x3FB3]  }
0x2c: {  	s7 =	sld [smem:$0x3FB4]  }
0x2d: {  	s3 =	simm.s32 $0x108;
	s8 =	sld [smem:$0x3FB5]  }
0x2e: {  	s3 =	simm.s32 @!p0 $0x1082;
	s9 =	sld [smem:$0x3FB6]  }
0x2f: {  	lr =	sadd.s32 s0, s3;
	s0 =	sld [smem:$0x3FAD]  }
0x30: {  	s3 =	sld [smem:$0x3FB0]  }
0x31: {  	[smem:$0x3FB9] =	sst s10  }
0x32: {  	s10 =	sld [smem:$0x3FB7];
	_ =	sdelay $0x3  }
0x33: {  	p0 =	seq.s32 s10, $0x1;
	s10 =	sld [smem:$0x3FB9];
	_ =	sdelay $0x3  }
0x34: {  	[smem:$0x3FB9] =	sst s10  }
0x35: {  	s10 =	sld [smem:$0x3FB8];
	_ =	sdelay $0x3  }
0x36: {  	p1 =	seq.s32 s10, $0x1;
	s10 =	sld [smem:$0x3FB9];
	_ =	sdelay $0x3  }
0x37: {  	[smem:$0x3FB9] =	sst s10  }
0x38: {  	s10 =	sld [smem:$0x3FBA]  }
0x39: {  	_ = 	snop;
	(pc) =	sbr.ind lr, $3  }
0x3a: {  	_ = 	snop  }
0x3b: {  	_ = 	snop  }
0x3c: {  	p2 =	seq.s32 s10, $0x1;
	s10 =	sld [smem:$0x3FB9]  }
0x3d: {  	_ =	shalt  }
0x3e: {  	_ =	shalt  }
0x3f: {  	_ =	shalt  }
0x40: {  	_ =	shalt  }
0x41: {  	_ =	shalt  }
0x42: {  	_ =	shalt  }
0x43: {  	_ =	shalt  }
0x44: {  	_ =	shalt  }
0x45: {  	_ =	shalt  }
0x46: {  	_ =	shalt  }
0x47: {  	_ =	shalt  }
0x48: {  	_ =	shalt  }
0x49: {  	_ =	shalt  }
0x4a: {  	_ =	shalt  }
0x4b: {  	_ =	shalt  }
0x4c: {  	_ =	shalt  }
0x4d: {  	_ =	shalt  }
0x4e: {  	_ =	shalt  }
0x4f: {  	_ =	shalt  }
0x50: {  	_ =	shalt  }
0x51: {  	_ =	shalt  }
0x52: {  	_ =	shalt  }
0x53: {  	_ =	shalt  }
0x54: {  	_ =	shalt  }
0x55: {  	_ =	shalt  }
0x56: {  	_ =	shalt  }
0x57: {  	_ =	shalt  }
0x58: {  	_ =	shalt  }
0x59: {  	_ =	shalt  }
0x5a: {  	_ =	shalt  }
0x5b: {  	_ =	shalt  }
0x5c: {  	_ =	shalt  }
0x5d: {  	_ =	shalt  }
0x5e: {  	_ =	shalt  }
0x5f: {  	_ =	shalt  }
0x60: {  	_ =	shalt  }
0x61: {  	_ =	shalt  }
0x62: {  	_ =	shalt  }
0x63: {  	_ =	shalt  }
0x64: {  	_ =	shalt  }
0x65: {  	_ =	shalt  }
0x66: {  	_ =	shalt  }
0x67: {  	_ =	shalt  }
0x68: {  	_ =	shalt  }
0x69: {  	_ =	shalt  }
0x6a: {  	_ =	shalt  }
0x6b: {  	_ =	shalt  }
0x6c: {  	_ =	shalt  }
0x6d: {  	_ =	shalt  }
0x6e: {  	_ =	shalt  }
0x6f: {  	_ =	shalt  }
0x70: {  	_ =	shalt  }
0x71: {  	_ =	shalt  }
0x72: {  	_ =	shalt  }
0x73: {  	_ =	shalt  }
0x74: {  	_ =	shalt  }
0x75: {  	_ =	shalt  }
0x76: {  	_ =	shalt  }
0x77: {  	_ =	shalt  }
0x78: {  	_ =	shalt  }
0x79: {  	_ =	shalt  }
0x7a: {  	_ =	shalt  }
0x7b: {  	_ =	shalt  }
0x7c: {  	_ =	shalt  }
0x7d: {  	_ =	shalt  }
0x7e: {  	_ =	shalt  }
0x7f: {  	_ =	shalt  }
0x80: {  	_ =	shalt  }
0x81: {  	_ =	shalt  }
0x82: {  	_ =	shalt  }
0x83: {  	_ =	shalt  }
0x84: {  	_ =	shalt  }
0x85: {  	_ =	shalt  }
0x86: {  	_ =	shalt  }
0x87: {  	_ =	shalt  }
.Lfunc_end0:
.L_simem_size_0:
called_computation_lowered:
.L_overlay_start_0:
0x88: {  	s2 =	sld [smem:$0x3FD9]  }
0x89: {  	s3 =	sld [smem:$0x3FFE];
	_ =	sdelay $0x1  }
0x8a: {  	s1 =	srdreg.scid  }
0x8b: {  	s0 =	sand.u32 $0x1, s1  }
0x8c: {  	s14 =	sshll.u32 s0, $0xA;
	s2 =	sadd.s32 s3, s2  }
0x8d: {  	s2 =	sadd.s32 s2, s14  }
0x8e: {  	[smem:$0x3FC5] =	sst s2  }
0x8f: {  	_ = 	snop  }
0x90: {  	s2 =	sld [smem:$0x3FD0];
	_ =	sdelay $0x1  }
0x91: {  	s15 =	sld [smem:$0x3FC8]  }
0x92: {  	s5 =	simm.s32 $0xA;
	s6 =	simm.s32 $0x10;
	s4 =	sld [smem:$0x3FC7]  }
0x93: {  	[smem:s6], [sflag:s5] =	dma.local [hbm:s2], $0x1  }
0x94: {  	_ =	swait.eq [sflag:s5], $0x1  }
0x95: {  	[sflag:s5] =	ssyncset.done $0x0  }
0x96: {  	s16 =	sld [smem:$0x10];
	[sflag:s5] =	ssyncadd.s32 $0xFFFFFFFF  }
0x97: {  	s17 =	sld [smem:$0x11];
	(tm) =	ssettm $0x1  }
0x98: {  	s18 =	sld [smem:$0x3FFB];
	_ =	sdelay $0x3  }
0x99: {  	_ =	strace s18  }
0x9a: {  	s6 =	sld [smem:$0x3FFC];
	_ =	sdelay $0x3  }
0x9b: {  	_ =	strace s6  }
0x9c: {  	s6 =	sld [smem:$0x3FFD];
	_ =	sdelay $0x3  }
0x9d: {  	_ =	strace s6  }
0x9e: {  	_ =	strace $0x8FFFFFFF  }
0x9f: {  	s19 =	sld [smem:$0x3FDB];
	_ =	sdelay $0x1  }
0xa0: {  	s7 =	simm.s32 $_scs_section_size  }
0xa1: {  	s8 =	simm.s32 $_size__tile_overlayer_lowered;
	s9 =	simm.s32 $_tile_overlayer_lowered  }
0xa2: {  	s22 =	simm.s32 $0x1BFF;
	s21 =	sshll.u32 s9, $0x1;
	s6 =	sadd.s32 s7, s19  }
0xa3: {  	s10 =	simm.s32 $0x0;
	s20 =	sshll.u32 s8, $0x1;
	s8 =	sadd.s32 s21, s6  }
0xa4: {  	[timem:s10], [sflag:s22] =	dma.local [hbm:s8], s20  }
0xa5: {  	_ =	swait.ge [sflag:s22], s20  }
0xa6: {  	s7 =	ssub.s32 $0x0, s20;
	[sflag:s22] =	ssyncset.done $0x0  }
0xa7: {  	[sflag:s22] =	ssyncadd.s32 s7;
	_ =	sdelay $0x1  }
0xa8: {  	s23 =	simm.s32 $0x1B8B  }
0xa9: {  	_ =	swait.ge [sflag:s23], $0x1  }
0xaa: {  	[sflag:s23] =	ssyncset.done $0x0  }
0xab: {  	s25 =	simm.s32 $0x1B8E;
	s24 =	sld [smem:$0x3FFE];
	[sflag:s23] =	ssyncadd.s32 $0xFFFFFFFF  }
0xac: {  	s26 =	simm.s32 $execute0_lowered;
	[smem:$0x3FD2] =	sst s25  }
0xad: {  	s8 =	sshll.u32 s26, $0x1;
	_ =	strace $0x80000046;
	[dreg:$0x1] =	wrdreg $0xFFFFFFFF  }
0xae: {  	s28 =	simm.s32 $_size_execute0_lowered;
	s6 =	sadd.s32 s6, s8;
	[dreg:$0x0] =	wrdreg $0x0  }
0xaf: {  	s8 =	sshll.u32 s28, $0x1;
	[dreg:$0x2] =	wrdreg s6  }
0xb0: {  	[dreg:$0x3] =	wrdreg s8  }
0xb1: {  	[dreg:$0x4] =	wrdreg $0xC0  }
0xb2: {  	_ =	task [dreg:s10], $0x5FFFF  }
0xb3: {  	[dreg:$0x1] =	wrdreg $0xFFFFFFFF  }
0xb4: {  	[dreg:$0x0] =	wrdreg $0x60  }
0xb5: {  	[dreg:$0x2] =	wrdreg s24  }
0xb6: {  	[dreg:$0x3] =	wrdreg s15  }
0xb7: {  	[dreg:$0x4] =	wrdreg s4  }
0xb8: {  	[dreg:$0x5] =	wrdreg s16  }
0xb9: {  	[dreg:$0x6] =	wrdreg s17  }
0xba: {  	[dreg:$0x7] =	wrdreg $0x9  }
0xbb: {  	_ =	task.clear_ibuf [dreg:s10], $0x8FFFF;
	_ =	strace $0x90000046  }
0xbc: {  	s29 =	simm.s32 $0x9;
	_ =	strace $0x80000048  }
0xbd: {  	_ =	swait.ge [sflag:s29], $0x1  }
0xbe: {  	[sflag:s29] =	ssyncadd.s32 $0xFFFFFFFF  }
0xbf: {  	_ =	strace $0x90000048  }
0xc0: {  	_ =	sfence  }
0xc1: {  	s30 =	sld [smem:$0x0];
	_ =	sdelay $0x2  }
0xc2: {  	s31 =	sshll.u32 s1, $0xD;
	s1 =	sshrl.u32 s1, $0x2  }
0xc3: {  	s3 =	sand.u32 $0x4000, s31;
	s1 =	sadd.s32 s1, s30  }
0xc4: {  	s0 =	sor.u32 s3, s0;
	s1 =	sshll.u32 s1, $0x11  }
0xc5: {  	s0 =	sor.u32 s1, s0  }
0xc6: {  	s0 =	sadd.s32 $0x8F2B, s0  }
0xc7: {  	[sflag:s0] =	ssyncadd.remote.s32 $0x1  }
0xc8: {  	_ =	sfence.sel $0xFFFF  }
0xc9: {  	[dreg:$0x0] =	wrdreg $0xFFFFFFFF;
	(pc) =	sbr.abs _section_cstart, $3  }
0xca: {  	[dreg:$0x1] =	wrdreg $0xFFFFFFFF  }
0xcb: {  	_ =	task.clear_ibuf [dreg:s10], $0x2FFFF;
	_ =	strace $0x9FFFFFFF  }
0xcc: {  	(tm) =	ssettm $0x7FFFFFFF  }
0xcd: {  	_ =	shalt  }
tec
execute0_lowered:
.L_overlay_start_1:
0x0: {  	(tag) =	ssettag $0x1  }
0x1: {  	s5 =	rddreg [dreg:$0x0]  }
0x2: {  	s1 =	rddreg [dreg:$0x1];
	s0 =	srdreg.scid  }
0x3: {  	s2 =	rddreg [dreg:$0x2];
	s3 =	stileid.u32;
	s6 =	sand.u32 $0x1, s0  }
0x4: {  	s0 =	rddreg [dreg:$0x3];
	s4 =	sshll.u32 s3, $0x9;
	s7 =	sshll.u32 s6, $0x8  }
0x5: {  	s3 =	rddreg [dreg:$0x4];
	s7 =	sor.u32 s7, s4  }
0x6: {  	s4 =	simm.s32 $0x0;
	s8 =	sshrl.u32 s7, $0x3;
	s9 =	sshll.u32 s7, $0x7  }
0x7: {  	[smem:$0x7FF] =	sst s4;
	s5 =	sadd.s32 s8, s5;
	s7 =	sadd.s32 s0, s9  }
0x8: {  	_ =	strace $0x80000047;
	s8 =	sadd.s32 s3, s9;
	[dreg:$0x7] =	wrdreg s7  }
0x9: {  	s12 =	sor.u32 $0x1000, s9;
	s5 =	sadd.s32 $0x800, s5;
	[dreg:$0x8] =	wrdreg s8  }
0xa: {  	s13 =	sadd.s32 s0, s12;
	[dreg:$0x6] =	wrdreg s5  }
0xb: {  	s15 =	sor.u32 $0x1800, s9;
	s14 =	sadd.s32 s3, s12;
	[dreg:$0xb] =	wrdreg s13  }
0xc: {  	s16 =	sadd.s32 s0, s15;
	[dreg:$0xc] =	wrdreg s14  }
0xd: {  	s18 =	sor.u32 $0x2000, s9;
	s17 =	sadd.s32 s3, s15;
	[dreg:$0xd] =	wrdreg s16  }
0xe: {  	s28 =	simm.s32 $0x1;
	s19 =	sadd.s32 s0, s18;
	[dreg:$0xe] =	wrdreg s17  }
0xf: {  	s21 =	sor.u32 $0x2800, s9;
	s20 =	sadd.s32 s3, s18;
	[dreg:$0xf] =	wrdreg s19  }
0x10: {  	s31 =	simm.s32 $0x2;
	s22 =	sadd.s32 s0, s21;
	[dreg:$0x10] =	wrdreg s20  }
0x11: {  	s24 =	sor.u32 $0x3000, s9;
	s23 =	sadd.s32 s3, s21;
	[dreg:$0x11] =	wrdreg s22  }
0x12: {  	s6 =	ssub.s32 $0x2, s6;
	s25 =	sadd.s32 s0, s24;
	[dreg:$0x12] =	wrdreg s23  }
0x13: {  	s29 =	sor.u32 $0x3800, s9;
	s26 =	sadd.s32 s3, s24;
	[dreg:$0x13] =	wrdreg s25  }
0x14: {  	s7 =	sor.u32 $0x800, s9;
	s30 =	sadd.s32 s0, s29;
	[dreg:$0x14] =	wrdreg s26  }
0x15: {  	s8 =	sadd.s32 s3, s29;
	s29 =	sor.u32 $0x7800, s9;
	[dreg:$0x15] =	wrdreg s30  }
0x16: {  	s10 =	sadd.s32 s0, s7;
	s11 =	sadd.s32 s3, s7;
	[dreg:$0x16] =	wrdreg s8  }
0x17: {  	s13 =	sor.u32 $0x4800, s9;
	s14 =	sshrl.u32 s6, $0x1;
	[dreg:$0x9] =	wrdreg s10  }
0x18: {  	s17 =	sor.u32 $0x5000, s9;
	s30 =	sadd.s32 s3, s29;
	[dreg:$0xa] =	wrdreg s11  }
0x19: {  	s20 =	sor.u32 $0x5800, s9;
	s15 =	sadd.s32 s0, s13;
	[smem:$0x7FD] =	sst s30  }
0x1a: {  	s5 =	sadd.s32 $0x100, s1;
	s16 =	sadd.s32 s3, s13;
	[dreg:$0x19] =	wrdreg s15  }
0x1b: {  	s22 =	sor.u32 $0x6000, s9;
	s18 =	sadd.s32 s0, s17;
	[dreg:$0x1a] =	wrdreg s16  }
0x1c: {  	s10 =	sor.u32 $0x4000, s9;
	s19 =	sadd.s32 s3, s17;
	[dreg:$0x1b] =	wrdreg s18  }
0x1d: {  	s21 =	sadd.s32 s0, s20;
	s7 =	sadd.s32 s3, s20;
	[dreg:$0x1c] =	wrdreg s19  }
0x1e: {  	s23 =	sadd.s32 s0, s22;
	s8 =	sadd.s32 s3, s22;
	[dreg:$0x1d] =	wrdreg s21  }
0x1f: {  	s17 =	simm.s32 $0x3;
	s11 =	sadd.s32 s0, s10;
	[dreg:$0x1e] =	wrdreg s7  }
0x20: {  	s12 =	sadd.s32 s3, s10;
	[dreg:$0x1f] =	wrdreg s23;
	s10 =	sor.u32 $0x6800, s9  }
0x21: {  	s7 =	sadd.s32 $0x300, s1;
	[smem:$0x7F7] =	sst s8;
	s8 =	sadd.s32 $0x100, s2  }
0x22: {  	s16 =	simm.s32 $0x7;
	s18 =	simm.s32 $0x8;
	[dreg:$0x17] =	wrdreg s11  }
0x23: {  	s19 =	simm.s32 $0x4;
	[dreg:$0x18] =	wrdreg s12;
	s24 =	sadd.s32 s0, s10  }
0x24: {  	s10 =	sadd.s32 s3, s10;
	s12 =	sor.u32 $0x7000, s9;
	[smem:$0x7F8] =	sst s24  }
0x25: {  	s11 =	ssub.s32 s6, s14;
	[smem:$0x7F9] =	sst s10;
	s25 =	sadd.s32 s0, s12  }
0x26: {  	v2 =	vlaneseq.u32;
	s6 =	sadd.s32 $0x200, s1;
	s26 =	sadd.s32 s3, s12;
	[smem:$0x7FA] =	sst s25  }
0x27: {  	vm0 =	vmmov $0xffff;
	v1 =	vshrl.u32 v2, $0x3;
	s9 =	sadd.s32 $0x200, s2;
	s0 =	sadd.s32 s0, s29;
	[smem:$0x7FB] =	sst s26  }
0x28: {  	v0 =	vand.u32 $0x7, v2;
	v2 =	vor.u32 $0x8, v2;
	v1 =	vmul.u32 $0x8, v1;
	s10 =	sadd.s32 $0x300, s2;
	[smem:$0x7FC] =	sst s0;
	s0 =	smax.u32 s11, $0x1  }
.LBB2_1:
0x29: {  	[smem:$0x7F6] =	sst s0  }
0x2a: {  	s26 =	rddreg [dreg:$0x6];
	s22 =	simm.s32 $0xD  }
0x2b: {  	[tilespmem:s4], [sflag:$0xD] =	stream.linear.gather [hbm4b:s26+s4], $0x100, $0x38;
	[tilespmem:$0x18200] =	vst v63  }
0x2c: {  	_ =	swait.ge [sflag:s22], $0x100  }
0x2d: {  	[sflag:s22] =	ssyncset.done $0x0  }
0x2e: {  	[sflag:s22] =	ssyncadd.s32 $0xFFFFFF00  }
0x2f: {  	v3 =	vld [tilespmem:$0x0]  }
0x30: {  	v4 =	vld [tilespmem:$0x10]  }
0x31: {  	v5 =	vld [tilespmem:$0x20];
	_ =	sdelay $0x2  }
0x32: {  	v6 =	vld [tilespmem:$0x30];
	vm1 =	vgt.s32 v3, $0xFFFFF800  }
0x33: {  	v7 =	vld [tilespmem:$0x40];
	v3 =	vnsel vm1, $0xFFFFF800, v3;
	vm1 =	vgt.s32 v4, $0xFFFFF800  }
0x34: {  	v8 =	vld [tilespmem:$0x50];
	vm2 =	vlt.s32 v3, $0x7FF;
	v4 =	vnsel vm1, $0xFFFFF800, v4;
	vm1 =	vgt.s32 v5, $0xFFFFF800  }
0x35: {  	v3 =	vnsel vm2, $0x7FF, v3;
	vm2 =	vlt.s32 v4, $0x7FF;
	v5 =	vnsel vm1, $0xFFFFF800, v5  }
0x36: {  	v9 =	vadd.s32 $0x800, v3;
	v4 =	vnsel vm2, $0x7FF, v4;
	vm1 =	vlt.s32 v5, $0x7FF  }
0x37: {  	v4 =	vadd.s32 $0x800, v4;
	v5 =	vnsel vm1, $0x7FF, v5;
	vm1 =	vgt.s32 v6, $0xFFFFF800  }
0x38: {  	v5 =	vadd.s32 $0x800, v5;
	v6 =	vnsel vm1, $0xFFFFF800, v6;
	vm1 =	vgt.s32 v7, $0xFFFFF800  }
0x39: {  	[tilespmem:$0x100] =	vst v9;
	vm2 =	vlt.s32 v6, $0x7FF;
	v7 =	vnsel vm1, $0xFFFFF800, v7;
	vm1 =	vgt.s32 v8, $0xFFFFF800  }
0x3a: {  	[tilespmem:$0x110] =	vst v4;
	v10 =	vnsel vm2, $0x7FF, v6;
	vm2 =	vlt.s32 v7, $0x7FF;
	v11 =	vnsel vm1, $0xFFFFF800, v8  }
0x3b: {  	[tilespmem:$0x120] =	vst v5;
	v4 =	vadd.s32 $0x800, v10;
	v12 =	vnsel vm2, $0x7FF, v7;
	vm1 =	vlt.s32 v11, $0x7FF  }
0x3c: {  	[tilespmem:$0x130] =	vst v4;
	v13 =	vadd.s32 $0x800, v12;
	v14 =	vnsel vm1, $0x7FF, v11  }
0x3d: {  	[tilespmem:$0x140] =	vst v13;
	v15 =	vadd.s32 $0x800, v14  }
0x3e: {  	[tilespmem:$0x150] =	vst v15  }
0x3f: {  	v4 =	vld [tilespmem:$0x60]  }
0x40: {  	v16 =	vld [tilespmem:$0x70];
	_ =	sdelay $0x2  }
0x41: {  	v18 =	vld [tilespmem:$0x90]  }
0x42: {  	v19 =	vld [tilespmem:$0xA0];
	vm1 =	vgt.s32 v4, $0xFFFFF800  }
0x43: {  	v4 =	vnsel vm1, $0xFFFFF800, v4;
	vm1 =	vgt.s32 v16, $0xFFFFF800  }
0x44: {  	v9 =	vshll.u32 v9, $0x3;
	v17 =	vld [tilespmem:$0x80];
	v5 =	vnsel vm1, $0xFFFFF800, v16  }
0x45: {  	v3 =	vand.u32 $0x7, v3;
	v9 =	vand.u32 $0x7FFFFFC0, v9;
	v10 =	vld [tilespmem:$0xB0];
	vm1 =	vlt.s32 v5, $0x7FF  }
0x46: {  	v3 =	vor.u32 v3, v9;
	v5 =	vnsel vm1, $0x7FF, v5;
	vm1 =	vgt.s32 v18, $0xFFFFF800  }
0x47: {  	v27 =	vperm.xlane v3, v0;
	v7 =	vnsel vm1, $0xFFFFF800, v18;
	vm1 =	vgt.s32 v19, $0xFFFFF800  }
0x48: {  	v11 =	vld [tilespmem:$0xC0];
	vm2 =	vlt.s32 v4, $0x7FF;
	v8 =	vnsel vm1, $0xFFFFF800, v19;
	vm1 =	vlt.s32 v7, $0x7FF  }
0x49: {  	v12 =	vld [tilespmem:$0xD0];
	v4 =	vnsel vm2, $0x7FF, v4;
	v7 =	vnsel vm1, $0x7FF, v7;
	vm1 =	vlt.s32 v8, $0x7FF  }
0x4a: {  	vm2 =	vgt.s32 v17, $0xFFFFF800;
	v8 =	vnsel vm1, $0x7FF, v8;
	vm1 =	vgt.s32 v10, $0xFFFFF800  }
0x4b: {  	v6 =	vnsel vm2, $0xFFFFF800, v17;
	v4 =	vadd.s32 $0x800, v4;
	v10 =	vnsel vm1, $0xFFFFF800, v10  }
0x4c: {  	v13 =	vld [tilespmem:$0xE0];
	vm2 =	vlt.s32 v6, $0x7FF;
	v5 =	vadd.s32 $0x800, v5;
	vm1 =	vlt.s32 v10, $0x7FF  }
0x4d: {  	v20 =	vld [tilespmem:$0xF0];
	v6 =	vnsel vm2, $0x7FF, v6;
	v10 =	vnsel vm1, $0x7FF, v10;
	vm1 =	vgt.s32 v11, $0xFFFFF800  }
0x4e: {  	[tilespmem:$0x160] =	vst v4;
	v6 =	vadd.s32 $0x800, v6;
	v22 =	vnsel vm1, $0xFFFFF800, v11;
	vm1 =	vgt.s32 v12, $0xFFFFF800  }
0x4f: {  	[tilespmem:$0x170] =	vst v5;
	v21 =	vadd.s32 $0x800, v7;
	v24 =	vnsel vm1, $0xFFFFF800, v12;
	vm1 =	vlt.s32 v22, $0x7FF  }
0x50: {  	[tilespmem:$0x180] =	vst v6;
	v23 =	vadd.s32 $0x800, v8;
	v7 =	vnsel vm1, $0x7FF, v22;
	vm1 =	vlt.s32 v24, $0x7FF  }
0x51: {  	[tilespmem:$0x190] =	vst v21;
	v8 =	vadd.s32 v1, v27;
	v26 =	vnsel vm1, $0x7FF, v24;
	vm1 =	vgt.s32 v13, $0xFFFFF800  }
0x52: {  	[tilespmem:$0x1A0] =	vst v23;
	v25 =	vadd.s32 $0x800, v10;
	v29 =	vnsel vm1, $0xFFFFF800, v13;
	vm1 =	vgt.s32 v20, $0xFFFFF800  }
0x53: {  	[tilespmem:$0x1B0] =	vst v25;
	v28 =	vadd.s32 $0x800, v7;
	v30 =	vnsel vm1, $0xFFFFF800, v20;
	vm1 =	vlt.s32 v29, $0x7FF  }
0x54: {  	[tilespmem:$0x1C0] =	vst v28;
	v4 =	vadd.s32 $0x800, v26;
	v31 =	vnsel vm1, $0x7FF, v29;
	vm1 =	vlt.s32 v30, $0x7FF  }
0x55: {  	[tilespmem:$0x1D0] =	vst v4;
	v32 =	vnsel vm1, $0x7FF, v30;
	v5 =	vadd.s32 $0x800, v31  }
0x56: {  	[tilespmem:$0x1E0] =	vst v5;
	v4 =	vadd.s32 $0x800, v32  }
0x57: {  	s23 =	simm.s32 $0x200;
	[tilespmem:$0x1F0] =	vst v4  }
0x58: {  	[tilespmem:s23], [sflag:$0x1] =	stream.indirect_vreg.gather [hbm4b:s1+s4], $0x80, v8, vm0, $0xb8;
	[tilespmem:$0x18200] =	vst v63  }
0x59: {  	s24 =	simm.s32 $0xA00;
	v3 =	vperm.xlane v3, v2  }
0x5a: {  	[tilespmem:s24], [sflag:$0x1] =	stream.indirect_vreg.gather [hbm4b:s5+s4], $0x80, v8, vm0, $0xb8;
	[tilespmem:$0x18200] =	vst v63  }
0x5b: {  	s25 =	simm.s32 $0x1200;
	v3 =	vadd.s32 v1, v3  }
0x5c: {  	[tilespmem:s25], [sflag:$0x1] =	stream.indirect_vreg.gather [hbm4b:s6+s4], $0x80, v8, vm0, $0xb8;
	[tilespmem:$0x18200] =	vst v63  }
0x5d: {  	s26 =	simm.s32 $0x1A00  }
0x5e: {  	[tilespmem:s26], [sflag:$0x1] =	stream.indirect_vreg.gather [hbm4b:s7+s4], $0x80, v8, vm0, $0xb8;
	[tilespmem:$0x18200] =	vst v63  }
0x5f: {  	s29 =	simm.s32 $0x2200  }
0x60: {  	[tilespmem:s29], [sflag:$0x1] =	stream.indirect_vreg.gather [hbm4b:s1+s4], $0x80, v3, vm0, $0xb8;
	[tilespmem:$0x18200] =	vst v63  }
0x61: {  	s30 =	simm.s32 $0x2A00  }
0x62: {  	[tilespmem:s30], [sflag:$0x1] =	stream.indirect_vreg.gather [hbm4b:s5+s4], $0x80, v3, vm0, $0xb8;
	[tilespmem:$0x18200] =	vst v63  }
0x63: {  	s11 =	simm.s32 $0x3200  }
0x64: {  	[tilespmem:s11], [sflag:$0x1] =	stream.indirect_vreg.gather [hbm4b:s6+s4], $0x80, v3, vm0, $0xb8;
	[tilespmem:$0x18200] =	vst v63  }
0x65: {  	s12 =	simm.s32 $0x3A00  }
0x66: {  	[tilespmem:s12], [sflag:$0x1] =	stream.indirect_vreg.gather [hbm4b:s7+s4], $0x80, v3, vm0, $0xb8;
	[tilespmem:$0x18200] =	vst v63  }
0x67: {  	v3 =	vld [tilespmem:$0x100];
	_ =	sdelay $0x4  }
0x68: {  	v33 =	vshll.u32 v3, $0x3  }
0x69: {  	v3 =	vand.u32 $0x7, v3;
	v4 =	vand.u32 $0xFFFFFFC0, v33  }
0x6a: {  	v3 =	vor.u32 v3, v4  }
0x6b: {  	v4 =	vperm.xlane v3, v0;
	_ =	sdelay $0x1  }
0x6c: {  	v4 =	vadd.s32 v1, v4;
	_ =	sdelay $0x3  }
0x6d: {  	s13 =	simm.s32 $0x4200  }
0x6e: {  	[tilespmem:s13], [sflag:$0x2] =	stream.indirect_vreg.gather [hbm4b:s2+s4], $0x80, v4, vm0, $0xb8;
	[tilespmem:$0x18200] =	vst v63  }
0x6f: {  	s14 =	simm.s32 $0x4A00;
	v3 =	vperm.xlane v3, v2  }
0x70: {  	[tilespmem:s14], [sflag:$0x2] =	stream.indirect_vreg.gather [hbm4b:s8+s4], $0x80, v4, vm0, $0xb8;
	[tilespmem:$0x18200] =	vst v63  }
0x71: {  	s20 =	simm.s32 $0x5200;
	v3 =	vadd.s32 v1, v3  }
0x72: {  	[tilespmem:s20], [sflag:$0x2] =	stream.indirect_vreg.gather [hbm4b:s9+s4], $0x80, v4, vm0, $0xb8;
	[tilespmem:$0x18200] =	vst v63  }
0x73: {  	s21 =	simm.s32 $0x5A00  }
0x74: {  	[tilespmem:s21], [sflag:$0x2] =	stream.indirect_vreg.gather [hbm4b:s10+s4], $0x80, v4, vm0, $0xb8;
	[tilespmem:$0x18200] =	vst v63  }
0x75: {  	s22 =	simm.s32 $0x6200  }
0x76: {  	[tilespmem:s22], [sflag:$0x2] =	stream.indirect_vreg.gather [hbm4b:s2+s4], $0x80, v3, vm0, $0xb8;
	[tilespmem:$0x18200] =	vst v63  }
0x77: {  	s23 =	simm.s32 $0x6A00  }
0x78: {  	[tilespmem:s23], [sflag:$0x2] =	stream.indirect_vreg.gather [hbm4b:s8+s4], $0x80, v3, vm0, $0xb8;
	[tilespmem:$0x18200] =	vst v63  }
0x79: {  	s24 =	simm.s32 $0x7200  }
0x7a: {  	[tilespmem:s24], [sflag:$0x2] =	stream.indirect_vreg.gather [hbm4b:s9+s4], $0x80, v3, vm0, $0xb8;
	[tilespmem:$0x18200] =	vst v63  }
0x7b: {  	s25 =	simm.s32 $0x7A00  }
0x7c: {  	[tilespmem:s25], [sflag:$0x2] =	stream.indirect_vreg.gather [hbm4b:s10+s4], $0x80, v3, vm0, $0xb8;
	[tilespmem:$0x18200] =	vst v63  }
0x7d: {  	v3 =	vld [tilespmem:$0x110];
	_ =	sdelay $0x4  }
0x7e: {  	v34 =	vshll.u32 v3, $0x3  }
0x7f: {  	v3 =	vand.u32 $0x7, v3;
	v4 =	vand.u32 $0xFFFFFFC0, v34  }
0x80: {  	v3 =	vor.u32 v3, v4  }
0x81: {  	v4 =	vperm.xlane v3, v0;
	_ =	sdelay $0x1  }
0x82: {  	v4 =	vadd.s32 v1, v4;
	_ =	sdelay $0x3  }
0x83: {  	s26 =	simm.s32 $0x8200  }
0x84: {  	[tilespmem:s26], [sflag:$0x3] =	stream.indirect_vreg.gather [hbm4b:s1+s4], $0x80, v4, vm0, $0xb8;
	[tilespmem:$0x18200] =	vst v63  }
0x85: {  	s29 =	simm.s32 $0x8A00;
	v3 =	vperm.xlane v3, v2  }
0x86: {  	[tilespmem:s29], [sflag:$0x3] =	stream.indirect_vreg.gather [hbm4b:s5+s4], $0x80, v4, vm0, $0xb8;
	[tilespmem:$0x18200] =	vst v63  }
0x87: {  	s30 =	simm.s32 $0x9200;
	v3 =	vadd.s32 v1, v3  }
0x88: {  	[tilespmem:s30], [sflag:$0x3] =	stream.indirect_vreg.gather [hbm4b:s6+s4], $0x80, v4, vm0, $0xb8;
	[tilespmem:$0x18200] =	vst v63  }
0x89: {  	s14 =	simm.s32 $0x9A00  }
0x8a: {  	[tilespmem:s14], [sflag:$0x3] =	stream.indirect_vreg.gather [hbm4b:s7+s4], $0x80, v4, vm0, $0xb8;
	[tilespmem:$0x18200] =	vst v63  }
0x8b: {  	s21 =	simm.s32 $0xA200  }
0x8c: {  	[tilespmem:s21], [sflag:$0x3] =	stream.indirect_vreg.gather [hbm4b:s1+s4], $0x80, v3, vm0, $0xb8;
	[tilespmem:$0x18200] =	vst v63  }
0x8d: {  	s22 =	simm.s32 $0xAA00  }
0x8e: {  	[tilespmem:s22], [sflag:$0x3] =	stream.indirect_vreg.gather [hbm4b:s5+s4], $0x80, v3, vm0, $0xb8;
	[tilespmem:$0x18200] =	vst v63  }
0x8f: {  	s24 =	simm.s32 $0xB200  }
0x90: {  	[tilespmem:s24], [sflag:$0x3] =	stream.indirect_vreg.gather [hbm4b:s6+s4], $0x80, v3, vm0, $0xb8;
	[tilespmem:$0x18200] =	vst v63  }
0x91: {  	s26 =	simm.s32 $0xBA00  }
0x92: {  	[tilespmem:s26], [sflag:$0x3] =	stream.indirect_vreg.gather [hbm4b:s7+s4], $0x80, v3, vm0, $0xb8;
	[tilespmem:$0x18200] =	vst v63  }
0x93: {  	v3 =	vld [tilespmem:$0x110];
	_ =	sdelay $0x4  }
0x94: {  	v35 =	vshll.u32 v3, $0x3  }
0x95: {  	v3 =	vand.u32 $0x7, v3;
	v4 =	vand.u32 $0xFFFFFFC0, v35  }
0x96: {  	v3 =	vor.u32 v3, v4  }
0x97: {  	v4 =	vperm.xlane v3, v0;
	_ =	sdelay $0x1  }
0x98: {  	v4 =	vadd.s32 v1, v4;
	_ =	sdelay $0x3  }
0x99: {  	s29 =	simm.s32 $0xC200  }
0x9a: {  	[tilespmem:s29], [sflag:$0x4] =	stream.indirect_vreg.gather [hbm4b:s2+s4], $0x80, v4, vm0, $0xb8;
	[tilespmem:$0x18200] =	vst v63  }
0x9b: {  	s30 =	simm.s32 $0xCA00;
	v3 =	vperm.xlane v3, v2  }
0x9c: {  	[tilespmem:s30], [sflag:$0x4] =	stream.indirect_vreg.gather [hbm4b:s8+s4], $0x80, v4, vm0, $0xb8;
	[tilespmem:$0x18200] =	vst v63  }
0x9d: {  	s14 =	simm.s32 $0xD200;
	v3 =	vadd.s32 v1, v3  }
0x9e: {  	[tilespmem:s14], [sflag:$0x4] =	stream.indirect_vreg.gather [hbm4b:s9+s4], $0x80, v4, vm0, $0xb8;
	[tilespmem:$0x18200] =	vst v63  }
0x9f: {  	s21 =	simm.s32 $0xDA00  }
0xa0: {  	[tilespmem:s21], [sflag:$0x4] =	stream.indirect_vreg.gather [hbm4b:s10+s4], $0x80, v4, vm0, $0xb8;
	[tilespmem:$0x18200] =	vst v63  }
0xa1: {  	s22 =	simm.s32 $0xE200  }
0xa2: {  	[tilespmem:s22], [sflag:$0x4] =	stream.indirect_vreg.gather [hbm4b:s2+s4], $0x80, v3, vm0, $0xb8;
	[tilespmem:$0x18200] =	vst v63  }
0xa3: {  	s26 =	simm.s32 $0xEA00  }
0xa4: {  	[tilespmem:s26], [sflag:$0x4] =	stream.indirect_vreg.gather [hbm4b:s8+s4], $0x80, v3, vm0, $0xb8;
	[tilespmem:$0x18200] =	vst v63  }
0xa5: {  	s29 =	simm.s32 $0xF200  }
0xa6: {  	[tilespmem:s29], [sflag:$0x4] =	stream.indirect_vreg.gather [hbm4b:s9+s4], $0x80, v3, vm0, $0xb8;
	[tilespmem:$0x18200] =	vst v63  }
0xa7: {  	s30 =	simm.s32 $0xFA00  }
0xa8: {  	[tilespmem:s30], [sflag:$0x4] =	stream.indirect_vreg.gather [hbm4b:s10+s4], $0x80, v3, vm0, $0xb8;
	[tilespmem:$0x18200] =	vst v63  }
0xa9: {  	_ =	swait.ge [sflag:s28], $0x4000  }
0xaa: {  	[sflag:s28] =	ssyncset.done $0x0  }
0xab: {  	s3 =	simm.s32 $0x200;
	s14 =	rddreg [dreg:$0x7];
	[sflag:s28] =	ssyncadd.s32 $0xFFFFC000  }
0xac: {  	[hbm4b:s14+s4] =	stream.linear.scatter [tilespmem:s3], [sflag:$0x7], $0x4000, $0x38;
	[tilespmem:$0x18200] =	vst v63  }
0xad: {  	v3 =	vld [tilespmem:$0x120];
	_ =	sdelay $0x4  }
0xae: {  	v36 =	vshll.u32 v3, $0x3  }
0xaf: {  	v3 =	vand.u32 $0x7, v3;
	v4 =	vand.u32 $0xFFFFFFC0, v36  }
0xb0: {  	v3 =	vor.u32 v3, v4  }
0xb1: {  	v4 =	vperm.xlane v3, v0;
	_ =	sdelay $0x1  }
0xb2: {  	v4 =	vadd.s32 v1, v4;
	_ =	sdelay $0x3  }
0xb3: {  	s21 =	simm.s32 $0x10200  }
0xb4: {  	[tilespmem:s21], [sflag:$0x5] =	stream.indirect_vreg.gather [hbm4b:s1+s4], $0x80, v4, vm0, $0xb8;
	[tilespmem:$0x18200] =	vst v63  }
0xb5: {  	s22 =	simm.s32 $0x10A00;
	v3 =	vperm.xlane v3, v2  }
0xb6: {  	[tilespmem:s22], [sflag:$0x5] =	stream.indirect_vreg.gather [hbm4b:s5+s4], $0x80, v4, vm0, $0xb8;
	[tilespmem:$0x18200] =	vst v63  }
0xb7: {  	s26 =	simm.s32 $0x11200;
	v3 =	vadd.s32 v1, v3  }
0xb8: {  	[tilespmem:s26], [sflag:$0x5] =	stream.indirect_vreg.gather [hbm4b:s6+s4], $0x80, v4, vm0, $0xb8;
	[tilespmem:$0x18200] =	vst v63  }
0xb9: {  	s29 =	simm.s32 $0x11A00  }
0xba: {  	[tilespmem:s29], [sflag:$0x5] =	stream.indirect_vreg.gather [hbm4b:s7+s4], $0x80, v4, vm0, $0xb8;
	[tilespmem:$0x18200] =	vst v63  }
0xbb: {  	s21 =	simm.s32 $0x12200  }
0xbc: {  	[tilespmem:s21], [sflag:$0x5] =	stream.indirect_vreg.gather [hbm4b:s1+s4], $0x80, v3, vm0, $0xb8;
	[tilespmem:$0x18200] =	vst v63  }
0xbd: {  	s22 =	simm.s32 $0x12A00  }
0xbe: {  	[tilespmem:s22], [sflag:$0x5] =	stream.indirect_vreg.gather [hbm4b:s5+s4], $0x80, v3, vm0, $0xb8;
	[tilespmem:$0x18200] =	vst v63  }
0xbf: {  	s26 =	simm.s32 $0x13200  }
0xc0: {  	[tilespmem:s26], [sflag:$0x5] =	stream.indirect_vreg.gather [hbm4b:s6+s4], $0x80, v3, vm0, $0xb8;
	[tilespmem:$0x18200] =	vst v63  }
0xc1: {  	s29 =	simm.s32 $0x13A00  }
0xc2: {  	[tilespmem:s29], [sflag:$0x5] =	stream.indirect_vreg.gather [hbm4b:s7+s4], $0x80, v3, vm0, $0xb8;
	[tilespmem:$0x18200] =	vst v63  }
0xc3: {  	_ =	swait.ge [sflag:s31], $0x4000  }
0xc4: {  	[sflag:s31] =	ssyncset.done $0x0  }
0xc5: {  	s11 =	simm.s32 $0x4200;
	s0 =	rddreg [dreg:$0x8];
	[sflag:s31] =	ssyncadd.s32 $0xFFFFC000  }
0xc6: {  	[hbm4b:s0+s4] =	stream.linear.scatter [tilespmem:s11], [sflag:$0x8], $0x4000, $0x38;
	[tilespmem:$0x18200] =	vst v63  }
0xc7: {  	v3 =	vld [tilespmem:$0x120];
	_ =	sdelay $0x4  }
0xc8: {  	v37 =	vshll.u32 v3, $0x3  }
0xc9: {  	v3 =	vand.u32 $0x7, v3;
	v4 =	vand.u32 $0xFFFFFFC0, v37  }
0xca: {  	v3 =	vor.u32 v3, v4  }
0xcb: {  	v4 =	vperm.xlane v3, v0;
	_ =	sdelay $0x1  }
0xcc: {  	v4 =	vadd.s32 v1, v4;
	_ =	sdelay $0x3  }
0xcd: {  	s21 =	simm.s32 $0x14200  }
0xce: {  	[tilespmem:s21], [sflag:$0x6] =	stream.indirect_vreg.gather [hbm4b:s2+s4], $0x80, v4, vm0, $0xb8;
	[tilespmem:$0x18200] =	vst v63  }
0xcf: {  	s22 =	simm.s32 $0x14A00;
	v3 =	vperm.xlane v3, v2  }
0xd0: {  	[tilespmem:s22], [sflag:$0x6] =	stream.indirect_vreg.gather [hbm4b:s8+s4], $0x80, v4, vm0, $0xb8;
	[tilespmem:$0x18200] =	vst v63  }
0xd1: {  	s26 =	simm.s32 $0x15200;
	v3 =	vadd.s32 v1, v3  }
0xd2: {  	[tilespmem:s26], [sflag:$0x6] =	stream.indirect_vreg.gather [hbm4b:s9+s4], $0x80, v4, vm0, $0xb8;
	[tilespmem:$0x18200] =	vst v63  }
0xd3: {  	s29 =	simm.s32 $0x15A00  }
0xd4: {  	[tilespmem:s29], [sflag:$0x6] =	stream.indirect_vreg.gather [hbm4b:s10+s4], $0x80, v4, vm0, $0xb8;
	[tilespmem:$0x18200] =	vst v63  }
0xd5: {  	s21 =	simm.s32 $0x16200  }
0xd6: {  	[tilespmem:s21], [sflag:$0x6] =	stream.indirect_vreg.gather [hbm4b:s2+s4], $0x80, v3, vm0, $0xb8;
	[tilespmem:$0x18200] =	vst v63  }
0xd7: {  	s22 =	simm.s32 $0x16A00  }
0xd8: {  	[tilespmem:s22], [sflag:$0x6] =	stream.indirect_vreg.gather [hbm4b:s8+s4], $0x80, v3, vm0, $0xb8;
	[tilespmem:$0x18200] =	vst v63  }
0xd9: {  	s26 =	simm.s32 $0x17200  }
0xda: {  	[tilespmem:s26], [sflag:$0x6] =	stream.indirect_vreg.gather [hbm4b:s9+s4], $0x80, v3, vm0, $0xb8;
	[tilespmem:$0x18200] =	vst v63  }
0xdb: {  	s29 =	simm.s32 $0x17A00  }
0xdc: {  	[tilespmem:s29], [sflag:$0x6] =	stream.indirect_vreg.gather [hbm4b:s10+s4], $0x80, v3, vm0, $0xb8;
	[tilespmem:$0x18200] =	vst v63  }
0xdd: {  	_ =	swait.ge [sflag:s17], $0x4000  }
0xde: {  	[sflag:s17] =	ssyncset.done $0x0  }
0xdf: {  	s22 =	simm.s32 $0x8200;
	s21 =	rddreg [dreg:$0x9];
	[sflag:s17] =	ssyncadd.s32 $0xFFFFC000  }
0xe0: {  	[hbm4b:s21+s4] =	stream.linear.scatter [tilespmem:s22], [sflag:$0x9], $0x4000, $0x38;
	[tilespmem:$0x18200] =	vst v63  }
0xe1: {  	_ =	swait.ge [sflag:s16], $0x4000  }
0xe2: {  	[sflag:s16] =	ssyncset.done $0x0  }
0xe3: {  	[sflag:s16] =	ssyncadd.s32 $0xFFFFC000  }
0xe4: {  	v3 =	vld [tilespmem:$0x130];
	_ =	sdelay $0x4  }
0xe5: {  	v38 =	vshll.u32 v3, $0x3  }
0xe6: {  	v3 =	vand.u32 $0x7, v3;
	v4 =	vand.u32 $0xFFFFFFC0, v38  }
0xe7: {  	v3 =	vor.u32 v3, v4  }
0xe8: {  	v4 =	vperm.xlane v3, v0;
	_ =	sdelay $0x1  }
0xe9: {  	v4 =	vadd.s32 v1, v4;
	_ =	sdelay $0x3  }
0xea: {  	s3 =	simm.s32 $0x200  }
0xeb: {  	[tilespmem:s3], [sflag:$0x1] =	stream.indirect_vreg.gather [hbm4b:s1+s4], $0x80, v4, vm0, $0xb8;
	[tilespmem:$0x18200] =	vst v63  }
0xec: {  	s15 =	simm.s32 $0xA00;
	v3 =	vperm.xlane v3, v2  }
0xed: {  	[tilespmem:s15], [sflag:$0x1] =	stream.indirect_vreg.gather [hbm4b:s5+s4], $0x80, v4, vm0, $0xb8;
	[tilespmem:$0x18200] =	vst v63  }
0xee: {  	s29 =	simm.s32 $0x1200;
	v3 =	vadd.s32 v1, v3  }
0xef: {  	[tilespmem:s29], [sflag:$0x1] =	stream.indirect_vreg.gather [hbm4b:s6+s4], $0x80, v4, vm0, $0xb8;
	[tilespmem:$0x18200] =	vst v63  }
0xf0: {  	s21 =	simm.s32 $0x1A00  }
0xf1: {  	[tilespmem:s21], [sflag:$0x1] =	stream.indirect_vreg.gather [hbm4b:s7+s4], $0x80, v4, vm0, $0xb8;
	[tilespmem:$0x18200] =	vst v63  }
0xf2: {  	s29 =	simm.s32 $0x2200  }
0xf3: {  	[tilespmem:s29], [sflag:$0x1] =	stream.indirect_vreg.gather [hbm4b:s1+s4], $0x80, v3, vm0, $0xb8;
	[tilespmem:$0x18200] =	vst v63  }
0xf4: {  	s15 =	simm.s32 $0x2A00  }
0xf5: {  	[tilespmem:s15], [sflag:$0x1] =	stream.indirect_vreg.gather [hbm4b:s5+s4], $0x80, v3, vm0, $0xb8;
	[tilespmem:$0x18200] =	vst v63  }
0xf6: {  	s26 =	simm.s32 $0x3200  }
0xf7: {  	[tilespmem:s26], [sflag:$0x1] =	stream.indirect_vreg.gather [hbm4b:s6+s4], $0x80, v3, vm0, $0xb8;
	[tilespmem:$0x18200] =	vst v63  }
0xf8: {  	s12 =	simm.s32 $0x3A00  }
0xf9: {  	[tilespmem:s12], [sflag:$0x1] =	stream.indirect_vreg.gather [hbm4b:s7+s4], $0x80, v3, vm0, $0xb8;
	[tilespmem:$0x18200] =	vst v63  }
0xfa: {  	_ =	swait.ge [sflag:s19], $0x4000  }
0xfb: {  	[sflag:s19] =	ssyncset.done $0x0  }
0xfc: {  	s12 =	simm.s32 $0xC200;
	s15 =	rddreg [dreg:$0xa];
	[sflag:s19] =	ssyncadd.s32 $0xFFFFC000  }
0xfd: {  	[hbm4b:s15+s4] =	stream.linear.scatter [tilespmem:s12], [sflag:$0xA], $0x4000, $0x38;
	[tilespmem:$0x18200] =	vst v63  }
0xfe: {  	_ =	swait.ge [sflag:s18], $0x4000  }
0xff: {  	[sflag:s18] =	ssyncset.done $0x0  }
0x100: {  	[sflag:s18] =	ssyncadd.s32 $0xFFFFC000  }
0x101: {  	v3 =	vld [tilespmem:$0x130];
	_ =	sdelay $0x4  }
0x102: {  	v39 =	vshll.u32 v3, $0x3  }
0x103: {  	v3 =	vand.u32 $0x7, v3;
	v4 =	vand.u32 $0xFFFFFFC0, v39  }
0x104: {  	v3 =	vor.u32 v3, v4  }
0x105: {  	v4 =	vperm.xlane v3, v0;
	_ =	sdelay $0x1  }
0x106: {  	v4 =	vadd.s32 v1, v4;
	_ =	sdelay $0x3  }
0x107: {  	s11 =	simm.s32 $0x4200  }
0x108: {  	[tilespmem:s11], [sflag:$0x2] =	stream.indirect_vreg.gather [hbm4b:s2+s4], $0x80, v4, vm0, $0xb8;
	[tilespmem:$0x18200] =	vst v63  }
0x109: {  	s26 =	simm.s32 $0x4A00;
	v3 =	vperm.xlane v3, v2  }
0x10a: {  	[tilespmem:s26], [sflag:$0x2] =	stream.indirect_vreg.gather [hbm4b:s8+s4], $0x80, v4, vm0, $0xb8;
	[tilespmem:$0x18200] =	vst v63  }
0x10b: {  	s13 =	simm.s32 $0x5200;
	v3 =	vadd.s32 v1, v3  }
0x10c: {  	[tilespmem:s13], [sflag:$0x2] =	stream.indirect_vreg.gather [hbm4b:s9+s4], $0x80, v4, vm0, $0xb8;
	[tilespmem:$0x18200] =	vst v63  }
0x10d: {  	s20 =	simm.s32 $0x5A00  }
0x10e: {  	[tilespmem:s20], [sflag:$0x2] =	stream.indirect_vreg.gather [hbm4b:s10+s4], $0x80, v4, vm0, $0xb8;
	[tilespmem:$0x18200] =	vst v63  }
0x10f: {  	s15 =	simm.s32 $0x6200  }
0x110: {  	[tilespmem:s15], [sflag:$0x2] =	stream.indirect_vreg.gather [hbm4b:s2+s4], $0x80, v3, vm0, $0xb8;
	[tilespmem:$0x18200] =	vst v63  }
0x111: {  	s20 =	simm.s32 $0x6A00  }
0x112: {  	[tilespmem:s20], [sflag:$0x2] =	stream.indirect_vreg.gather [hbm4b:s8+s4], $0x80, v3, vm0, $0xb8;
	[tilespmem:$0x18200] =	vst v63  }
0x113: {  	s26 =	simm.s32 $0x7200  }
0x114: {  	[tilespmem:s26], [sflag:$0x2] =	stream.indirect_vreg.gather [hbm4b:s9+s4], $0x80, v3, vm0, $0xb8;
	[tilespmem:$0x18200] =	vst v63  }
0x115: {  	s13 =	simm.s32 $0x7A00;
	s20 =	simm.s32 $0x5  }
0x116: {  	[tilespmem:s13], [sflag:$0x2] =	stream.indirect_vreg.gather [hbm4b:s10+s4], $0x80, v3, vm0, $0xb8;
	[tilespmem:$0x18200] =	vst v63  }
0x117: {  	_ =	swait.ge [sflag:s20], $0x4000  }
0x118: {  	[sflag:s20] =	ssyncset.done $0x0  }
0x119: {  	s14 =	simm.s32 $0x10200;
	s15 =	rddreg [dreg:$0xb];
	[sflag:s20] =	ssyncadd.s32 $0xFFFFC000  }
0x11a: {  	[hbm4b:s15+s4] =	stream.linear.scatter [tilespmem:s14], [sflag:$0xB], $0x4000, $0x38;
	[tilespmem:$0x18200] =	vst v63  }
0x11b: {  	s14 =	simm.s32 $0x9  }
0x11c: {  	_ =	swait.ge [sflag:s14], $0x4000  }
0x11d: {  	[sflag:s14] =	ssyncset.done $0x0  }
0x11e: {  	[sflag:s14] =	ssyncadd.s32 $0xFFFFC000  }
0x11f: {  	v3 =	vld [tilespmem:$0x140];
	_ =	sdelay $0x4  }
0x120: {  	v40 =	vshll.u32 v3, $0x3  }
0x121: {  	v3 =	vand.u32 $0x7, v3;
	v4 =	vand.u32 $0xFFFFFFC0, v40  }
0x122: {  	v3 =	vor.u32 v3, v4  }
0x123: {  	v4 =	vperm.xlane v3, v0;
	_ =	sdelay $0x1  }
0x124: {  	v4 =	vadd.s32 v1, v4;
	_ =	sdelay $0x4  }
0x125: {  	[tilespmem:s22], [sflag:$0x3] =	stream.indirect_vreg.gather [hbm4b:s1+s4], $0x80, v4, vm0, $0xb8;
	[tilespmem:$0x18200] =	vst v63  }
0x126: {  	s23 =	simm.s32 $0x8A00;
	v3 =	vperm.xlane v3, v2  }
0x127: {  	[tilespmem:s23], [sflag:$0x3] =	stream.indirect_vreg.gather [hbm4b:s5+s4], $0x80, v4, vm0, $0xb8;
	[tilespmem:$0x18200] =	vst v63  }
0x128: {  	v3 =	vadd.s32 v1, v3;
	s23 =	simm.s32 $0x9200  }
0x129: {  	[tilespmem:s23], [sflag:$0x3] =	stream.indirect_vreg.gather [hbm4b:s6+s4], $0x80, v4, vm0, $0xb8;
	[tilespmem:$0x18200] =	vst v63  }
0x12a: {  	s26 =	simm.s32 $0x9A00  }
0x12b: {  	[tilespmem:s26], [sflag:$0x3] =	stream.indirect_vreg.gather [hbm4b:s7+s4], $0x80, v4, vm0, $0xb8;
	[tilespmem:$0x18200] =	vst v63  }
0x12c: {  	s25 =	simm.s32 $0xA200  }
0x12d: {  	[tilespmem:s25], [sflag:$0x3] =	stream.indirect_vreg.gather [hbm4b:s1+s4], $0x80, v3, vm0, $0xb8;
	[tilespmem:$0x18200] =	vst v63  }
0x12e: {  	s22 =	simm.s32 $0xAA00  }
0x12f: {  	[tilespmem:s22], [sflag:$0x3] =	stream.indirect_vreg.gather [hbm4b:s5+s4], $0x80, v3, vm0, $0xb8;
	[tilespmem:$0x18200] =	vst v63  }
0x130: {  	s23 =	simm.s32 $0xB200  }
0x131: {  	[tilespmem:s23], [sflag:$0x3] =	stream.indirect_vreg.gather [hbm4b:s6+s4], $0x80, v3, vm0, $0xb8;
	[tilespmem:$0x18200] =	vst v63  }
0x132: {  	s24 =	simm.s32 $0xBA00;
	s22 =	simm.s32 $0x6  }
0x133: {  	[tilespmem:s24], [sflag:$0x3] =	stream.indirect_vreg.gather [hbm4b:s7+s4], $0x80, v3, vm0, $0xb8;
	[tilespmem:$0x18200] =	vst v63  }
0x134: {  	_ =	swait.ge [sflag:s22], $0x4000  }
0x135: {  	s23 =	simm.s32 $0x14200;
	[sflag:s22] =	ssyncset.done $0x0  }
0x136: {  	s24 =	simm.s32 $0xA;
	s25 =	rddreg [dreg:$0xc];
	[sflag:s22] =	ssyncadd.s32 $0xFFFFC000  }
0x137: {  	[hbm4b:s25+s4] =	stream.linear.scatter [tilespmem:s23], [sflag:$0xC], $0x4000, $0x38;
	[tilespmem:$0x18200] =	vst v63  }
0x138: {  	_ =	swait.ge [sflag:s24], $0x4000  }
0x139: {  	[sflag:s24] =	ssyncset.done $0x0  }
0x13a: {  	[sflag:s24] =	ssyncadd.s32 $0xFFFFC000  }
0x13b: {  	v3 =	vld [tilespmem:$0x140];
	_ =	sdelay $0x4  }
0x13c: {  	v41 =	vshll.u32 v3, $0x3  }
0x13d: {  	v3 =	vand.u32 $0x7, v3;
	v4 =	vand.u32 $0xFFFFFFC0, v41  }
0x13e: {  	v3 =	vor.u32 v3, v4  }
0x13f: {  	v4 =	vperm.xlane v3, v0;
	_ =	sdelay $0x1  }
0x140: {  	v4 =	vadd.s32 v1, v4;
	_ =	sdelay $0x4  }
0x141: {  	[tilespmem:s12], [sflag:$0x4] =	stream.indirect_vreg.gather [hbm4b:s2+s4], $0x80, v4, vm0, $0xb8;
	[tilespmem:$0x18200] =	vst v63  }
0x142: {  	s26 =	simm.s32 $0xCA00;
	v3 =	vperm.xlane v3, v2  }
0x143: {  	[tilespmem:s26], [sflag:$0x4] =	stream.indirect_vreg.gather [hbm4b:s8+s4], $0x80, v4, vm0, $0xb8;
	[tilespmem:$0x18200] =	vst v63  }
0x144: {  	s25 =	simm.s32 $0xD200;
	v3 =	vadd.s32 v1, v3  }
0x145: {  	[tilespmem:s25], [sflag:$0x4] =	stream.indirect_vreg.gather [hbm4b:s9+s4], $0x80, v4, vm0, $0xb8;
	[tilespmem:$0x18200] =	vst v63  }
0x146: {  	s26 =	simm.s32 $0xDA00  }
0x147: {  	[tilespmem:s26], [sflag:$0x4] =	stream.indirect_vreg.gather [hbm4b:s10+s4], $0x80, v4, vm0, $0xb8;
	[tilespmem:$0x18200] =	vst v63  }
0x148: {  	s25 =	simm.s32 $0xE200  }
0x149: {  	[tilespmem:s25], [sflag:$0x4] =	stream.indirect_vreg.gather [hbm4b:s2+s4], $0x80, v3, vm0, $0xb8;
	[tilespmem:$0x18200] =	vst v63  }
0x14a: {  	s26 =	simm.s32 $0xEA00  }
0x14b: {  	[tilespmem:s26], [sflag:$0x4] =	stream.indirect_vreg.gather [hbm4b:s8+s4], $0x80, v3, vm0, $0xb8;
	[tilespmem:$0x18200] =	vst v63  }
0x14c: {  	s25 =	simm.s32 $0xF200  }
0x14d: {  	[tilespmem:s25], [sflag:$0x4] =	stream.indirect_vreg.gather [hbm4b:s9+s4], $0x80, v3, vm0, $0xb8;
	[tilespmem:$0x18200] =	vst v63  }
0x14e: {  	s26 =	simm.s32 $0xFA00  }
0x14f: {  	[tilespmem:s26], [sflag:$0x4] =	stream.indirect_vreg.gather [hbm4b:s10+s4], $0x80, v3, vm0, $0xb8;
	[tilespmem:$0x18200] =	vst v63  }
0x150: {  	_ =	swait.ge [sflag:s28], $0x4000  }
0x151: {  	[sflag:s28] =	ssyncset.done $0x0  }
0x152: {  	s3 =	simm.s32 $0x200;
	s25 =	rddreg [dreg:$0xd];
	[sflag:s28] =	ssyncadd.s32 $0xFFFFC000  }
0x153: {  	[hbm4b:s25+s4] =	stream.linear.scatter [tilespmem:s3], [sflag:$0x7], $0x4000, $0x38;
	[tilespmem:$0x18200] =	vst v63  }
0x154: {  	s25 =	simm.s32 $0xB  }
0x155: {  	_ =	swait.ge [sflag:s25], $0x4000  }
0x156: {  	[sflag:s25] =	ssyncset.done $0x0  }
0x157: {  	[sflag:s25] =	ssyncadd.s32 $0xFFFFC000  }
0x158: {  	v3 =	vld [tilespmem:$0x150];
	_ =	sdelay $0x4  }
0x159: {  	v42 =	vshll.u32 v3, $0x3  }
0x15a: {  	v3 =	vand.u32 $0x7, v3;
	v4 =	vand.u32 $0xFFFFFFC0, v42  }
0x15b: {  	v3 =	vor.u32 v3, v4  }
0x15c: {  	v4 =	vperm.xlane v3, v0;
	_ =	sdelay $0x1  }
0x15d: {  	v4 =	vadd.s32 v1, v4;
	_ =	sdelay $0x3  }
0x15e: {  	s13 =	simm.s32 $0x10200  }
0x15f: {  	[tilespmem:s13], [sflag:$0x5] =	stream.indirect_vreg.gather [hbm4b:s1+s4], $0x80, v4, vm0, $0xb8;
	[tilespmem:$0x18200] =	vst v63  }
0x160: {  	s26 =	simm.s32 $0x10A00;
	v3 =	vperm.xlane v3, v2  }
0x161: {  	[tilespmem:s26], [sflag:$0x5] =	stream.indirect_vreg.gather [hbm4b:s5+s4], $0x80, v4, vm0, $0xb8;
	[tilespmem:$0x18200] =	vst v63  }
0x162: {  	s30 =	simm.s32 $0x11200;
	v3 =	vadd.s32 v1, v3  }
0x163: {  	[tilespmem:s30], [sflag:$0x5] =	stream.indirect_vreg.gather [hbm4b:s6+s4], $0x80, v4, vm0, $0xb8;
	[tilespmem:$0x18200] =	vst v63  }
0x164: {  	s30 =	simm.s32 $0x11A00  }
0x165: {  	[tilespmem:s30], [sflag:$0x5] =	stream.indirect_vreg.gather [hbm4b:s7+s4], $0x80, v4, vm0, $0xb8;
	[tilespmem:$0x18200] =	vst v63  }
0x166: {  	s26 =	simm.s32 $0x12200  }
0x167: {  	[tilespmem:s26], [sflag:$0x5] =	stream.indirect_vreg.gather [hbm4b:s1+s4], $0x80, v3, vm0, $0xb8;
	[tilespmem:$0x18200] =	vst v63  }
0x168: {  	s30 =	simm.s32 $0x12A00  }
0x169: {  	[tilespmem:s30], [sflag:$0x5] =	stream.indirect_vreg.gather [hbm4b:s5+s4], $0x80, v3, vm0, $0xb8;
	[tilespmem:$0x18200] =	vst v63  }
0x16a: {  	s26 =	simm.s32 $0x13200  }
0x16b: {  	[tilespmem:s26], [sflag:$0x5] =	stream.indirect_vreg.gather [hbm4b:s6+s4], $0x80, v3, vm0, $0xb8;
	[tilespmem:$0x18200] =	vst v63  }
0x16c: {  	s30 =	simm.s32 $0x13A00  }
0x16d: {  	[tilespmem:s30], [sflag:$0x5] =	stream.indirect_vreg.gather [hbm4b:s7+s4], $0x80, v3, vm0, $0xb8;
	[tilespmem:$0x18200] =	vst v63  }
0x16e: {  	_ =	swait.ge [sflag:s31], $0x4000  }
0x16f: {  	[sflag:s31] =	ssyncset.done $0x0  }
0x170: {  	s11 =	simm.s32 $0x4200;
	s3 =	rddreg [dreg:$0xe];
	[sflag:s31] =	ssyncadd.s32 $0xFFFFC000  }
0x171: {  	[hbm4b:s3+s4] =	stream.linear.scatter [tilespmem:s11], [sflag:$0x8], $0x4000, $0x38;
	[tilespmem:$0x18200] =	vst v63  }
0x172: {  	s3 =	simm.s32 $0xC  }
0x173: {  	_ =	swait.ge [sflag:s3], $0x4000  }
0x174: {  	[sflag:s3] =	ssyncset.done $0x0  }
0x175: {  	[sflag:s3] =	ssyncadd.s32 $0xFFFFC000  }
0x176: {  	v3 =	vld [tilespmem:$0x150];
	_ =	sdelay $0x4  }
0x177: {  	v43 =	vshll.u32 v3, $0x3  }
0x178: {  	v3 =	vand.u32 $0x7, v3;
	v4 =	vand.u32 $0xFFFFFFC0, v43  }
0x179: {  	v3 =	vor.u32 v3, v4  }
0x17a: {  	v4 =	vperm.xlane v3, v0;
	_ =	sdelay $0x1  }
0x17b: {  	v4 =	vadd.s32 v1, v4;
	_ =	sdelay $0x4  }
0x17c: {  	[tilespmem:s23], [sflag:$0x6] =	stream.indirect_vreg.gather [hbm4b:s2+s4], $0x80, v4, vm0, $0xb8;
	[tilespmem:$0x18200] =	vst v63  }
0x17d: {  	s30 =	simm.s32 $0x14A00;
	v3 =	vperm.xlane v3, v2  }
0x17e: {  	[tilespmem:s30], [sflag:$0x6] =	stream.indirect_vreg.gather [hbm4b:s8+s4], $0x80, v4, vm0, $0xb8;
	[tilespmem:$0x18200] =	vst v63  }
0x17f: {  	v3 =	vadd.s32 v1, v3;
	s30 =	simm.s32 $0x15200  }
0x180: {  	[tilespmem:s30], [sflag:$0x6] =	stream.indirect_vreg.gather [hbm4b:s9+s4], $0x80, v4, vm0, $0xb8;
	[tilespmem:$0x18200] =	vst v63  }
0x181: {  	s30 =	simm.s32 $0x15A00  }
0x182: {  	[tilespmem:s30], [sflag:$0x6] =	stream.indirect_vreg.gather [hbm4b:s10+s4], $0x80, v4, vm0, $0xb8;
	[tilespmem:$0x18200] =	vst v63  }
0x183: {  	s30 =	simm.s32 $0x16200  }
0x184: {  	[tilespmem:s30], [sflag:$0x6] =	stream.indirect_vreg.gather [hbm4b:s2+s4], $0x80, v3, vm0, $0xb8;
	[tilespmem:$0x18200] =	vst v63  }
0x185: {  	s30 =	simm.s32 $0x16A00  }
0x186: {  	[tilespmem:s30], [sflag:$0x6] =	stream.indirect_vreg.gather [hbm4b:s8+s4], $0x80, v3, vm0, $0xb8;
	[tilespmem:$0x18200] =	vst v63  }
0x187: {  	s30 =	simm.s32 $0x17200  }
0x188: {  	[tilespmem:s30], [sflag:$0x6] =	stream.indirect_vreg.gather [hbm4b:s9+s4], $0x80, v3, vm0, $0xb8;
	[tilespmem:$0x18200] =	vst v63  }
0x189: {  	s30 =	simm.s32 $0x17A00  }
0x18a: {  	[tilespmem:s30], [sflag:$0x6] =	stream.indirect_vreg.gather [hbm4b:s10+s4], $0x80, v3, vm0, $0xb8;
	[tilespmem:$0x18200] =	vst v63  }
0x18b: {  	_ =	swait.ge [sflag:s17], $0x4000  }
0x18c: {  	[sflag:s17] =	ssyncset.done $0x0  }
0x18d: {  	s15 =	simm.s32 $0x8200;
	s30 =	rddreg [dreg:$0xf];
	[sflag:s17] =	ssyncadd.s32 $0xFFFFC000  }
0x18e: {  	[hbm4b:s30+s4] =	stream.linear.scatter [tilespmem:s15], [sflag:$0x9], $0x4000, $0x38;
	[tilespmem:$0x18200] =	vst v63  }
0x18f: {  	_ =	swait.ge [sflag:s16], $0x4000  }
0x190: {  	[sflag:s16] =	ssyncset.done $0x0  }
0x191: {  	[sflag:s16] =	ssyncadd.s32 $0xFFFFC000  }
0x192: {  	v3 =	vld [tilespmem:$0x160];
	_ =	sdelay $0x4  }
0x193: {  	v44 =	vshll.u32 v3, $0x3  }
0x194: {  	v3 =	vand.u32 $0x7, v3;
	v4 =	vand.u32 $0xFFFFFFC0, v44  }
0x195: {  	v3 =	vor.u32 v3, v4  }
0x196: {  	v4 =	vperm.xlane v3, v0;
	_ =	sdelay $0x1  }
0x197: {  	v4 =	vadd.s32 v1, v4;
	_ =	sdelay $0x3  }
0x198: {  	s0 =	simm.s32 $0x200  }
0x199: {  	[tilespmem:s0], [sflag:$0x1] =	stream.indirect_vreg.gather [hbm4b:s1+s4], $0x80, v4, vm0, $0xb8;
	[tilespmem:$0x18200] =	vst v63  }
0x19a: {  	s26 =	simm.s32 $0xA00;
	v3 =	vperm.xlane v3, v2  }
0x19b: {  	[tilespmem:s26], [sflag:$0x1] =	stream.indirect_vreg.gather [hbm4b:s5+s4], $0x80, v4, vm0, $0xb8;
	[tilespmem:$0x18200] =	vst v63  }
0x19c: {  	v3 =	vadd.s32 v1, v3;
	s26 =	simm.s32 $0x1200  }
0x19d: {  	[tilespmem:s26], [sflag:$0x1] =	stream.indirect_vreg.gather [hbm4b:s6+s4], $0x80, v4, vm0, $0xb8;
	[tilespmem:$0x18200] =	vst v63  }
0x19e: {  	_ = 	snop  }
0x19f: {  	[tilespmem:s21], [sflag:$0x1] =	stream.indirect_vreg.gather [hbm4b:s7+s4], $0x80, v4, vm0, $0xb8;
	[tilespmem:$0x18200] =	vst v63  }
0x1a0: {  	_ = 	snop  }
0x1a1: {  	[tilespmem:s29], [sflag:$0x1] =	stream.indirect_vreg.gather [hbm4b:s1+s4], $0x80, v3, vm0, $0xb8;
	[tilespmem:$0x18200] =	vst v63  }
0x1a2: {  	s21 =	simm.s32 $0x2A00  }
0x1a3: {  	[tilespmem:s21], [sflag:$0x1] =	stream.indirect_vreg.gather [hbm4b:s5+s4], $0x80, v3, vm0, $0xb8;
	[tilespmem:$0x18200] =	vst v63  }
0x1a4: {  	s26 =	simm.s32 $0x3200  }
0x1a5: {  	[tilespmem:s26], [sflag:$0x1] =	stream.indirect_vreg.gather [hbm4b:s6+s4], $0x80, v3, vm0, $0xb8;
	[tilespmem:$0x18200] =	vst v63  }
0x1a6: {  	s29 =	simm.s32 $0x3A00  }
0x1a7: {  	[tilespmem:s29], [sflag:$0x1] =	stream.indirect_vreg.gather [hbm4b:s7+s4], $0x80, v3, vm0, $0xb8;
	[tilespmem:$0x18200] =	vst v63  }
0x1a8: {  	_ =	swait.ge [sflag:s19], $0x4000  }
0x1a9: {  	[sflag:s19] =	ssyncset.done $0x0  }
0x1aa: {  	s12 =	simm.s32 $0xC200;
	s0 =	rddreg [dreg:$0x10];
	[sflag:s19] =	ssyncadd.s32 $0xFFFFC000  }
0x1ab: {  	[hbm4b:s0+s4] =	stream.linear.scatter [tilespmem:s12], [sflag:$0xA], $0x4000, $0x38;
	[tilespmem:$0x18200] =	vst v63  }
0x1ac: {  	_ =	swait.ge [sflag:s18], $0x4000  }
0x1ad: {  	[sflag:s18] =	ssyncset.done $0x0  }
0x1ae: {  	[sflag:s18] =	ssyncadd.s32 $0xFFFFC000  }
0x1af: {  	v3 =	vld [tilespmem:$0x160];
	_ =	sdelay $0x4  }
0x1b0: {  	v45 =	vshll.u32 v3, $0x3  }
0x1b1: {  	v3 =	vand.u32 $0x7, v3;
	v4 =	vand.u32 $0xFFFFFFC0, v45  }
0x1b2: {  	v3 =	vor.u32 v3, v4  }
0x1b3: {  	v4 =	vperm.xlane v3, v0;
	_ =	sdelay $0x1  }
0x1b4: {  	v4 =	vadd.s32 v1, v4;
	_ =	sdelay $0x3  }
0x1b5: {  	s11 =	simm.s32 $0x4200  }
0x1b6: {  	[tilespmem:s11], [sflag:$0x2] =	stream.indirect_vreg.gather [hbm4b:s2+s4], $0x80, v4, vm0, $0xb8;
	[tilespmem:$0x18200] =	vst v63  }
0x1b7: {  	v3 =	vperm.xlane v3, v2;
	s11 =	simm.s32 $0x4A00  }
0x1b8: {  	[tilespmem:s11], [sflag:$0x2] =	stream.indirect_vreg.gather [hbm4b:s8+s4], $0x80, v4, vm0, $0xb8;
	[tilespmem:$0x18200] =	vst v63  }
0x1b9: {  	s21 =	simm.s32 $0x5200;
	v3 =	vadd.s32 v1, v3  }
0x1ba: {  	[tilespmem:s21], [sflag:$0x2] =	stream.indirect_vreg.gather [hbm4b:s9+s4], $0x80, v4, vm0, $0xb8;
	[tilespmem:$0x18200] =	vst v63  }
0x1bb: {  	s26 =	simm.s32 $0x5A00  }
0x1bc: {  	[tilespmem:s26], [sflag:$0x2] =	stream.indirect_vreg.gather [hbm4b:s10+s4], $0x80, v4, vm0, $0xb8;
	[tilespmem:$0x18200] =	vst v63  }
0x1bd: {  	s11 =	simm.s32 $0x6200  }
0x1be: {  	[tilespmem:s11], [sflag:$0x2] =	stream.indirect_vreg.gather [hbm4b:s2+s4], $0x80, v3, vm0, $0xb8;
	[tilespmem:$0x18200] =	vst v63  }
0x1bf: {  	s21 =	simm.s32 $0x6A00  }
0x1c0: {  	[tilespmem:s21], [sflag:$0x2] =	stream.indirect_vreg.gather [hbm4b:s8+s4], $0x80, v3, vm0, $0xb8;
	[tilespmem:$0x18200] =	vst v63  }
0x1c1: {  	s26 =	simm.s32 $0x7200  }
0x1c2: {  	[tilespmem:s26], [sflag:$0x2] =	stream.indirect_vreg.gather [hbm4b:s9+s4], $0x80, v3, vm0, $0xb8;
	[tilespmem:$0x18200] =	vst v63  }
0x1c3: {  	s11 =	simm.s32 $0x7A00  }
0x1c4: {  	[tilespmem:s11], [sflag:$0x2] =	stream.indirect_vreg.gather [hbm4b:s10+s4], $0x80, v3, vm0, $0xb8;
	[tilespmem:$0x18200] =	vst v63  }
0x1c5: {  	_ =	swait.ge [sflag:s20], $0x4000  }
0x1c6: {  	[sflag:s20] =	ssyncset.done $0x0  }
0x1c7: {  	s13 =	simm.s32 $0x10200;
	s21 =	rddreg [dreg:$0x11];
	[sflag:s20] =	ssyncadd.s32 $0xFFFFC000  }
0x1c8: {  	[hbm4b:s21+s4] =	stream.linear.scatter [tilespmem:s13], [sflag:$0xB], $0x4000, $0x38;
	[tilespmem:$0x18200] =	vst v63  }
0x1c9: {  	_ =	swait.ge [sflag:s14], $0x4000  }
0x1ca: {  	[sflag:s14] =	ssyncset.done $0x0  }
0x1cb: {  	[sflag:s14] =	ssyncadd.s32 $0xFFFFC000  }
0x1cc: {  	v3 =	vld [tilespmem:$0x170];
	_ =	sdelay $0x4  }
0x1cd: {  	v46 =	vshll.u32 v3, $0x3  }
0x1ce: {  	v3 =	vand.u32 $0x7, v3;
	v4 =	vand.u32 $0xFFFFFFC0, v46  }
0x1cf: {  	v3 =	vor.u32 v3, v4  }
0x1d0: {  	v4 =	vperm.xlane v3, v0;
	_ =	sdelay $0x1  }
0x1d1: {  	v4 =	vadd.s32 v1, v4;
	_ =	sdelay $0x3  }
0x1d2: {  	s30 =	simm.s32 $0x8200  }
0x1d3: {  	[tilespmem:s30], [sflag:$0x3] =	stream.indirect_vreg.gather [hbm4b:s1+s4], $0x80, v4, vm0, $0xb8;
	[tilespmem:$0x18200] =	vst v63  }
0x1d4: {  	s26 =	simm.s32 $0x8A00;
	v3 =	vperm.xlane v3, v2  }
0x1d5: {  	[tilespmem:s26], [sflag:$0x3] =	stream.indirect_vreg.gather [hbm4b:s5+s4], $0x80, v4, vm0, $0xb8;
	[tilespmem:$0x18200] =	vst v63  }
0x1d6: {  	v3 =	vadd.s32 v1, v3;
	s30 =	simm.s32 $0x9200  }
0x1d7: {  	[tilespmem:s30], [sflag:$0x3] =	stream.indirect_vreg.gather [hbm4b:s6+s4], $0x80, v4, vm0, $0xb8;
	[tilespmem:$0x18200] =	vst v63  }
0x1d8: {  	s11 =	simm.s32 $0x9A00  }
0x1d9: {  	[tilespmem:s11], [sflag:$0x3] =	stream.indirect_vreg.gather [hbm4b:s7+s4], $0x80, v4, vm0, $0xb8;
	[tilespmem:$0x18200] =	vst v63  }
0x1da: {  	s30 =	simm.s32 $0xA200  }
0x1db: {  	[tilespmem:s30], [sflag:$0x3] =	stream.indirect_vreg.gather [hbm4b:s1+s4], $0x80, v3, vm0, $0xb8;
	[tilespmem:$0x18200] =	vst v63  }
0x1dc: {  	s26 =	simm.s32 $0xAA00  }
0x1dd: {  	[tilespmem:s26], [sflag:$0x3] =	stream.indirect_vreg.gather [hbm4b:s5+s4], $0x80, v3, vm0, $0xb8;
	[tilespmem:$0x18200] =	vst v63  }
0x1de: {  	s13 =	simm.s32 $0xB200  }
0x1df: {  	[tilespmem:s13], [sflag:$0x3] =	stream.indirect_vreg.gather [hbm4b:s6+s4], $0x80, v3, vm0, $0xb8;
	[tilespmem:$0x18200] =	vst v63  }
0x1e0: {  	s26 =	simm.s32 $0xBA00  }
0x1e1: {  	[tilespmem:s26], [sflag:$0x3] =	stream.indirect_vreg.gather [hbm4b:s7+s4], $0x80, v3, vm0, $0xb8;
	[tilespmem:$0x18200] =	vst v63  }
0x1e2: {  	_ =	swait.ge [sflag:s22], $0x4000  }
0x1e3: {  	[sflag:s22] =	ssyncset.done $0x0  }
0x1e4: {  	s23 =	simm.s32 $0x14200;
	s13 =	rddreg [dreg:$0x12];
	[sflag:s22] =	ssyncadd.s32 $0xFFFFC000  }
0x1e5: {  	[hbm4b:s13+s4] =	stream.linear.scatter [tilespmem:s23], [sflag:$0xC], $0x4000, $0x38;
	[tilespmem:$0x18200] =	vst v63  }
0x1e6: {  	_ =	swait.ge [sflag:s24], $0x4000  }
0x1e7: {  	[sflag:s24] =	ssyncset.done $0x0  }
0x1e8: {  	[sflag:s24] =	ssyncadd.s32 $0xFFFFC000  }
0x1e9: {  	v3 =	vld [tilespmem:$0x170];
	_ =	sdelay $0x4  }
0x1ea: {  	v47 =	vshll.u32 v3, $0x3  }
0x1eb: {  	v3 =	vand.u32 $0x7, v3;
	v4 =	vand.u32 $0xFFFFFFC0, v47  }
0x1ec: {  	v3 =	vor.u32 v3, v4  }
0x1ed: {  	v4 =	vperm.xlane v3, v0;
	_ =	sdelay $0x1  }
0x1ee: {  	v4 =	vadd.s32 v1, v4;
	_ =	sdelay $0x3  }
0x1ef: {  	s29 =	simm.s32 $0xC200  }
0x1f0: {  	[tilespmem:s29], [sflag:$0x4] =	stream.indirect_vreg.gather [hbm4b:s2+s4], $0x80, v4, vm0, $0xb8;
	[tilespmem:$0x18200] =	vst v63  }
0x1f1: {  	v3 =	vperm.xlane v3, v2;
	s29 =	simm.s32 $0xCA00  }
0x1f2: {  	[tilespmem:s29], [sflag:$0x4] =	stream.indirect_vreg.gather [hbm4b:s8+s4], $0x80, v4, vm0, $0xb8;
	[tilespmem:$0x18200] =	vst v63  }
0x1f3: {  	s11 =	simm.s32 $0xD200;
	v3 =	vadd.s32 v1, v3  }
0x1f4: {  	[tilespmem:s11], [sflag:$0x4] =	stream.indirect_vreg.gather [hbm4b:s9+s4], $0x80, v4, vm0, $0xb8;
	[tilespmem:$0x18200] =	vst v63  }
0x1f5: {  	s26 =	simm.s32 $0xDA00  }
0x1f6: {  	[tilespmem:s26], [sflag:$0x4] =	stream.indirect_vreg.gather [hbm4b:s10+s4], $0x80, v4, vm0, $0xb8;
	[tilespmem:$0x18200] =	vst v63  }
0x1f7: {  	s29 =	simm.s32 $0xE200  }
0x1f8: {  	[tilespmem:s29], [sflag:$0x4] =	stream.indirect_vreg.gather [hbm4b:s2+s4], $0x80, v3, vm0, $0xb8;
	[tilespmem:$0x18200] =	vst v63  }
0x1f9: {  	s13 =	simm.s32 $0xEA00  }
0x1fa: {  	[tilespmem:s13], [sflag:$0x4] =	stream.indirect_vreg.gather [hbm4b:s8+s4], $0x80, v3, vm0, $0xb8;
	[tilespmem:$0x18200] =	vst v63  }
0x1fb: {  	s26 =	simm.s32 $0xF200  }
0x1fc: {  	[tilespmem:s26], [sflag:$0x4] =	stream.indirect_vreg.gather [hbm4b:s9+s4], $0x80, v3, vm0, $0xb8;
	[tilespmem:$0x18200] =	vst v63  }
0x1fd: {  	s29 =	simm.s32 $0xFA00  }
0x1fe: {  	[tilespmem:s29], [sflag:$0x4] =	stream.indirect_vreg.gather [hbm4b:s10+s4], $0x80, v3, vm0, $0xb8;
	[tilespmem:$0x18200] =	vst v63  }
0x1ff: {  	_ =	swait.ge [sflag:s28], $0x4000  }
0x200: {  	[sflag:s28] =	ssyncset.done $0x0  }
0x201: {  	s15 =	simm.s32 $0x200;
	s13 =	rddreg [dreg:$0x13];
	[sflag:s28] =	ssyncadd.s32 $0xFFFFC000  }
0x202: {  	[hbm4b:s13+s4] =	stream.linear.scatter [tilespmem:s15], [sflag:$0x7], $0x4000, $0x38;
	[tilespmem:$0x18200] =	vst v63  }
0x203: {  	_ =	swait.ge [sflag:s25], $0x4000  }
0x204: {  	[sflag:s25] =	ssyncset.done $0x0  }
0x205: {  	[sflag:s25] =	ssyncadd.s32 $0xFFFFC000  }
0x206: {  	v3 =	vld [tilespmem:$0x180];
	_ =	sdelay $0x4  }
0x207: {  	v48 =	vshll.u32 v3, $0x3  }
0x208: {  	v3 =	vand.u32 $0x7, v3;
	v4 =	vand.u32 $0xFFFFFFC0, v48  }
0x209: {  	v3 =	vor.u32 v3, v4  }
0x20a: {  	v4 =	vperm.xlane v3, v0;
	_ =	sdelay $0x1  }
0x20b: {  	v4 =	vadd.s32 v1, v4;
	_ =	sdelay $0x3  }
0x20c: {  	s0 =	simm.s32 $0x10200  }
0x20d: {  	[tilespmem:s0], [sflag:$0x5] =	stream.indirect_vreg.gather [hbm4b:s1+s4], $0x80, v4, vm0, $0xb8;
	[tilespmem:$0x18200] =	vst v63  }
0x20e: {  	s29 =	simm.s32 $0x10A00;
	v3 =	vperm.xlane v3, v2  }
0x20f: {  	[tilespmem:s29], [sflag:$0x5] =	stream.indirect_vreg.gather [hbm4b:s5+s4], $0x80, v4, vm0, $0xb8;
	[tilespmem:$0x18200] =	vst v63  }
0x210: {  	s15 =	simm.s32 $0x11200;
	v3 =	vadd.s32 v1, v3  }
0x211: {  	[tilespmem:s15], [sflag:$0x5] =	stream.indirect_vreg.gather [hbm4b:s6+s4], $0x80, v4, vm0, $0xb8;
	[tilespmem:$0x18200] =	vst v63  }
0x212: {  	s26 =	simm.s32 $0x11A00  }
0x213: {  	[tilespmem:s26], [sflag:$0x5] =	stream.indirect_vreg.gather [hbm4b:s7+s4], $0x80, v4, vm0, $0xb8;
	[tilespmem:$0x18200] =	vst v63  }
0x214: {  	s29 =	simm.s32 $0x12200  }
0x215: {  	[tilespmem:s29], [sflag:$0x5] =	stream.indirect_vreg.gather [hbm4b:s1+s4], $0x80, v3, vm0, $0xb8;
	[tilespmem:$0x18200] =	vst v63  }
0x216: {  	s15 =	simm.s32 $0x12A00  }
0x217: {  	[tilespmem:s15], [sflag:$0x5] =	stream.indirect_vreg.gather [hbm4b:s5+s4], $0x80, v3, vm0, $0xb8;
	[tilespmem:$0x18200] =	vst v63  }
0x218: {  	s26 =	simm.s32 $0x13200  }
0x219: {  	[tilespmem:s26], [sflag:$0x5] =	stream.indirect_vreg.gather [hbm4b:s6+s4], $0x80, v3, vm0, $0xb8;
	[tilespmem:$0x18200] =	vst v63  }
0x21a: {  	s29 =	simm.s32 $0x13A00  }
0x21b: {  	[tilespmem:s29], [sflag:$0x5] =	stream.indirect_vreg.gather [hbm4b:s7+s4], $0x80, v3, vm0, $0xb8;
	[tilespmem:$0x18200] =	vst v63  }
0x21c: {  	_ =	swait.ge [sflag:s31], $0x4000  }
0x21d: {  	[sflag:s31] =	ssyncset.done $0x0  }
0x21e: {  	s12 =	simm.s32 $0x4200;
	s15 =	rddreg [dreg:$0x14];
	[sflag:s31] =	ssyncadd.s32 $0xFFFFC000  }
0x21f: {  	[hbm4b:s15+s4] =	stream.linear.scatter [tilespmem:s12], [sflag:$0x8], $0x4000, $0x38;
	[tilespmem:$0x18200] =	vst v63  }
0x220: {  	_ =	swait.ge [sflag:s3], $0x4000  }
0x221: {  	[sflag:s3] =	ssyncset.done $0x0  }
0x222: {  	[sflag:s3] =	ssyncadd.s32 $0xFFFFC000  }
0x223: {  	v3 =	vld [tilespmem:$0x180];
	_ =	sdelay $0x4  }
0x224: {  	v49 =	vshll.u32 v3, $0x3  }
0x225: {  	v3 =	vand.u32 $0x7, v3;
	v4 =	vand.u32 $0xFFFFFFC0, v49  }
0x226: {  	v3 =	vor.u32 v3, v4  }
0x227: {  	v4 =	vperm.xlane v3, v0;
	_ =	sdelay $0x1  }
0x228: {  	v4 =	vadd.s32 v1, v4;
	_ =	sdelay $0x3  }
0x229: {  	s23 =	simm.s32 $0x14200  }
0x22a: {  	[tilespmem:s23], [sflag:$0x6] =	stream.indirect_vreg.gather [hbm4b:s2+s4], $0x80, v4, vm0, $0xb8;
	[tilespmem:$0x18200] =	vst v63  }
0x22b: {  	s29 =	simm.s32 $0x14A00;
	v3 =	vperm.xlane v3, v2  }
0x22c: {  	[tilespmem:s29], [sflag:$0x6] =	stream.indirect_vreg.gather [hbm4b:s8+s4], $0x80, v4, vm0, $0xb8;
	[tilespmem:$0x18200] =	vst v63  }
0x22d: {  	v3 =	vadd.s32 v1, v3;
	s23 =	simm.s32 $0x15200  }
0x22e: {  	[tilespmem:s23], [sflag:$0x6] =	stream.indirect_vreg.gather [hbm4b:s9+s4], $0x80, v4, vm0, $0xb8;
	[tilespmem:$0x18200] =	vst v63  }
0x22f: {  	s26 =	simm.s32 $0x15A00  }
0x230: {  	[tilespmem:s26], [sflag:$0x6] =	stream.indirect_vreg.gather [hbm4b:s10+s4], $0x80, v4, vm0, $0xb8;
	[tilespmem:$0x18200] =	vst v63  }
0x231: {  	s29 =	simm.s32 $0x16200  }
0x232: {  	[tilespmem:s29], [sflag:$0x6] =	stream.indirect_vreg.gather [hbm4b:s2+s4], $0x80, v3, vm0, $0xb8;
	[tilespmem:$0x18200] =	vst v63  }
0x233: {  	s23 =	simm.s32 $0x16A00  }
0x234: {  	[tilespmem:s23], [sflag:$0x6] =	stream.indirect_vreg.gather [hbm4b:s8+s4], $0x80, v3, vm0, $0xb8;
	[tilespmem:$0x18200] =	vst v63  }
0x235: {  	s26 =	simm.s32 $0x17200  }
0x236: {  	[tilespmem:s26], [sflag:$0x6] =	stream.indirect_vreg.gather [hbm4b:s9+s4], $0x80, v3, vm0, $0xb8;
	[tilespmem:$0x18200] =	vst v63  }
0x237: {  	s29 =	simm.s32 $0x17A00  }
0x238: {  	[tilespmem:s29], [sflag:$0x6] =	stream.indirect_vreg.gather [hbm4b:s10+s4], $0x80, v3, vm0, $0xb8;
	[tilespmem:$0x18200] =	vst v63  }
0x239: {  	_ =	swait.ge [sflag:s17], $0x4000  }
0x23a: {  	[sflag:s17] =	ssyncset.done $0x0  }
0x23b: {  	s21 =	simm.s32 $0x8200;
	s15 =	rddreg [dreg:$0x15];
	[sflag:s17] =	ssyncadd.s32 $0xFFFFC000  }
0x23c: {  	[hbm4b:s15+s4] =	stream.linear.scatter [tilespmem:s21], [sflag:$0x9], $0x4000, $0x38;
	[tilespmem:$0x18200] =	vst v63  }
0x23d: {  	_ =	swait.ge [sflag:s16], $0x4000  }
0x23e: {  	[sflag:s16] =	ssyncset.done $0x0  }
0x23f: {  	[sflag:s16] =	ssyncadd.s32 $0xFFFFC000  }
0x240: {  	v3 =	vld [tilespmem:$0x190];
	_ =	sdelay $0x4  }
0x241: {  	v50 =	vshll.u32 v3, $0x3  }
0x242: {  	v3 =	vand.u32 $0x7, v3;
	v4 =	vand.u32 $0xFFFFFFC0, v50  }
0x243: {  	v3 =	vor.u32 v3, v4  }
0x244: {  	v4 =	vperm.xlane v3, v0;
	_ =	sdelay $0x1  }
0x245: {  	v4 =	vadd.s32 v1, v4;
	_ =	sdelay $0x3  }
0x246: {  	s13 =	simm.s32 $0x200  }
0x247: {  	[tilespmem:s13], [sflag:$0x1] =	stream.indirect_vreg.gather [hbm4b:s1+s4], $0x80, v4, vm0, $0xb8;
	[tilespmem:$0x18200] =	vst v63  }
0x248: {  	s23 =	simm.s32 $0xA00;
	v3 =	vperm.xlane v3, v2  }
0x249: {  	[tilespmem:s23], [sflag:$0x1] =	stream.indirect_vreg.gather [hbm4b:s5+s4], $0x80, v4, vm0, $0xb8;
	[tilespmem:$0x18200] =	vst v63  }
0x24a: {  	s15 =	simm.s32 $0x1200;
	v3 =	vadd.s32 v1, v3  }
0x24b: {  	[tilespmem:s15], [sflag:$0x1] =	stream.indirect_vreg.gather [hbm4b:s6+s4], $0x80, v4, vm0, $0xb8;
	[tilespmem:$0x18200] =	vst v63  }
0x24c: {  	s26 =	simm.s32 $0x1A00  }
0x24d: {  	[tilespmem:s26], [sflag:$0x1] =	stream.indirect_vreg.gather [hbm4b:s7+s4], $0x80, v4, vm0, $0xb8;
	[tilespmem:$0x18200] =	vst v63  }
0x24e: {  	s29 =	simm.s32 $0x2200  }
0x24f: {  	[tilespmem:s29], [sflag:$0x1] =	stream.indirect_vreg.gather [hbm4b:s1+s4], $0x80, v3, vm0, $0xb8;
	[tilespmem:$0x18200] =	vst v63  }
0x250: {  	s23 =	simm.s32 $0x2A00  }
0x251: {  	[tilespmem:s23], [sflag:$0x1] =	stream.indirect_vreg.gather [hbm4b:s5+s4], $0x80, v3, vm0, $0xb8;
	[tilespmem:$0x18200] =	vst v63  }
0x252: {  	s13 =	simm.s32 $0x3200  }
0x253: {  	[tilespmem:s13], [sflag:$0x1] =	stream.indirect_vreg.gather [hbm4b:s6+s4], $0x80, v3, vm0, $0xb8;
	[tilespmem:$0x18200] =	vst v63  }
0x254: {  	s26 =	simm.s32 $0x3A00  }
0x255: {  	[tilespmem:s26], [sflag:$0x1] =	stream.indirect_vreg.gather [hbm4b:s7+s4], $0x80, v3, vm0, $0xb8;
	[tilespmem:$0x18200] =	vst v63  }
0x256: {  	_ =	swait.ge [sflag:s19], $0x4000  }
0x257: {  	[sflag:s19] =	ssyncset.done $0x0  }
0x258: {  	s13 =	simm.s32 $0xC200;
	s29 =	rddreg [dreg:$0x16];
	[sflag:s19] =	ssyncadd.s32 $0xFFFFC000  }
0x259: {  	[hbm4b:s29+s4] =	stream.linear.scatter [tilespmem:s13], [sflag:$0xA], $0x4000, $0x38;
	[tilespmem:$0x18200] =	vst v63  }
0x25a: {  	_ =	swait.ge [sflag:s18], $0x4000  }
0x25b: {  	[sflag:s18] =	ssyncset.done $0x0  }
0x25c: {  	[sflag:s18] =	ssyncadd.s32 $0xFFFFC000  }
0x25d: {  	v3 =	vld [tilespmem:$0x190];
	_ =	sdelay $0x4  }
0x25e: {  	v51 =	vshll.u32 v3, $0x3  }
0x25f: {  	v3 =	vand.u32 $0x7, v3;
	v4 =	vand.u32 $0xFFFFFFC0, v51  }
0x260: {  	v3 =	vor.u32 v3, v4  }
0x261: {  	v4 =	vperm.xlane v3, v0;
	_ =	sdelay $0x1  }
0x262: {  	v4 =	vadd.s32 v1, v4;
	_ =	sdelay $0x3  }
0x263: {  	s0 =	simm.s32 $0x4200  }
0x264: {  	[tilespmem:s0], [sflag:$0x2] =	stream.indirect_vreg.gather [hbm4b:s2+s4], $0x80, v4, vm0, $0xb8;
	[tilespmem:$0x18200] =	vst v63  }
0x265: {  	s29 =	simm.s32 $0x4A00;
	v3 =	vperm.xlane v3, v2  }
0x266: {  	[tilespmem:s29], [sflag:$0x2] =	stream.indirect_vreg.gather [hbm4b:s8+s4], $0x80, v4, vm0, $0xb8;
	[tilespmem:$0x18200] =	vst v63  }
0x267: {  	s26 =	simm.s32 $0x5200;
	v3 =	vadd.s32 v1, v3  }
0x268: {  	[tilespmem:s26], [sflag:$0x2] =	stream.indirect_vreg.gather [hbm4b:s9+s4], $0x80, v4, vm0, $0xb8;
	[tilespmem:$0x18200] =	vst v63  }
0x269: {  	s29 =	simm.s32 $0x5A00  }
0x26a: {  	[tilespmem:s29], [sflag:$0x2] =	stream.indirect_vreg.gather [hbm4b:s10+s4], $0x80, v4, vm0, $0xb8;
	[tilespmem:$0x18200] =	vst v63  }
0x26b: {  	s26 =	simm.s32 $0x6200  }
0x26c: {  	[tilespmem:s26], [sflag:$0x2] =	stream.indirect_vreg.gather [hbm4b:s2+s4], $0x80, v3, vm0, $0xb8;
	[tilespmem:$0x18200] =	vst v63  }
0x26d: {  	s29 =	simm.s32 $0x6A00  }
0x26e: {  	[tilespmem:s29], [sflag:$0x2] =	stream.indirect_vreg.gather [hbm4b:s8+s4], $0x80, v3, vm0, $0xb8;
	[tilespmem:$0x18200] =	vst v63  }
0x26f: {  	s26 =	simm.s32 $0x7200  }
0x270: {  	[tilespmem:s26], [sflag:$0x2] =	stream.indirect_vreg.gather [hbm4b:s9+s4], $0x80, v3, vm0, $0xb8;
	[tilespmem:$0x18200] =	vst v63  }
0x271: {  	s29 =	simm.s32 $0x7A00  }
0x272: {  	[tilespmem:s29], [sflag:$0x2] =	stream.indirect_vreg.gather [hbm4b:s10+s4], $0x80, v3, vm0, $0xb8;
	[tilespmem:$0x18200] =	vst v63  }
0x273: {  	_ =	swait.ge [sflag:s20], $0x4000  }
0x274: {  	[sflag:s20] =	ssyncset.done $0x0  }
0x275: {  	s11 =	simm.s32 $0x10200;
	s0 =	rddreg [dreg:$0x17];
	[sflag:s20] =	ssyncadd.s32 $0xFFFFC000  }
0x276: {  	[hbm4b:s0+s4] =	stream.linear.scatter [tilespmem:s11], [sflag:$0xB], $0x4000, $0x38;
	[tilespmem:$0x18200] =	vst v63  }
0x277: {  	_ =	swait.ge [sflag:s14], $0x4000  }
0x278: {  	[sflag:s14] =	ssyncset.done $0x0  }
0x279: {  	[sflag:s14] =	ssyncadd.s32 $0xFFFFC000  }
0x27a: {  	v3 =	vld [tilespmem:$0x1A0];
	_ =	sdelay $0x4  }
0x27b: {  	v52 =	vshll.u32 v3, $0x3  }
0x27c: {  	v3 =	vand.u32 $0x7, v3;
	v4 =	vand.u32 $0xFFFFFFC0, v52  }
0x27d: {  	v3 =	vor.u32 v3, v4  }
0x27e: {  	v4 =	vperm.xlane v3, v0;
	_ =	sdelay $0x1  }
0x27f: {  	v4 =	vadd.s32 v1, v4;
	_ =	sdelay $0x4  }
0x280: {  	[tilespmem:s21], [sflag:$0x3] =	stream.indirect_vreg.gather [hbm4b:s1+s4], $0x80, v4, vm0, $0xb8;
	[tilespmem:$0x18200] =	vst v63  }
0x281: {  	s26 =	simm.s32 $0x8A00;
	v3 =	vperm.xlane v3, v2  }
0x282: {  	[tilespmem:s26], [sflag:$0x3] =	stream.indirect_vreg.gather [hbm4b:s5+s4], $0x80, v4, vm0, $0xb8;
	[tilespmem:$0x18200] =	vst v63  }
0x283: {  	s0 =	simm.s32 $0x9200;
	v3 =	vadd.s32 v1, v3  }
0x284: {  	[tilespmem:s0], [sflag:$0x3] =	stream.indirect_vreg.gather [hbm4b:s6+s4], $0x80, v4, vm0, $0xb8;
	[tilespmem:$0x18200] =	vst v63  }
0x285: {  	s21 =	simm.s32 $0x9A00  }
0x286: {  	[tilespmem:s21], [sflag:$0x3] =	stream.indirect_vreg.gather [hbm4b:s7+s4], $0x80, v4, vm0, $0xb8;
	[tilespmem:$0x18200] =	vst v63  }
0x287: {  	_ = 	snop  }
0x288: {  	[tilespmem:s30], [sflag:$0x3] =	stream.indirect_vreg.gather [hbm4b:s1+s4], $0x80, v3, vm0, $0xb8;
	[tilespmem:$0x18200] =	vst v63  }
0x289: {  	s26 =	simm.s32 $0xAA00  }
0x28a: {  	[tilespmem:s26], [sflag:$0x3] =	stream.indirect_vreg.gather [hbm4b:s5+s4], $0x80, v3, vm0, $0xb8;
	[tilespmem:$0x18200] =	vst v63  }
0x28b: {  	s30 =	simm.s32 $0xB200  }
0x28c: {  	[tilespmem:s30], [sflag:$0x3] =	stream.indirect_vreg.gather [hbm4b:s6+s4], $0x80, v3, vm0, $0xb8;
	[tilespmem:$0x18200] =	vst v63  }
0x28d: {  	s11 =	simm.s32 $0xBA00  }
0x28e: {  	[tilespmem:s11], [sflag:$0x3] =	stream.indirect_vreg.gather [hbm4b:s7+s4], $0x80, v3, vm0, $0xb8;
	[tilespmem:$0x18200] =	vst v63  }
0x28f: {  	_ =	swait.ge [sflag:s22], $0x4000  }
0x290: {  	[sflag:s22] =	ssyncset.done $0x0  }
0x291: {  	s12 =	simm.s32 $0x14200;
	s21 =	rddreg [dreg:$0x18];
	[sflag:s22] =	ssyncadd.s32 $0xFFFFC000  }
0x292: {  	[hbm4b:s21+s4] =	stream.linear.scatter [tilespmem:s12], [sflag:$0xC], $0x4000, $0x38;
	[tilespmem:$0x18200] =	vst v63  }
0x293: {  	_ =	swait.ge [sflag:s24], $0x4000  }
0x294: {  	[sflag:s24] =	ssyncset.done $0x0  }
0x295: {  	[sflag:s24] =	ssyncadd.s32 $0xFFFFC000  }
0x296: {  	v3 =	vld [tilespmem:$0x1A0];
	_ =	sdelay $0x4  }
0x297: {  	v53 =	vshll.u32 v3, $0x3  }
0x298: {  	v3 =	vand.u32 $0x7, v3;
	v4 =	vand.u32 $0xFFFFFFC0, v53  }
0x299: {  	v3 =	vor.u32 v3, v4  }
0x29a: {  	v4 =	vperm.xlane v3, v0;
	_ =	sdelay $0x1  }
0x29b: {  	v4 =	vadd.s32 v1, v4;
	_ =	sdelay $0x4  }
0x29c: {  	[tilespmem:s13], [sflag:$0x4] =	stream.indirect_vreg.gather [hbm4b:s2+s4], $0x80, v4, vm0, $0xb8;
	[tilespmem:$0x18200] =	vst v63  }
0x29d: {  	s26 =	simm.s32 $0xCA00;
	v3 =	vperm.xlane v3, v2  }
0x29e: {  	[tilespmem:s26], [sflag:$0x4] =	stream.indirect_vreg.gather [hbm4b:s8+s4], $0x80, v4, vm0, $0xb8;
	[tilespmem:$0x18200] =	vst v63  }
0x29f: {  	s0 =	simm.s32 $0xD200;
	v3 =	vadd.s32 v1, v3  }
0x2a0: {  	[tilespmem:s0], [sflag:$0x4] =	stream.indirect_vreg.gather [hbm4b:s9+s4], $0x80, v4, vm0, $0xb8;
	[tilespmem:$0x18200] =	vst v63  }
0x2a1: {  	s12 =	simm.s32 $0xDA00  }
0x2a2: {  	[tilespmem:s12], [sflag:$0x4] =	stream.indirect_vreg.gather [hbm4b:s10+s4], $0x80, v4, vm0, $0xb8;
	[tilespmem:$0x18200] =	vst v63  }
0x2a3: {  	s13 =	simm.s32 $0xE200  }
0x2a4: {  	[tilespmem:s13], [sflag:$0x4] =	stream.indirect_vreg.gather [hbm4b:s2+s4], $0x80, v3, vm0, $0xb8;
	[tilespmem:$0x18200] =	vst v63  }
0x2a5: {  	s21 =	simm.s32 $0xEA00  }
0x2a6: {  	[tilespmem:s21], [sflag:$0x4] =	stream.indirect_vreg.gather [hbm4b:s8+s4], $0x80, v3, vm0, $0xb8;
	[tilespmem:$0x18200] =	vst v63  }
0x2a7: {  	s26 =	simm.s32 $0xF200  }
0x2a8: {  	[tilespmem:s26], [sflag:$0x4] =	stream.indirect_vreg.gather [hbm4b:s9+s4], $0x80, v3, vm0, $0xb8;
	[tilespmem:$0x18200] =	vst v63  }
0x2a9: {  	s11 =	simm.s32 $0xFA00  }
0x2aa: {  	[tilespmem:s11], [sflag:$0x4] =	stream.indirect_vreg.gather [hbm4b:s10+s4], $0x80, v3, vm0, $0xb8;
	[tilespmem:$0x18200] =	vst v63  }
0x2ab: {  	_ =	swait.ge [sflag:s28], $0x4000  }
0x2ac: {  	[sflag:s28] =	ssyncset.done $0x0  }
0x2ad: {  	s0 =	simm.s32 $0x200;
	s12 =	rddreg [dreg:$0x19];
	[sflag:s28] =	ssyncadd.s32 $0xFFFFC000  }
0x2ae: {  	[hbm4b:s12+s4] =	stream.linear.scatter [tilespmem:s0], [sflag:$0x7], $0x4000, $0x38;
	[tilespmem:$0x18200] =	vst v63  }
0x2af: {  	_ =	swait.ge [sflag:s25], $0x4000  }
0x2b0: {  	[sflag:s25] =	ssyncset.done $0x0  }
0x2b1: {  	[sflag:s25] =	ssyncadd.s32 $0xFFFFC000  }
0x2b2: {  	v3 =	vld [tilespmem:$0x1B0];
	_ =	sdelay $0x4  }
0x2b3: {  	v54 =	vshll.u32 v3, $0x3  }
0x2b4: {  	v3 =	vand.u32 $0x7, v3;
	v4 =	vand.u32 $0xFFFFFFC0, v54  }
0x2b5: {  	v3 =	vor.u32 v3, v4  }
0x2b6: {  	v4 =	vperm.xlane v3, v0;
	_ =	sdelay $0x1  }
0x2b7: {  	v4 =	vadd.s32 v1, v4;
	_ =	sdelay $0x3  }
0x2b8: {  	s29 =	simm.s32 $0x10200  }
0x2b9: {  	[tilespmem:s29], [sflag:$0x5] =	stream.indirect_vreg.gather [hbm4b:s1+s4], $0x80, v4, vm0, $0xb8;
	[tilespmem:$0x18200] =	vst v63  }
0x2ba: {  	s13 =	simm.s32 $0x10A00;
	v3 =	vperm.xlane v3, v2  }
0x2bb: {  	[tilespmem:s13], [sflag:$0x5] =	stream.indirect_vreg.gather [hbm4b:s5+s4], $0x80, v4, vm0, $0xb8;
	[tilespmem:$0x18200] =	vst v63  }
0x2bc: {  	s21 =	simm.s32 $0x11200;
	v3 =	vadd.s32 v1, v3  }
0x2bd: {  	[tilespmem:s21], [sflag:$0x5] =	stream.indirect_vreg.gather [hbm4b:s6+s4], $0x80, v4, vm0, $0xb8;
	[tilespmem:$0x18200] =	vst v63  }
0x2be: {  	s26 =	simm.s32 $0x11A00  }
0x2bf: {  	[tilespmem:s26], [sflag:$0x5] =	stream.indirect_vreg.gather [hbm4b:s7+s4], $0x80, v4, vm0, $0xb8;
	[tilespmem:$0x18200] =	vst v63  }
0x2c0: {  	s12 =	simm.s32 $0x12200  }
0x2c1: {  	[tilespmem:s12], [sflag:$0x5] =	stream.indirect_vreg.gather [hbm4b:s1+s4], $0x80, v3, vm0, $0xb8;
	[tilespmem:$0x18200] =	vst v63  }
0x2c2: {  	s13 =	simm.s32 $0x12A00  }
0x2c3: {  	[tilespmem:s13], [sflag:$0x5] =	stream.indirect_vreg.gather [hbm4b:s5+s4], $0x80, v3, vm0, $0xb8;
	[tilespmem:$0x18200] =	vst v63  }
0x2c4: {  	s21 =	simm.s32 $0x13200  }
0x2c5: {  	[tilespmem:s21], [sflag:$0x5] =	stream.indirect_vreg.gather [hbm4b:s6+s4], $0x80, v3, vm0, $0xb8;
	[tilespmem:$0x18200] =	vst v63  }
0x2c6: {  	s26 =	simm.s32 $0x13A00  }
0x2c7: {  	[tilespmem:s26], [sflag:$0x5] =	stream.indirect_vreg.gather [hbm4b:s7+s4], $0x80, v3, vm0, $0xb8;
	[tilespmem:$0x18200] =	vst v63  }
0x2c8: {  	_ =	swait.ge [sflag:s31], $0x4000  }
0x2c9: {  	[sflag:s31] =	ssyncset.done $0x0  }
0x2ca: {  	s21 =	simm.s32 $0x4200;
	s11 =	rddreg [dreg:$0x1a];
	[sflag:s31] =	ssyncadd.s32 $0xFFFFC000  }
0x2cb: {  	[hbm4b:s11+s4] =	stream.linear.scatter [tilespmem:s21], [sflag:$0x8], $0x4000, $0x38;
	[tilespmem:$0x18200] =	vst v63  }
0x2cc: {  	_ =	swait.ge [sflag:s3], $0x4000  }
0x2cd: {  	[sflag:s3] =	ssyncset.done $0x0  }
0x2ce: {  	[sflag:s3] =	ssyncadd.s32 $0xFFFFC000  }
0x2cf: {  	v3 =	vld [tilespmem:$0x1B0];
	_ =	sdelay $0x4  }
0x2d0: {  	v55 =	vshll.u32 v3, $0x3  }
0x2d1: {  	v3 =	vand.u32 $0x7, v3;
	v4 =	vand.u32 $0xFFFFFFC0, v55  }
0x2d2: {  	v3 =	vor.u32 v3, v4  }
0x2d3: {  	v4 =	vperm.xlane v3, v0;
	_ =	sdelay $0x1  }
0x2d4: {  	v4 =	vadd.s32 v1, v4;
	_ =	sdelay $0x3  }
0x2d5: {  	s30 =	simm.s32 $0x14200  }
0x2d6: {  	[tilespmem:s30], [sflag:$0x6] =	stream.indirect_vreg.gather [hbm4b:s2+s4], $0x80, v4, vm0, $0xb8;
	[tilespmem:$0x18200] =	vst v63  }
0x2d7: {  	s12 =	simm.s32 $0x14A00;
	v3 =	vperm.xlane v3, v2  }
0x2d8: {  	[tilespmem:s12], [sflag:$0x6] =	stream.indirect_vreg.gather [hbm4b:s8+s4], $0x80, v4, vm0, $0xb8;
	[tilespmem:$0x18200] =	vst v63  }
0x2d9: {  	s13 =	simm.s32 $0x15200;
	v3 =	vadd.s32 v1, v3  }
0x2da: {  	[tilespmem:s13], [sflag:$0x6] =	stream.indirect_vreg.gather [hbm4b:s9+s4], $0x80, v4, vm0, $0xb8;
	[tilespmem:$0x18200] =	vst v63  }
0x2db: {  	s26 =	simm.s32 $0x15A00  }
0x2dc: {  	[tilespmem:s26], [sflag:$0x6] =	stream.indirect_vreg.gather [hbm4b:s10+s4], $0x80, v4, vm0, $0xb8;
	[tilespmem:$0x18200] =	vst v63  }
0x2dd: {  	s12 =	simm.s32 $0x16200  }
0x2de: {  	[tilespmem:s12], [sflag:$0x6] =	stream.indirect_vreg.gather [hbm4b:s2+s4], $0x80, v3, vm0, $0xb8;
	[tilespmem:$0x18200] =	vst v63  }
0x2df: {  	s13 =	simm.s32 $0x16A00  }
0x2e0: {  	[tilespmem:s13], [sflag:$0x6] =	stream.indirect_vreg.gather [hbm4b:s8+s4], $0x80, v3, vm0, $0xb8;
	[tilespmem:$0x18200] =	vst v63  }
0x2e1: {  	s26 =	simm.s32 $0x17200  }
0x2e2: {  	[tilespmem:s26], [sflag:$0x6] =	stream.indirect_vreg.gather [hbm4b:s9+s4], $0x80, v3, vm0, $0xb8;
	[tilespmem:$0x18200] =	vst v63  }
0x2e3: {  	s12 =	simm.s32 $0x17A00  }
0x2e4: {  	[tilespmem:s12], [sflag:$0x6] =	stream.indirect_vreg.gather [hbm4b:s10+s4], $0x80, v3, vm0, $0xb8;
	[tilespmem:$0x18200] =	vst v63  }
0x2e5: {  	_ =	swait.ge [sflag:s17], $0x4000  }
0x2e6: {  	[sflag:s17] =	ssyncset.done $0x0  }
0x2e7: {  	s11 =	simm.s32 $0x8200;
	s13 =	rddreg [dreg:$0x1b];
	[sflag:s17] =	ssyncadd.s32 $0xFFFFC000  }
0x2e8: {  	[hbm4b:s13+s4] =	stream.linear.scatter [tilespmem:s11], [sflag:$0x9], $0x4000, $0x38;
	[tilespmem:$0x18200] =	vst v63  }
0x2e9: {  	_ =	swait.ge [sflag:s16], $0x4000  }
0x2ea: {  	[sflag:s16] =	ssyncset.done $0x0  }
0x2eb: {  	[sflag:s16] =	ssyncadd.s32 $0xFFFFC000  }
0x2ec: {  	v3 =	vld [tilespmem:$0x1C0];
	_ =	sdelay $0x4  }
0x2ed: {  	v56 =	vshll.u32 v3, $0x3  }
0x2ee: {  	v3 =	vand.u32 $0x7, v3;
	v4 =	vand.u32 $0xFFFFFFC0, v56  }
0x2ef: {  	v3 =	vor.u32 v3, v4  }
0x2f0: {  	v4 =	vperm.xlane v3, v0;
	_ =	sdelay $0x1  }
0x2f1: {  	v4 =	vadd.s32 v1, v4;
	_ =	sdelay $0x4  }
0x2f2: {  	[tilespmem:s0], [sflag:$0x1] =	stream.indirect_vreg.gather [hbm4b:s1+s4], $0x80, v4, vm0, $0xb8;
	[tilespmem:$0x18200] =	vst v63  }
0x2f3: {  	s12 =	simm.s32 $0xA00;
	v3 =	vperm.xlane v3, v2  }
0x2f4: {  	[tilespmem:s12], [sflag:$0x1] =	stream.indirect_vreg.gather [hbm4b:s5+s4], $0x80, v4, vm0, $0xb8;
	[tilespmem:$0x18200] =	vst v63  }
0x2f5: {  	v3 =	vadd.s32 v1, v3  }
0x2f6: {  	[tilespmem:s15], [sflag:$0x1] =	stream.indirect_vreg.gather [hbm4b:s6+s4], $0x80, v4, vm0, $0xb8;
	[tilespmem:$0x18200] =	vst v63  }
0x2f7: {  	s15 =	simm.s32 $0x1A00  }
0x2f8: {  	[tilespmem:s15], [sflag:$0x1] =	stream.indirect_vreg.gather [hbm4b:s7+s4], $0x80, v4, vm0, $0xb8;
	[tilespmem:$0x18200] =	vst v63  }
0x2f9: {  	s26 =	simm.s32 $0x2200  }
0x2fa: {  	[tilespmem:s26], [sflag:$0x1] =	stream.indirect_vreg.gather [hbm4b:s1+s4], $0x80, v3, vm0, $0xb8;
	[tilespmem:$0x18200] =	vst v63  }
0x2fb: {  	_ = 	snop  }
0x2fc: {  	[tilespmem:s23], [sflag:$0x1] =	stream.indirect_vreg.gather [hbm4b:s5+s4], $0x80, v3, vm0, $0xb8;
	[tilespmem:$0x18200] =	vst v63  }
0x2fd: {  	s12 =	simm.s32 $0x3200  }
0x2fe: {  	[tilespmem:s12], [sflag:$0x1] =	stream.indirect_vreg.gather [hbm4b:s6+s4], $0x80, v3, vm0, $0xb8;
	[tilespmem:$0x18200] =	vst v63  }
0x2ff: {  	s26 =	simm.s32 $0x3A00  }
0x300: {  	[tilespmem:s26], [sflag:$0x1] =	stream.indirect_vreg.gather [hbm4b:s7+s4], $0x80, v3, vm0, $0xb8;
	[tilespmem:$0x18200] =	vst v63  }
0x301: {  	_ =	swait.ge [sflag:s19], $0x4000  }
0x302: {  	[sflag:s19] =	ssyncset.done $0x0  }
0x303: {  	s0 =	simm.s32 $0xC200;
	s12 =	rddreg [dreg:$0x1c];
	[sflag:s19] =	ssyncadd.s32 $0xFFFFC000  }
0x304: {  	[hbm4b:s12+s4] =	stream.linear.scatter [tilespmem:s0], [sflag:$0xA], $0x4000, $0x38;
	[tilespmem:$0x18200] =	vst v63  }
0x305: {  	_ =	swait.ge [sflag:s18], $0x4000  }
0x306: {  	[sflag:s18] =	ssyncset.done $0x0  }
0x307: {  	[sflag:s18] =	ssyncadd.s32 $0xFFFFC000  }
0x308: {  	v3 =	vld [tilespmem:$0x1C0];
	_ =	sdelay $0x4  }
0x309: {  	v57 =	vshll.u32 v3, $0x3  }
0x30a: {  	v3 =	vand.u32 $0x7, v3;
	v4 =	vand.u32 $0xFFFFFFC0, v57  }
0x30b: {  	v3 =	vor.u32 v3, v4  }
0x30c: {  	v4 =	vperm.xlane v3, v0;
	_ =	sdelay $0x1  }
0x30d: {  	v4 =	vadd.s32 v1, v4;
	_ =	sdelay $0x4  }
0x30e: {  	[tilespmem:s21], [sflag:$0x2] =	stream.indirect_vreg.gather [hbm4b:s2+s4], $0x80, v4, vm0, $0xb8;
	[tilespmem:$0x18200] =	vst v63  }
0x30f: {  	s26 =	simm.s32 $0x4A00;
	v3 =	vperm.xlane v3, v2  }
0x310: {  	[tilespmem:s26], [sflag:$0x2] =	stream.indirect_vreg.gather [hbm4b:s8+s4], $0x80, v4, vm0, $0xb8;
	[tilespmem:$0x18200] =	vst v63  }
0x311: {  	v3 =	vadd.s32 v1, v3;
	s21 =	simm.s32 $0x5200  }
0x312: {  	[tilespmem:s21], [sflag:$0x2] =	stream.indirect_vreg.gather [hbm4b:s9+s4], $0x80, v4, vm0, $0xb8;
	[tilespmem:$0x18200] =	vst v63  }
0x313: {  	s26 =	simm.s32 $0x5A00  }
0x314: {  	[tilespmem:s26], [sflag:$0x2] =	stream.indirect_vreg.gather [hbm4b:s10+s4], $0x80, v4, vm0, $0xb8;
	[tilespmem:$0x18200] =	vst v63  }
0x315: {  	s26 =	simm.s32 $0x6200  }
0x316: {  	[tilespmem:s26], [sflag:$0x2] =	stream.indirect_vreg.gather [hbm4b:s2+s4], $0x80, v3, vm0, $0xb8;
	[tilespmem:$0x18200] =	vst v63  }
0x317: {  	s26 =	simm.s32 $0x6A00  }
0x318: {  	[tilespmem:s26], [sflag:$0x2] =	stream.indirect_vreg.gather [hbm4b:s8+s4], $0x80, v3, vm0, $0xb8;
	[tilespmem:$0x18200] =	vst v63  }
0x319: {  	s26 =	simm.s32 $0x7200  }
0x31a: {  	[tilespmem:s26], [sflag:$0x2] =	stream.indirect_vreg.gather [hbm4b:s9+s4], $0x80, v3, vm0, $0xb8;
	[tilespmem:$0x18200] =	vst v63  }
0x31b: {  	s26 =	simm.s32 $0x7A00  }
0x31c: {  	[tilespmem:s26], [sflag:$0x2] =	stream.indirect_vreg.gather [hbm4b:s10+s4], $0x80, v3, vm0, $0xb8;
	[tilespmem:$0x18200] =	vst v63  }
0x31d: {  	_ =	swait.ge [sflag:s20], $0x4000  }
0x31e: {  	[sflag:s20] =	ssyncset.done $0x0  }
0x31f: {  	s26 =	rddreg [dreg:$0x1d];
	[sflag:s20] =	ssyncadd.s32 $0xFFFFC000  }
0x320: {  	[hbm4b:s26+s4] =	stream.linear.scatter [tilespmem:s29], [sflag:$0xB], $0x4000, $0x38;
	[tilespmem:$0x18200] =	vst v63  }
0x321: {  	_ =	swait.ge [sflag:s14], $0x4000  }
0x322: {  	[sflag:s14] =	ssyncset.done $0x0  }
0x323: {  	[sflag:s14] =	ssyncadd.s32 $0xFFFFC000  }
0x324: {  	v3 =	vld [tilespmem:$0x1D0];
	_ =	sdelay $0x4  }
0x325: {  	v58 =	vshll.u32 v3, $0x3  }
0x326: {  	v3 =	vand.u32 $0x7, v3;
	v4 =	vand.u32 $0xFFFFFFC0, v58  }
0x327: {  	v3 =	vor.u32 v3, v4  }
0x328: {  	v4 =	vperm.xlane v3, v0;
	_ =	sdelay $0x1  }
0x329: {  	v4 =	vadd.s32 v1, v4;
	_ =	sdelay $0x4  }
0x32a: {  	[tilespmem:s11], [sflag:$0x3] =	stream.indirect_vreg.gather [hbm4b:s1+s4], $0x80, v4, vm0, $0xb8;
	[tilespmem:$0x18200] =	vst v63  }
0x32b: {  	s26 =	simm.s32 $0x8A00;
	v3 =	vperm.xlane v3, v2  }
0x32c: {  	[tilespmem:s26], [sflag:$0x3] =	stream.indirect_vreg.gather [hbm4b:s5+s4], $0x80, v4, vm0, $0xb8;
	[tilespmem:$0x18200] =	vst v63  }
0x32d: {  	v3 =	vadd.s32 v1, v3;
	s26 =	simm.s32 $0x9200  }
0x32e: {  	[tilespmem:s26], [sflag:$0x3] =	stream.indirect_vreg.gather [hbm4b:s6+s4], $0x80, v4, vm0, $0xb8;
	[tilespmem:$0x18200] =	vst v63  }
0x32f: {  	s26 =	simm.s32 $0x9A00  }
0x330: {  	[tilespmem:s26], [sflag:$0x3] =	stream.indirect_vreg.gather [hbm4b:s7+s4], $0x80, v4, vm0, $0xb8;
	[tilespmem:$0x18200] =	vst v63  }
0x331: {  	s26 =	simm.s32 $0xA200  }
0x332: {  	[tilespmem:s26], [sflag:$0x3] =	stream.indirect_vreg.gather [hbm4b:s1+s4], $0x80, v3, vm0, $0xb8;
	[tilespmem:$0x18200] =	vst v63  }
0x333: {  	s26 =	simm.s32 $0xAA00  }
0x334: {  	[tilespmem:s26], [sflag:$0x3] =	stream.indirect_vreg.gather [hbm4b:s5+s4], $0x80, v3, vm0, $0xb8;
	[tilespmem:$0x18200] =	vst v63  }
0x335: {  	s26 =	simm.s32 $0xB200  }
0x336: {  	[tilespmem:s26], [sflag:$0x3] =	stream.indirect_vreg.gather [hbm4b:s6+s4], $0x80, v3, vm0, $0xb8;
	[tilespmem:$0x18200] =	vst v63  }
0x337: {  	s26 =	simm.s32 $0xBA00  }
0x338: {  	[tilespmem:s26], [sflag:$0x3] =	stream.indirect_vreg.gather [hbm4b:s7+s4], $0x80, v3, vm0, $0xb8;
	[tilespmem:$0x18200] =	vst v63  }
0x339: {  	_ =	swait.ge [sflag:s22], $0x4000  }
0x33a: {  	[sflag:s22] =	ssyncset.done $0x0  }
0x33b: {  	s26 =	rddreg [dreg:$0x1e];
	[sflag:s22] =	ssyncadd.s32 $0xFFFFC000  }
0x33c: {  	[hbm4b:s26+s4] =	stream.linear.scatter [tilespmem:s30], [sflag:$0xC], $0x4000, $0x38;
	[tilespmem:$0x18200] =	vst v63  }
0x33d: {  	_ =	swait.ge [sflag:s24], $0x4000  }
0x33e: {  	[sflag:s24] =	ssyncset.done $0x0  }
0x33f: {  	[sflag:s24] =	ssyncadd.s32 $0xFFFFC000  }
0x340: {  	v3 =	vld [tilespmem:$0x1D0];
	_ =	sdelay $0x4  }
0x341: {  	v59 =	vshll.u32 v3, $0x3  }
0x342: {  	v3 =	vand.u32 $0x7, v3;
	v4 =	vand.u32 $0xFFFFFFC0, v59  }
0x343: {  	v3 =	vor.u32 v3, v4  }
0x344: {  	v4 =	vperm.xlane v3, v0;
	_ =	sdelay $0x1  }
0x345: {  	v4 =	vadd.s32 v1, v4;
	_ =	sdelay $0x4  }
0x346: {  	[tilespmem:s0], [sflag:$0x4] =	stream.indirect_vreg.gather [hbm4b:s2+s4], $0x80, v4, vm0, $0xb8;
	[tilespmem:$0x18200] =	vst v63  }
0x347: {  	s26 =	simm.s32 $0xCA00;
	v3 =	vperm.xlane v3, v2  }
0x348: {  	[tilespmem:s26], [sflag:$0x4] =	stream.indirect_vreg.gather [hbm4b:s8+s4], $0x80, v4, vm0, $0xb8;
	[tilespmem:$0x18200] =	vst v63  }
0x349: {  	v3 =	vadd.s32 v1, v3;
	s26 =	simm.s32 $0xD200  }
0x34a: {  	[tilespmem:s26], [sflag:$0x4] =	stream.indirect_vreg.gather [hbm4b:s9+s4], $0x80, v4, vm0, $0xb8;
	[tilespmem:$0x18200] =	vst v63  }
0x34b: {  	s26 =	simm.s32 $0xDA00  }
0x34c: {  	[tilespmem:s26], [sflag:$0x4] =	stream.indirect_vreg.gather [hbm4b:s10+s4], $0x80, v4, vm0, $0xb8;
	[tilespmem:$0x18200] =	vst v63  }
0x34d: {  	s26 =	simm.s32 $0xE200  }
0x34e: {  	[tilespmem:s26], [sflag:$0x4] =	stream.indirect_vreg.gather [hbm4b:s2+s4], $0x80, v3, vm0, $0xb8;
	[tilespmem:$0x18200] =	vst v63  }
0x34f: {  	s26 =	simm.s32 $0xEA00  }
0x350: {  	[tilespmem:s26], [sflag:$0x4] =	stream.indirect_vreg.gather [hbm4b:s8+s4], $0x80, v3, vm0, $0xb8;
	[tilespmem:$0x18200] =	vst v63  }
0x351: {  	s26 =	simm.s32 $0xF200  }
0x352: {  	[tilespmem:s26], [sflag:$0x4] =	stream.indirect_vreg.gather [hbm4b:s9+s4], $0x80, v3, vm0, $0xb8;
	[tilespmem:$0x18200] =	vst v63  }
0x353: {  	s26 =	simm.s32 $0xFA00  }
0x354: {  	[tilespmem:s26], [sflag:$0x4] =	stream.indirect_vreg.gather [hbm4b:s10+s4], $0x80, v3, vm0, $0xb8;
	[tilespmem:$0x18200] =	vst v63  }
0x355: {  	_ =	swait.ge [sflag:s28], $0x4000  }
0x356: {  	[sflag:s28] =	ssyncset.done $0x0  }
0x357: {  	s13 =	simm.s32 $0x200;
	s26 =	rddreg [dreg:$0x1f];
	[sflag:s28] =	ssyncadd.s32 $0xFFFFC000  }
0x358: {  	[hbm4b:s26+s4] =	stream.linear.scatter [tilespmem:s13], [sflag:$0x7], $0x4000, $0x38;
	[tilespmem:$0x18200] =	vst v63  }
0x359: {  	_ =	swait.ge [sflag:s25], $0x4000  }
0x35a: {  	[sflag:s25] =	ssyncset.done $0x0  }
0x35b: {  	[sflag:s25] =	ssyncadd.s32 $0xFFFFC000  }
0x35c: {  	v3 =	vld [tilespmem:$0x1E0];
	_ =	sdelay $0x4  }
0x35d: {  	v60 =	vshll.u32 v3, $0x3  }
0x35e: {  	v3 =	vand.u32 $0x7, v3;
	v4 =	vand.u32 $0xFFFFFFC0, v60  }
0x35f: {  	v3 =	vor.u32 v3, v4  }
0x360: {  	v4 =	vperm.xlane v3, v0;
	_ =	sdelay $0x1  }
0x361: {  	v4 =	vadd.s32 v1, v4;
	_ =	sdelay $0x4  }
0x362: {  	[tilespmem:s29], [sflag:$0x5] =	stream.indirect_vreg.gather [hbm4b:s1+s4], $0x80, v4, vm0, $0xb8;
	[tilespmem:$0x18200] =	vst v63  }
0x363: {  	s26 =	simm.s32 $0x10A00;
	v3 =	vperm.xlane v3, v2  }
0x364: {  	[tilespmem:s26], [sflag:$0x5] =	stream.indirect_vreg.gather [hbm4b:s5+s4], $0x80, v4, vm0, $0xb8;
	[tilespmem:$0x18200] =	vst v63  }
0x365: {  	v3 =	vadd.s32 v1, v3;
	s26 =	simm.s32 $0x11200  }
0x366: {  	[tilespmem:s26], [sflag:$0x5] =	stream.indirect_vreg.gather [hbm4b:s6+s4], $0x80, v4, vm0, $0xb8;
	[tilespmem:$0x18200] =	vst v63  }
0x367: {  	s26 =	simm.s32 $0x11A00  }
0x368: {  	[tilespmem:s26], [sflag:$0x5] =	stream.indirect_vreg.gather [hbm4b:s7+s4], $0x80, v4, vm0, $0xb8;
	[tilespmem:$0x18200] =	vst v63  }
0x369: {  	s26 =	simm.s32 $0x12200  }
0x36a: {  	[tilespmem:s26], [sflag:$0x5] =	stream.indirect_vreg.gather [hbm4b:s1+s4], $0x80, v3, vm0, $0xb8;
	[tilespmem:$0x18200] =	vst v63  }
0x36b: {  	s26 =	simm.s32 $0x12A00  }
0x36c: {  	[tilespmem:s26], [sflag:$0x5] =	stream.indirect_vreg.gather [hbm4b:s5+s4], $0x80, v3, vm0, $0xb8;
	[tilespmem:$0x18200] =	vst v63  }
0x36d: {  	s26 =	simm.s32 $0x13200  }
0x36e: {  	[tilespmem:s26], [sflag:$0x5] =	stream.indirect_vreg.gather [hbm4b:s6+s4], $0x80, v3, vm0, $0xb8;
	[tilespmem:$0x18200] =	vst v63  }
0x36f: {  	s26 =	simm.s32 $0x13A00  }
0x370: {  	[tilespmem:s26], [sflag:$0x5] =	stream.indirect_vreg.gather [hbm4b:s7+s4], $0x80, v3, vm0, $0xb8;
	[tilespmem:$0x18200] =	vst v63  }
0x371: {  	_ =	swait.ge [sflag:s31], $0x4000  }
0x372: {  	s26 =	sld [smem:$0x7F7]  }
0x373: {  	[sflag:s31] =	ssyncset.done $0x0  }
0x374: {  	s12 =	simm.s32 $0x4200;
	[sflag:s31] =	ssyncadd.s32 $0xFFFFC000  }
0x375: {  	[hbm4b:s26+s4] =	stream.linear.scatter [tilespmem:s12], [sflag:$0x8], $0x4000, $0x38;
	[tilespmem:$0x18200] =	vst v63  }
0x376: {  	_ =	swait.ge [sflag:s3], $0x4000  }
0x377: {  	[sflag:s3] =	ssyncset.done $0x0  }
0x378: {  	[sflag:s3] =	ssyncadd.s32 $0xFFFFC000  }
0x379: {  	v3 =	vld [tilespmem:$0x1E0];
	_ =	sdelay $0x4  }
0x37a: {  	v61 =	vshll.u32 v3, $0x3  }
0x37b: {  	v3 =	vand.u32 $0x7, v3;
	v4 =	vand.u32 $0xFFFFFFC0, v61  }
0x37c: {  	v3 =	vor.u32 v3, v4  }
0x37d: {  	v4 =	vperm.xlane v3, v0;
	_ =	sdelay $0x1  }
0x37e: {  	v4 =	vadd.s32 v1, v4;
	_ =	sdelay $0x4  }
0x37f: {  	[tilespmem:s30], [sflag:$0x6] =	stream.indirect_vreg.gather [hbm4b:s2+s4], $0x80, v4, vm0, $0xb8;
	[tilespmem:$0x18200] =	vst v63  }
0x380: {  	s26 =	simm.s32 $0x14A00;
	v3 =	vperm.xlane v3, v2  }
0x381: {  	[tilespmem:s26], [sflag:$0x6] =	stream.indirect_vreg.gather [hbm4b:s8+s4], $0x80, v4, vm0, $0xb8;
	[tilespmem:$0x18200] =	vst v63  }
0x382: {  	v3 =	vadd.s32 v1, v3;
	s26 =	simm.s32 $0x15200  }
0x383: {  	[tilespmem:s26], [sflag:$0x6] =	stream.indirect_vreg.gather [hbm4b:s9+s4], $0x80, v4, vm0, $0xb8;
	[tilespmem:$0x18200] =	vst v63  }
0x384: {  	s26 =	simm.s32 $0x15A00  }
0x385: {  	[tilespmem:s26], [sflag:$0x6] =	stream.indirect_vreg.gather [hbm4b:s10+s4], $0x80, v4, vm0, $0xb8;
	[tilespmem:$0x18200] =	vst v63  }
0x386: {  	s26 =	simm.s32 $0x16200  }
0x387: {  	[tilespmem:s26], [sflag:$0x6] =	stream.indirect_vreg.gather [hbm4b:s2+s4], $0x80, v3, vm0, $0xb8;
	[tilespmem:$0x18200] =	vst v63  }
0x388: {  	s26 =	simm.s32 $0x16A00  }
0x389: {  	[tilespmem:s26], [sflag:$0x6] =	stream.indirect_vreg.gather [hbm4b:s8+s4], $0x80, v3, vm0, $0xb8;
	[tilespmem:$0x18200] =	vst v63  }
0x38a: {  	s26 =	simm.s32 $0x17200  }
0x38b: {  	[tilespmem:s26], [sflag:$0x6] =	stream.indirect_vreg.gather [hbm4b:s9+s4], $0x80, v3, vm0, $0xb8;
	[tilespmem:$0x18200] =	vst v63  }
0x38c: {  	s26 =	simm.s32 $0x17A00  }
0x38d: {  	[tilespmem:s26], [sflag:$0x6] =	stream.indirect_vreg.gather [hbm4b:s10+s4], $0x80, v3, vm0, $0xb8;
	[tilespmem:$0x18200] =	vst v63  }
0x38e: {  	_ =	swait.ge [sflag:s17], $0x4000  }
0x38f: {  	s26 =	sld [smem:$0x7F8]  }
0x390: {  	[sflag:s17] =	ssyncset.done $0x0  }
0x391: {  	s11 =	simm.s32 $0x8200;
	[sflag:s17] =	ssyncadd.s32 $0xFFFFC000  }
0x392: {  	[hbm4b:s26+s4] =	stream.linear.scatter [tilespmem:s11], [sflag:$0x9], $0x4000, $0x38;
	[tilespmem:$0x18200] =	vst v63  }
0x393: {  	_ =	swait.ge [sflag:s16], $0x4000  }
0x394: {  	[sflag:s16] =	ssyncset.done $0x0  }
0x395: {  	[sflag:s16] =	ssyncadd.s32 $0xFFFFC000  }
0x396: {  	v3 =	vld [tilespmem:$0x1F0];
	_ =	sdelay $0x4  }
0x397: {  	v62 =	vshll.u32 v3, $0x3  }
0x398: {  	v3 =	vand.u32 $0x7, v3;
	v4 =	vand.u32 $0xFFFFFFC0, v62  }
0x399: {  	v3 =	vor.u32 v3, v4  }
0x39a: {  	v4 =	vperm.xlane v3, v0;
	_ =	sdelay $0x1  }
0x39b: {  	v4 =	vadd.s32 v1, v4;
	_ =	sdelay $0x4  }
0x39c: {  	[tilespmem:s13], [sflag:$0x1] =	stream.indirect_vreg.gather [hbm4b:s1+s4], $0x80, v4, vm0, $0xb8;
	[tilespmem:$0x18200] =	vst v63  }
0x39d: {  	s26 =	simm.s32 $0xA00;
	v3 =	vperm.xlane v3, v2  }
0x39e: {  	[tilespmem:s26], [sflag:$0x1] =	stream.indirect_vreg.gather [hbm4b:s5+s4], $0x80, v4, vm0, $0xb8;
	[tilespmem:$0x18200] =	vst v63  }
0x39f: {  	v3 =	vadd.s32 v1, v3;
	s26 =	simm.s32 $0x1200  }
0x3a0: {  	[tilespmem:s26], [sflag:$0x1] =	stream.indirect_vreg.gather [hbm4b:s6+s4], $0x80, v4, vm0, $0xb8;
	[tilespmem:$0x18200] =	vst v63  }
0x3a1: {  	s26 =	simm.s32 $0x1A00  }
0x3a2: {  	[tilespmem:s26], [sflag:$0x1] =	stream.indirect_vreg.gather [hbm4b:s7+s4], $0x80, v4, vm0, $0xb8;
	[tilespmem:$0x18200] =	vst v63  }
0x3a3: {  	s15 =	simm.s32 $0x2200  }
0x3a4: {  	[tilespmem:s15], [sflag:$0x1] =	stream.indirect_vreg.gather [hbm4b:s1+s4], $0x80, v3, vm0, $0xb8;
	[tilespmem:$0x18200] =	vst v63  }
0x3a5: {  	s23 =	simm.s32 $0x2A00  }
0x3a6: {  	[tilespmem:s23], [sflag:$0x1] =	stream.indirect_vreg.gather [hbm4b:s5+s4], $0x80, v3, vm0, $0xb8;
	[tilespmem:$0x18200] =	vst v63  }
0x3a7: {  	s26 =	simm.s32 $0x3200  }
0x3a8: {  	[tilespmem:s26], [sflag:$0x1] =	stream.indirect_vreg.gather [hbm4b:s6+s4], $0x80, v3, vm0, $0xb8;
	[tilespmem:$0x18200] =	vst v63  }
0x3a9: {  	s15 =	simm.s32 $0x3A00  }
0x3aa: {  	[tilespmem:s15], [sflag:$0x1] =	stream.indirect_vreg.gather [hbm4b:s7+s4], $0x80, v3, vm0, $0xb8;
	[tilespmem:$0x18200] =	vst v63  }
0x3ab: {  	_ =	swait.ge [sflag:s19], $0x4000  }
0x3ac: {  	s23 =	sld [smem:$0x7F9]  }
0x3ad: {  	[sflag:s19] =	ssyncset.done $0x0  }
0x3ae: {  	s0 =	simm.s32 $0xC200;
	[sflag:s19] =	ssyncadd.s32 $0xFFFFC000  }
0x3af: {  	[hbm4b:s23+s4] =	stream.linear.scatter [tilespmem:s0], [sflag:$0xA], $0x4000, $0x38;
	[tilespmem:$0x18200] =	vst v63  }
0x3b0: {  	s0 =	sld [smem:$0x7F6];
	_ =	swait.ge [sflag:s18], $0x4000  }
0x3b1: {  	[sflag:s18] =	ssyncset.done $0x0  }
0x3b2: {  	[sflag:s18] =	ssyncadd.s32 $0xFFFFC000  }
0x3b3: {  	v3 =	vld [tilespmem:$0x1F0];
	_ =	sdelay $0x4  }
0x3b4: {  	v63 =	vshll.u32 v3, $0x3  }
0x3b5: {  	v3 =	vand.u32 $0x7, v3;
	v4 =	vand.u32 $0xFFFFFFC0, v63  }
0x3b6: {  	v3 =	vor.u32 v3, v4  }
0x3b7: {  	v4 =	vperm.xlane v3, v0;
	_ =	sdelay $0x1  }
0x3b8: {  	v4 =	vadd.s32 v1, v4;
	_ =	sdelay $0x4  }
0x3b9: {  	[tilespmem:s12], [sflag:$0x2] =	stream.indirect_vreg.gather [hbm4b:s2+s4], $0x80, v4, vm0, $0xb8;
	[tilespmem:$0x18200] =	vst v63  }
0x3ba: {  	s26 =	simm.s32 $0x4A00;
	v3 =	vperm.xlane v3, v2  }
0x3bb: {  	[tilespmem:s26], [sflag:$0x2] =	stream.indirect_vreg.gather [hbm4b:s8+s4], $0x80, v4, vm0, $0xb8;
	[tilespmem:$0x18200] =	vst v63  }
0x3bc: {  	v3 =	vadd.s32 v1, v3  }
0x3bd: {  	[tilespmem:s21], [sflag:$0x2] =	stream.indirect_vreg.gather [hbm4b:s9+s4], $0x80, v4, vm0, $0xb8;
	[tilespmem:$0x18200] =	vst v63  }
0x3be: {  	s15 =	simm.s32 $0x5A00  }
0x3bf: {  	[tilespmem:s15], [sflag:$0x2] =	stream.indirect_vreg.gather [hbm4b:s10+s4], $0x80, v4, vm0, $0xb8;
	[tilespmem:$0x18200] =	vst v63  }
0x3c0: {  	s21 =	simm.s32 $0x6200  }
0x3c1: {  	[tilespmem:s21], [sflag:$0x2] =	stream.indirect_vreg.gather [hbm4b:s2+s4], $0x80, v3, vm0, $0xb8;
	[tilespmem:$0x18200] =	vst v63  }
0x3c2: {  	s23 =	simm.s32 $0x6A00  }
0x3c3: {  	[tilespmem:s23], [sflag:$0x2] =	stream.indirect_vreg.gather [hbm4b:s8+s4], $0x80, v3, vm0, $0xb8;
	[tilespmem:$0x18200] =	vst v63  }
0x3c4: {  	s26 =	simm.s32 $0x7200  }
0x3c5: {  	[tilespmem:s26], [sflag:$0x2] =	stream.indirect_vreg.gather [hbm4b:s9+s4], $0x80, v3, vm0, $0xb8;
	[tilespmem:$0x18200] =	vst v63  }
0x3c6: {  	s15 =	simm.s32 $0x7A00  }
0x3c7: {  	[tilespmem:s15], [sflag:$0x2] =	stream.indirect_vreg.gather [hbm4b:s10+s4], $0x80, v3, vm0, $0xb8;
	[tilespmem:$0x18200] =	vst v63  }
0x3c8: {  	_ =	swait.ge [sflag:s20], $0x4000  }
0x3c9: {  	s21 =	sld [smem:$0x7FA]  }
0x3ca: {  	[sflag:s20] =	ssyncset.done $0x0  }
0x3cb: {  	[sflag:s20] =	ssyncadd.s32 $0xFFFFC000  }
0x3cc: {  	[hbm4b:s21+s4] =	stream.linear.scatter [tilespmem:s29], [sflag:$0xB], $0x4000, $0x38;
	[tilespmem:$0x18200] =	vst v63  }
0x3cd: {  	_ =	swait.ge [sflag:s22], $0x4000  }
0x3ce: {  	s23 =	sld [smem:$0x7FB]  }
0x3cf: {  	[sflag:s22] =	ssyncset.done $0x0  }
0x3d0: {  	[sflag:s22] =	ssyncadd.s32 $0xFFFFC000  }
0x3d1: {  	[hbm4b:s23+s4] =	stream.linear.scatter [tilespmem:s30], [sflag:$0xC], $0x4000, $0x38;
	[tilespmem:$0x18200] =	vst v63  }
0x3d2: {  	_ =	swait.ge [sflag:s28], $0x4000  }
0x3d3: {  	s29 =	sld [smem:$0x7FC]  }
0x3d4: {  	[sflag:s28] =	ssyncset.done $0x0  }
0x3d5: {  	[sflag:s28] =	ssyncadd.s32 $0xFFFFC000  }
0x3d6: {  	[hbm4b:s29+s4] =	stream.linear.scatter [tilespmem:s13], [sflag:$0x7], $0x4000, $0x38;
	[tilespmem:$0x18200] =	vst v63  }
0x3d7: {  	_ =	swait.ge [sflag:s31], $0x4000  }
0x3d8: {  	s30 =	sld [smem:$0x7FD]  }
0x3d9: {  	[sflag:s31] =	ssyncset.done $0x0  }
0x3da: {  	[sflag:s31] =	ssyncadd.s32 $0xFFFFC000  }
0x3db: {  	[hbm4b:s30+s4] =	stream.linear.scatter [tilespmem:s12], [sflag:$0x8], $0x4000, $0x38;
	[tilespmem:$0x18200] =	vst v63  }
0x3dc: {  	_ =	swait.ge [sflag:s14], $0x4000  }
0x3dd: {  	[sflag:s14] =	ssyncset.done $0x0  }
0x3de: {  	[sflag:s14] =	ssyncadd.s32 $0xFFFFC000  }
0x3df: {  	_ =	swait.ge [sflag:s24], $0x4000  }
0x3e0: {  	[sflag:s24] =	ssyncset.done $0x0  }
0x3e1: {  	[sflag:s24] =	ssyncadd.s32 $0xFFFFC000  }
0x3e2: {  	_ =	swait.ge [sflag:s25], $0x4000  }
0x3e3: {  	[sflag:s25] =	ssyncset.done $0x0  }
0x3e4: {  	[sflag:s25] =	ssyncadd.s32 $0xFFFFC000  }
0x3e5: {  	_ =	swait.ge [sflag:s3], $0x4000  }
0x3e6: {  	[sflag:s3] =	ssyncset.done $0x0  }
0x3e7: {  	[sflag:s3] =	ssyncadd.s32 $0xFFFFC000  }
0x3e8: {  	p0 =	sne.s32 s0, $0x1;
	_ =	swait.ge [sflag:s16], $0x4000  }
.Ltmp0:
0x3e9: {  	[sflag:s16] =	ssyncset.done $0x0;
	(pc) =	sbr.rel @p0 .LBB2_1-.Ltmp0, $4  }
0x3ea: {  	[sflag:s16] =	ssyncadd.s32 $0xFFFFC000  }
0x3eb: {  	_ =	swait.ge [sflag:s18], $0x4000  }
0x3ec: {  	[sflag:s18] =	ssyncset.done $0x0  }
0x3ed: {  	s0 =	sadd.s32 $0xFFFFFFFF, s0;
	[sflag:s18] =	ssyncadd.s32 $0xFFFFC000  }
0x3ee: {  	_ =	sfence.sel $0x180000  }
0x3ef: {  	[bflag:$0x0] =	sbarrier.arrive $0xFFFF  }
0x3f0: {  	_ =	strace $0x90000047  }
0x3f1: {  	s0 =	stileid.u32;
	[bflag:$0x2] =	sbarrier.arrive $0xFFFF  }
0x3f2: {  	p0 =	sne.s32 s0, $0x0;
	s0 =	rddreg [dreg:$0x5]  }
0x3f3: {  	s0 =	sadd.s32 @!p0 $0x100000, s0  }
0x3f4: {  	[sflag:s0] =	ssyncadd.tile.s32 @!p0 $0x1;
	_ =	shalt  }
.Lfunc_end2:
_tile_overlayer_lowered:
.L_overlay_start_2:
0x3f5: {  	(tag) =	ssettag $0x2  }
0x3f6: {  	s0 =	rddreg [dreg:$0x0];
	s2 =	stileid.u32  }
0x3f7: {  	s1 =	rddreg [dreg:$0x1];
	p0 =	sne.s32 s2, $0x0  }
0x3f8: {  	s3 =	rddreg [dreg:$0x2];
	[bflag:$0x3] =	sbarrier.arrive $0xFFFF;
	s2 =	simm.s32 @!p0 $0x1C0D  }
0x3f9: {  	[timem:s3], [sflag:s2] =	dma.local @!p0 [hbm:s0], s1  }
0x3fa: {  	s0 =	simm.s32 @!p0 $0xD  }
0x3fb: {  	_ =	swait.ge @!p0 [sflag:s0], s1  }
0x3fc: {  	s1 =	ssub.s32 @!p0 $0x0, s1;
	[sflag:s0] =	ssyncset.done @!p0 $0x0  }
0x3fd: {  	[sflag:s0] =	ssyncadd.s32 @!p0 s1  }
0x3fe: {  	[bflag:$0x3] =	sbarrier.arrive $0xFFFF  }
0x3ff: {  	_ =	shalt  }

</sc_bundles>
